<compile_context>
chip_gen: v7x
topology: tpu7x:2x2x1
jax: 0.10.2.dev20260603
libtpu: 0.0.44.dev20260713+nightly
codegen_flags: <defaults>
</compile_context>

<pallas_src>
import functools

import jax
import jax.numpy as jnp
from jax import lax
from jax.experimental import pallas as pl
from jax.experimental.pallas import tpu as pltpu
from jax.experimental.pallas import tpu_sc as plsc

N = 10000
NH = N // 2
E = 320000
D = 128

K = 128
EPT = 10240
EREAL = E // 32
LCH = EPT // K
NB = 4
ACC_ROWS = 5120
ZBPT = ACC_ROWS // 128 // 16 + 1
ORPT = 312


def _sc_filter_body(ei_hbm, slists_hbm, dlists_hbm, n4_hbm,
                    src_v, dst_v, slo_v, shi_v, dlo_v, dhi_v, n4_v, osem):
    c = lax.axis_index("c")
    s = lax.axis_index("s")
    tid = s * 2 + c

    pltpu.sync_copy(ei_hbm.at[0, pl.ds(tid * EREAL, EREAL)], src_v)
    pltpu.sync_copy(ei_hbm.at[1, pl.ds(tid * EREAL, EREAL)], dst_v)

    lane0 = lax.iota(jnp.int32, 16)

    def _pf(i, carry):
        off = pl.ds(i * 16, 16)
        ent = i * 16 + lane0
        dummy_src = jnp.bitwise_and(ent, 8191)
        dummy_dst = NH + jnp.bitwise_and(ent, 63)
        slo_v[off] = dummy_src
        shi_v[off] = dummy_src
        dlo_v[off] = dummy_dst
        dhi_v[off] = dummy_dst
        return carry
    lax.fori_loop(0, EPT // 16, _pf, 0)

    lane = lax.iota(jnp.int32, 16)

    def _flt(i, carry):
        cnt_lo, cnt_hi = carry
        sv = src_v[pl.ds(i * 16, 16)]
        dv = dst_v[pl.ds(i * 16, 16)]
        mlo = dv < NH
        mloi = jnp.where(mlo, 1, 0)
        incl = plsc.cumsum(mloi)
        excl = incl - mloi
        trash = EPT + NB * K + lane
        idx_lo = jnp.where(mlo, cnt_lo + excl, trash)
        idx_hi = jnp.where(mlo, trash, cnt_hi + (lane - excl))
        plsc.store_scatter(slo_v, [idx_lo], sv)
        plsc.store_scatter(dlo_v, [idx_lo], dv)
        plsc.store_scatter(shi_v, [idx_hi], sv)
        plsc.store_scatter(dhi_v, [idx_hi], dv - NH)
        nlo = incl[15]
        return cnt_lo + nlo, cnt_hi + (16 - nlo)
    cnt_lo, cnt_hi = lax.fori_loop(0, EREAL // 16, _flt, (0, 0))

    def _pf(i, carry):
        ent = i * 16 + lane
        dummy_src = jnp.bitwise_and(ent, 8191)
        dummy_dst = NH + jnp.bitwise_and(ent, 63)
        plsc.store_scatter(slo_v, [cnt_lo + ent], dummy_src)
        plsc.store_scatter(dlo_v, [cnt_lo + ent], dummy_dst)
        plsc.store_scatter(shi_v, [cnt_hi + ent], dummy_src)
        plsc.store_scatter(dhi_v, [cnt_hi + ent], dummy_dst)
        return carry
    lax.fori_loop(0, (NB * K) // 16, _pf, 0)

    cp1 = pltpu.async_copy(slo_v.at[pl.ds(0, EPT)], slists_hbm.at[0, tid],
                           osem)
    cp2 = pltpu.async_copy(dlo_v.at[pl.ds(0, EPT)], dlists_hbm.at[0, tid],
                           osem)
    cp3 = pltpu.async_copy(shi_v.at[pl.ds(0, EPT)], slists_hbm.at[1, tid],
                           osem)
    cp4 = pltpu.async_copy(dhi_v.at[pl.ds(0, EPT)], dlists_hbm.at[1, tid],
                           osem)

    n4_v[pl.ds(0, 16)] = jnp.full((16,), (cnt_lo + NB * K - 1) // (NB * K),
                                  jnp.int32)
    pltpu.sync_copy(n4_v, n4_hbm.at[0, tid])
    n4_v[pl.ds(0, 16)] = jnp.full((16,), (cnt_hi + NB * K - 1) // (NB * K),
                                  jnp.int32)
    pltpu.sync_copy(n4_v, n4_hbm.at[1, tid])
    cp1.wait()
    cp2.wait()
    cp3.wait()
    cp4.wait()


@functools.cache
def _sc_filter():
    return pl.kernel(
        _sc_filter_body,
        out_type=[jax.ShapeDtypeStruct((2, 32, EPT), jnp.int32),
                  jax.ShapeDtypeStruct((2, 32, EPT), jnp.int32),
                  jax.ShapeDtypeStruct((2, 32, 16), jnp.int32)],
        mesh=plsc.VectorSubcoreMesh(core_axis_name="c", subcore_axis_name="s"),
        compiler_params=pltpu.CompilerParams(use_tc_tiling_on_sc=False,
                                             needs_layout_passes=False),
        scratch_types=[
            pltpu.VMEM((EREAL,), jnp.int32),
            pltpu.VMEM((EREAL,), jnp.int32),
            pltpu.VMEM((EPT + NB * K + 16,), jnp.int32),
            pltpu.VMEM((EPT + NB * K + 16,), jnp.int32),
            pltpu.VMEM((EPT + NB * K + 16,), jnp.int32),
            pltpu.VMEM((EPT + NB * K + 16,), jnp.int32),
            pltpu.VMEM((16,), jnp.int32),
            pltpu.SemaphoreType.DMA,
        ],
    )


def _sc_segsum_body(u_hbm, slists_hbm, dlists_hbm, n4_hbm, out_hbm, *rest):
    src_v, dst_v = rest[0], rest[1]
    bufs = rest[2:2 + NB]
    n4_s = rest[2 + NB]
    acc_sh = rest[3 + NB]
    gsems = rest[4 + NB:4 + 2 * NB]
    ssems = rest[4 + 2 * NB:4 + 3 * NB]

    c = lax.axis_index("c")
    s = lax.axis_index("s")

    def _zb(i, carry):
        bufs[0][i // 8, pl.ds((i % 8) * 16, 16)] = jnp.zeros((16,), jnp.float32)
        return carry
    lax.fori_loop(0, 128 * 8, _zb, 0)

    for kblk in range(ZBPT):
        blk = s + 16 * kblk
        if kblk < ZBPT - 1:
            pltpu.sync_copy(bufs[0], acc_sh.at[pl.ds(blk * 128, 128)])
        else:
            @pl.when(blk < ACC_ROWS // 128)
            def _():
                pltpu.sync_copy(bufs[0], acc_sh.at[pl.ds(blk * 128, 128)])
    plsc.subcore_barrier()

    def _gwait(b):
        pltpu.make_async_copy(u_hbm.at[src_v.at[0]], bufs[b],
                              gsems[b]).wait()

    def _swait(b):
        pltpu.make_async_copy(bufs[b], acc_sh.at[dst_v.at[0]],
                              ssems[b]).wait()

    for t2 in (2 * s, 2 * s + 1):
        pltpu.sync_copy(slists_hbm.at[c, t2], src_v)
        pltpu.sync_copy(dlists_hbm.at[c, t2], dst_v)
        pltpu.sync_copy(n4_hbm.at[c, t2], n4_s)
        n4 = n4_s[pl.ds(0, 16)][0]
        nch = n4 * NB

        for b in range(NB - 1):
            @pl.when(b < nch)
            def _():
                pltpu.async_copy(u_hbm.at[src_v.at[b]], bufs[b], gsems[b])

        def _super(i, carry):
            for r in range(NB):
                j = i * NB + r
                q = (r + NB - 1) % NB

                @pl.when(j + NB - 1 < nch)
                def _():
                    @pl.when(j > 0)
                    def _():
                        _swait(q)
                    pltpu.async_copy(u_hbm.at[src_v.at[j + NB - 1]],
                                     bufs[q], gsems[q])

                _gwait(r)
                pltpu.async_copy(bufs[r], acc_sh.at[dst_v.at[j]],
                                 ssems[r], add=True)
            return carry
        lax.fori_loop(0, n4, _super, 0)

        for b in range(NB):
            @pl.when(b < nch)
            def _():
                _swait(b)

    plsc.subcore_barrier()
    base = c * NH
    pltpu.sync_copy(acc_sh.at[pl.ds(s * ORPT, ORPT)],
                    out_hbm.at[pl.ds(base + s * ORPT, ORPT)])

    @pl.when(s == 15)
    def _():
        tail = 16 * ORPT
        pltpu.sync_copy(acc_sh.at[pl.ds(tail, NH - tail)],
                        out_hbm.at[pl.ds(base + tail, NH - tail)])


@functools.cache
def _sc_segsum():
    return pl.kernel(
        _sc_segsum_body,
        out_type=jax.ShapeDtypeStruct((N, D), jnp.float32),
        mesh=plsc.VectorSubcoreMesh(core_axis_name="c", subcore_axis_name="s"),
        compiler_params=pltpu.CompilerParams(use_tc_tiling_on_sc=False),
        scratch_types=[
            pltpu.VMEM((LCH, K), jnp.int32),
            pltpu.VMEM((LCH, K), jnp.int32),
            *[pltpu.VMEM((K, D), jnp.float32) for _ in range(NB)],
            pltpu.VMEM((16,), jnp.int32),
            pltpu.VMEM_SHARED((ACC_ROWS, D), jnp.float32),
            *[pltpu.SemaphoreType.DMA for _ in range(2 * NB)],
        ],
    )


def _tc1_body(x_ref, h_ref, wa_ref, wb_ref, u_ref):
    u_ref[...] = (
        jnp.dot(x_ref[...], wa_ref[...], preferred_element_type=jnp.float32)
        + jnp.dot(h_ref[...], wb_ref[...], preferred_element_type=jnp.float32)
    )


def _tc2_body(x_ref, m_ref, wx_ref, b1_ref, w2_ref, b2_ref, o_ref):
    z = (jnp.dot(x_ref[...], wx_ref[...], preferred_element_type=jnp.float32)
         + m_ref[...] + b1_ref[...])
    hid = jnp.maximum(z, 0.0)
    o_ref[...] = (jnp.dot(hid, w2_ref[...], preferred_element_type=jnp.float32)
                  + b2_ref[...])


_ROWS_BLK = 2000


def kernel(x, h, edge_index, W1, b1, W2, b2):
    wx_t = W1[:, :D].T
    wa_t = W1[:, D:2 * D].T
    wb_t = W1[:, 2 * D:].T
    w2_t = W2.T

    grid = (N // _ROWS_BLK,)
    row_spec = pl.BlockSpec((_ROWS_BLK, D), lambda i: (i, 0))
    full_spec = pl.BlockSpec((D, D), lambda i: (0, 0))
    bias_spec = pl.BlockSpec((1, D), lambda i: (0, 0))

    u = pl.pallas_call(
        _tc1_body,
        grid=grid,
        in_specs=[row_spec, row_spec, full_spec, full_spec],
        out_specs=row_spec,
        out_shape=jax.ShapeDtypeStruct((N, D), jnp.float32),
    )(x, h, wa_t, wb_t)

    slists, dlists, n4s = _sc_filter()(edge_index)
    m = _sc_segsum()(u, slists.reshape(2, 32, LCH, K),
                     dlists.reshape(2, 32, LCH, K), n4s)

    out = pl.pallas_call(
        _tc2_body,
        grid=grid,
        in_specs=[row_spec, row_spec, full_spec, bias_spec,
                  full_spec, bias_spec],
        out_specs=row_spec,
        out_shape=jax.ShapeDtypeStruct((N, D), jnp.float32),
    )(x, m, wx_t, b1.reshape(1, D), w2_t, b2.reshape(1, D))
    return out

# --- scband reference (transcript-rebuilt; emitter-appended) ---
"""Pipeline reference for scband-subgraph-steady-state-operator-11278584119627 (READ-ONLY COPY).

The authoritative reference and input builder live on the scoring server;
editing this copy changes nothing except your own understanding.
"""

import jax, jax.numpy as jnp
import numpy as np

N = 10000
E = 320000
D_FEAT = 128
N_HIDDEN = 128
N_INPUT = 2 * D_FEAT + N_HIDDEN  # cat([x_dst, sum(cat([x_src, h_src]))]) -> 128 + (128+128) = 384


def setup_inputs(seed: int = 0) -> dict:
    key = jax.random.key(seed)
    k1, k2, k3, k4, k5, k6, k7 = jax.random.split(key, 7)
    x = jax.random.normal(k1, (N, D_FEAT), dtype=jnp.float32)
    h = jax.random.normal(k2, (N, N_HIDDEN), dtype=jnp.float32)
    edge_index = jax.random.randint(k3, (2, E), 0, N, dtype=jnp.int32)
    lim1 = 1.0 / np.sqrt(N_INPUT)
    W1 = jax.random.uniform(k4, (N_HIDDEN, N_INPUT), minval=-lim1, maxval=lim1, dtype=jnp.float32)
    b1 = jax.random.uniform(k5, (N_HIDDEN,), minval=-lim1, maxval=lim1, dtype=jnp.float32)
    lim2 = 1.0 / np.sqrt(N_HIDDEN)
    W2 = jax.random.uniform(k6, (N_HIDDEN, N_HIDDEN), minval=-lim2, maxval=lim2, dtype=jnp.float32)
    b2 = jax.random.uniform(k7, (N_HIDDEN,), minval=-lim2, maxval=lim2, dtype=jnp.float32)
    return {"x": x, "h": h, "edge_index": edge_index, "W1": W1, "b1": b1, "W2": W2, "b2": b2}


def reference(x, h, edge_index, W1, b1, W2, b2):
    src = edge_index[0]
    dst = edge_index[1]
    # message_func: m = cat([x_src, h_src], dim=1) per edge
    m_edges = jnp.concatenate([jnp.take(x, src, axis=0), jnp.take(h, src, axis=0)], axis=1)
    # reduce_func: sum over mailbox (incoming edges per dst node)
    m = jax.ops.segment_sum(m_edges, dst, num_segments=x.shape[0])
    # z = cat([x_dst, m]); h_new = linear2(relu(linear1(z)))
    z = jnp.concatenate([x, m], axis=1)
    hid = jax.nn.relu(z @ W1.T + b1)
    h_new = hid @ W2.T + b2
    return h_new

if __name__ == "__main__":
    import jax
    _d = setup_inputs()
    print(jax.jit(kernel)(*tuple(_d.values())))

</pallas_src>

<mosaic_0001>
#map = affine_map<(d0, d1) -> (0, 0)>
#map1 = affine_map<(d0, d1) -> (0, 0, 0, 0)>
#map2 = affine_map<(d0, d1) -> (0, 0, 0)>
module attributes {stable_mosaic.version = 14 : i64} {
  func.func @_sc_segsum_body(%arg0: i32, %arg1: i32, %arg2: memref<10000x128xf32, #tpu.memory_space<hbm>>, %arg3: memref<2x32x80x128xi32, #tpu.memory_space<hbm>>, %arg4: memref<2x32x80x128xi32, #tpu.memory_space<hbm>>, %arg5: memref<2x32x16xi32, #tpu.memory_space<hbm>>, %arg6: memref<10000x128xf32, #tpu.memory_space<hbm>>, %arg7: memref<80x128xi32, #tpu.memory_space<vmem>>, %arg8: memref<80x128xi32, #tpu.memory_space<vmem>>, %arg9: memref<128x128xf32, #tpu.memory_space<vmem>>, %arg10: memref<128x128xf32, #tpu.memory_space<vmem>>, %arg11: memref<128x128xf32, #tpu.memory_space<vmem>>, %arg12: memref<128x128xf32, #tpu.memory_space<vmem>>, %arg13: memref<16xi32, #tpu.memory_space<vmem>>, %arg14: memref<5120x128xf32, #tpu.memory_space<vmem_shared>>, %arg15: memref<!tpu.dma_semaphore, #tpu.memory_space<semaphore_mem>>, %arg16: memref<!tpu.dma_semaphore, #tpu.memory_space<semaphore_mem>>, %arg17: memref<!tpu.dma_semaphore, #tpu.memory_space<semaphore_mem>>, %arg18: memref<!tpu.dma_semaphore, #tpu.memory_space<semaphore_mem>>, %arg19: memref<!tpu.dma_semaphore, #tpu.memory_space<semaphore_mem>>, %arg20: memref<!tpu.dma_semaphore, #tpu.memory_space<semaphore_mem>>, %arg21: memref<!tpu.dma_semaphore, #tpu.memory_space<semaphore_mem>>, %arg22: memref<!tpu.dma_semaphore, #tpu.memory_space<semaphore_mem>>) attributes {dimension_semantics = [#tpu.dimension_semantics<core_parallel>, #tpu.dimension_semantics<subcore_parallel>], iteration_bounds = array<i64: 2, 16>, scalar_prefetch = 0 : i64, scratch_operands = 16 : i64, tpu.core_type = #tpu.core_type<sc_vector_subcore>, window_params = [{transform_indices = #map}, {transform_indices = #map1}, {transform_indices = #map1}, {transform_indices = #map2}, {transform_indices = #map}]} {
    %scan3A = arith.constant 0 : i32
    %scan3A_0 = arith.constant 0 : i32
    %scan3A_1 = arith.constant 1024 : i32
    %scan3A_2 = arith.addi %scan3A_0, %scan3A_1 : i32
    %scan3A_3 = arith.constant 1 : i32
    scf.for %scan3A_132 = %scan3A_0 to %scan3A_2 step %scan3A_3  : i32 {
      %broadcast_in_dim3A = arith.constant 0.000000e+00 : f32
      %broadcast_in_dim3A_133 = vector.broadcast %broadcast_in_dim3A : f32 to vector<16xf32>
      %jit3A = arith.constant 8 : i32
      %div3A = arith.divsi %scan3A_132, %jit3A : i32
      %sign3A = arith.constant 0 : i32
      %sign3A_134 = arith.cmpi sgt, %scan3A_132, %sign3A : i32
      %sign3A_135 = arith.extui %sign3A_134 : i1 to i32
      %sign3A_136 = arith.constant 0 : i32
      %sign3A_137 = arith.cmpi slt, %scan3A_132, %sign3A_136 : i32
      %sign3A_138 = arith.extui %sign3A_137 : i1 to i32
      %sign3A_139 = arith.subi %sign3A_135, %sign3A_138 : i32
      %sign3A_140 = arith.constant 0 : i32
      %sign3A_141 = arith.cmpi sgt, %jit3A, %sign3A_140 : i32
      %sign3A_142 = arith.extui %sign3A_141 : i1 to i32
      %sign3A_143 = arith.constant 0 : i32
      %sign3A_144 = arith.cmpi slt, %jit3A, %sign3A_143 : i32
      %sign3A_145 = arith.extui %sign3A_144 : i1 to i32
      %sign3A_146 = arith.subi %sign3A_142, %sign3A_145 : i32
      %ne3A = arith.cmpi ne, %sign3A_139, %sign3A_146 : i32
      %rem3A = arith.remsi %scan3A_132, %jit3A : i32
      %ne3A_147 = arith.constant 0 : i32
      %ne3A_148 = arith.cmpi ne, %rem3A, %ne3A_147 : i32
      %and3A = arith.andi %ne3A, %ne3A_148 : i1
      %sub3A = arith.constant 1 : i32
      %sub3A_149 = arith.subi %div3A, %sub3A : i32
      %select_n3A = arith.select %and3A, %sub3A_149, %div3A : i32
      %jit3A_150 = arith.constant 8 : i32
      %eq3A_151 = arith.constant 0 : i32
      %eq3A_152 = arith.cmpi eq, %jit3A_150, %eq3A_151 : i32
      %jit3A_153 = arith.constant 1 : i32
      %select_n3A_154 = arith.select %eq3A_152, %jit3A_153, %jit3A_150 : i32
      %rem3A_155 = arith.remsi %scan3A_132, %select_n3A_154 : i32
      %ne3A_156 = arith.constant 0 : i32
      %ne3A_157 = arith.cmpi ne, %rem3A_155, %ne3A_156 : i32
      %lt3A_158 = arith.constant 0 : i32
      %lt3A_159 = arith.cmpi slt, %rem3A_155, %lt3A_158 : i32
      %lt3A_160 = arith.constant 0 : i32
      %lt3A_161 = arith.cmpi slt, %select_n3A_154, %lt3A_160 : i32
      %ne3A_162 = arith.xori %lt3A_159, %lt3A_161 : i1
      %and3A_163 = arith.andi %ne3A_162, %ne3A_157 : i1
      %add3A_164 = arith.addi %rem3A_155, %select_n3A_154 : i32
      %select_n3A_165 = arith.select %and3A_163, %add3A_164, %rem3A_155 : i32
      %mul3A_166 = arith.constant 16 : i32
      %mul3A_167 = arith.muli %select_n3A_165, %mul3A_166 : i32
      %swap3A = arith.index_cast %select_n3A : i32 to index
      %swap3A_168 = arith.index_cast %mul3A_167 : i32 to index
      %swap3A_169 = tpu.vector_load %arg9[%swap3A, %swap3A_168] {strides = array<i32>} : memref<128x128xf32, #tpu.memory_space<vmem>>, vector<1x16xf32>,
      %swap3A_170 = vector.shape_cast %swap3A_169 : vector<1x16xf32> to vector<16xf32>
      %swap3A_171 = vector.shape_cast %broadcast_in_dim3A_133 : vector<16xf32> to vector<1x16xf32>
      tpu.vector_store %arg9[%swap3A, %swap3A_168], %swap3A_171 {strides = array<i32>} : memref<128x128xf32, #tpu.memory_space<vmem>>, vector<1x16xf32>,
    }
    %scan3A_4 = arith.constant 1024 : i32
    %add3A = arith.constant 0 : i32
    %add3A_5 = arith.addi %arg1, %add3A : i32
    %mul3A = arith.constant 128 : i32
    %mul3A_6 = arith.muli %add3A_5, %mul3A : i32
    "tpu.region"() ({
      %run_scoped3A = tpu.sem_alloc : memref<!tpu.dma_semaphore, #tpu.memory_space<semaphore_mem>>
      %dma_start3A = arith.constant 0 : i32
      %dma_start3A_132 = tpu.memref_slice %arg14[%mul3A_6, %dma_start3A] : memref<5120x128xf32, #tpu.memory_space<vmem_shared>> -> memref<128x128xf32, #tpu.memory_space<vmem_shared>>
      %dma_start3A_133 = arith.constant 0 : i32
      %dma_start3A_134 = tpu.memref_slice %arg14[%mul3A_6, %dma_start3A_133] : memref<5120x128xf32, #tpu.memory_space<vmem_shared>> -> memref<128x128xf32, #tpu.memory_space<vmem_shared>>
      tpu.enqueue_dma source(%arg9 : memref<128x128xf32, #tpu.memory_space<vmem>>) target(%dma_start3A_134 : memref<128x128xf32, #tpu.memory_space<vmem_shared>>) target_semaphore(%run_scoped3A : memref<!tpu.dma_semaphore, #tpu.memory_space<semaphore_mem>>)
      %dma_wait3A = arith.constant 0 : i32
      %dma_wait3A_135 = tpu.memref_slice %arg14[%mul3A_6, %dma_wait3A] : memref<5120x128xf32, #tpu.memory_space<vmem_shared>> -> memref<128x128xf32, #tpu.memory_space<vmem_shared>>
      %dma_wait3A_136 = arith.constant 0 : i32
      %dma_wait3A_137 = tpu.memref_slice %arg14[%mul3A_6, %dma_wait3A_136] : memref<5120x128xf32, #tpu.memory_space<vmem_shared>> -> memref<128x128xf32, #tpu.memory_space<vmem_shared>>
      tpu.wait_dma2 semaphore(%run_scoped3A : memref<!tpu.dma_semaphore, #tpu.memory_space<semaphore_mem>>) src(%arg9 : memref<128x128xf32, #tpu.memory_space<vmem>>) dst(%dma_wait3A_137 : memref<128x128xf32, #tpu.memory_space<vmem_shared>>)
      tpu.yield
    }) : () -> ()
    %add3A_7 = arith.constant 16 : i32
    %add3A_8 = arith.addi %arg1, %add3A_7 : i32
    %mul3A_9 = arith.constant 128 : i32
    %mul3A_10 = arith.muli %add3A_8, %mul3A_9 : i32
    "tpu.region"() ({
      %run_scoped3A = tpu.sem_alloc : memref<!tpu.dma_semaphore, #tpu.memory_space<semaphore_mem>>
      %dma_start3A = arith.constant 0 : i32
      %dma_start3A_132 = tpu.memref_slice %arg14[%mul3A_10, %dma_start3A] : memref<5120x128xf32, #tpu.memory_space<vmem_shared>> -> memref<128x128xf32, #tpu.memory_space<vmem_shared>>
      %dma_start3A_133 = arith.constant 0 : i32
      %dma_start3A_134 = tpu.memref_slice %arg14[%mul3A_10, %dma_start3A_133] : memref<5120x128xf32, #tpu.memory_space<vmem_shared>> -> memref<128x128xf32, #tpu.memory_space<vmem_shared>>
      tpu.enqueue_dma source(%arg9 : memref<128x128xf32, #tpu.memory_space<vmem>>) target(%dma_start3A_134 : memref<128x128xf32, #tpu.memory_space<vmem_shared>>) target_semaphore(%run_scoped3A : memref<!tpu.dma_semaphore, #tpu.memory_space<semaphore_mem>>)
      %dma_wait3A = arith.constant 0 : i32
      %dma_wait3A_135 = tpu.memref_slice %arg14[%mul3A_10, %dma_wait3A] : memref<5120x128xf32, #tpu.memory_space<vmem_shared>> -> memref<128x128xf32, #tpu.memory_space<vmem_shared>>
      %dma_wait3A_136 = arith.constant 0 : i32
      %dma_wait3A_137 = tpu.memref_slice %arg14[%mul3A_10, %dma_wait3A_136] : memref<5120x128xf32, #tpu.memory_space<vmem_shared>> -> memref<128x128xf32, #tpu.memory_space<vmem_shared>>
      tpu.wait_dma2 semaphore(%run_scoped3A : memref<!tpu.dma_semaphore, #tpu.memory_space<semaphore_mem>>) src(%arg9 : memref<128x128xf32, #tpu.memory_space<vmem>>) dst(%dma_wait3A_137 : memref<128x128xf32, #tpu.memory_space<vmem_shared>>)
      tpu.yield
    }) : () -> ()
    %add3A_11 = arith.constant 32 : i32
    %add3A_12 = arith.addi %arg1, %add3A_11 : i32
    %lt3A = arith.constant 40 : i32
    %lt3A_13 = arith.cmpi slt, %add3A_12, %lt3A : i32
    %convert_element_type3A = arith.extui %lt3A_13 : i1 to i32
    %cond3A = arith.constant 0 : i32
    %cond3A_14 = arith.cmpi ne, %convert_element_type3A, %cond3A : i32
    scf.if %cond3A_14 {
      %mul3A_132 = arith.constant 128 : i32
      %mul3A_133 = arith.muli %add3A_12, %mul3A_132 : i32
      "tpu.region"() ({
        %run_scoped3A = tpu.sem_alloc : memref<!tpu.dma_semaphore, #tpu.memory_space<semaphore_mem>>
        %dma_start3A = arith.constant 0 : i32
        %dma_start3A_134 = tpu.memref_slice %arg14[%mul3A_133, %dma_start3A] : memref<5120x128xf32, #tpu.memory_space<vmem_shared>> -> memref<128x128xf32, #tpu.memory_space<vmem_shared>>
        %dma_start3A_135 = arith.constant 0 : i32
        %dma_start3A_136 = tpu.memref_slice %arg14[%mul3A_133, %dma_start3A_135] : memref<5120x128xf32, #tpu.memory_space<vmem_shared>> -> memref<128x128xf32, #tpu.memory_space<vmem_shared>>
        tpu.enqueue_dma source(%arg9 : memref<128x128xf32, #tpu.memory_space<vmem>>) target(%dma_start3A_136 : memref<128x128xf32, #tpu.memory_space<vmem_shared>>) target_semaphore(%run_scoped3A : memref<!tpu.dma_semaphore, #tpu.memory_space<semaphore_mem>>)
        %dma_wait3A = arith.constant 0 : i32
        %dma_wait3A_137 = tpu.memref_slice %arg14[%mul3A_133, %dma_wait3A] : memref<5120x128xf32, #tpu.memory_space<vmem_shared>> -> memref<128x128xf32, #tpu.memory_space<vmem_shared>>
        %dma_wait3A_138 = arith.constant 0 : i32
        %dma_wait3A_139 = tpu.memref_slice %arg14[%mul3A_133, %dma_wait3A_138] : memref<5120x128xf32, #tpu.memory_space<vmem_shared>> -> memref<128x128xf32, #tpu.memory_space<vmem_shared>>
        tpu.wait_dma2 semaphore(%run_scoped3A : memref<!tpu.dma_semaphore, #tpu.memory_space<semaphore_mem>>) src(%arg9 : memref<128x128xf32, #tpu.memory_space<vmem>>) dst(%dma_wait3A_139 : memref<128x128xf32, #tpu.memory_space<vmem_shared>>)
        tpu.yield
      }) : () -> ()
    } else {
    }
    %barrier3A = arith.constant 0 : index
    tpu.barrier barrier_id(%barrier3A)
    %mul3A_15 = arith.constant 2 : i32
    %mul3A_16 = arith.muli %mul3A_15, %arg1 : i32
    %mul3A_17 = arith.constant 2 : i32
    %mul3A_18 = arith.muli %mul3A_17, %arg1 : i32
    %add3A_19 = arith.constant 1 : i32
    %add3A_20 = arith.addi %mul3A_18, %add3A_19 : i32
    "tpu.region"() ({
      %run_scoped3A = tpu.sem_alloc : memref<!tpu.dma_semaphore, #tpu.memory_space<semaphore_mem>>
      %dma_start3A = arith.constant 0 : i32
      %dma_start3A_132 = arith.constant 0 : i32
      %dma_start3A_133 = tpu.memref_slice %arg3[%arg0, %mul3A_16, %dma_start3A, %dma_start3A_132] : memref<2x32x80x128xi32, #tpu.memory_space<hbm>> -> memref<1x1x80x128xi32, #tpu.memory_space<hbm>>
      %dma_start3A_134 = tpu.memref_squeeze %dma_start3A_133 : memref<1x1x80x128xi32, #tpu.memory_space<hbm>> -> memref<80x128xi32, #tpu.memory_space<hbm>>
      %dma_start3A_135 = arith.constant 0 : i32
      %dma_start3A_136 = arith.constant 0 : i32
      %dma_start3A_137 = tpu.memref_slice %arg3[%arg0, %mul3A_16, %dma_start3A_135, %dma_start3A_136] : memref<2x32x80x128xi32, #tpu.memory_space<hbm>> -> memref<1x1x80x128xi32, #tpu.memory_space<hbm>>
      %dma_start3A_138 = tpu.memref_squeeze %dma_start3A_137 : memref<1x1x80x128xi32, #tpu.memory_space<hbm>> -> memref<80x128xi32, #tpu.memory_space<hbm>>
      tpu.enqueue_dma source(%dma_start3A_138 : memref<80x128xi32, #tpu.memory_space<hbm>>) target(%arg7 : memref<80x128xi32, #tpu.memory_space<vmem>>) target_semaphore(%run_scoped3A : memref<!tpu.dma_semaphore, #tpu.memory_space<semaphore_mem>>)
      %dma_wait3A = arith.constant 0 : i32
      %dma_wait3A_139 = arith.constant 0 : i32
      %dma_wait3A_140 = tpu.memref_slice %arg3[%arg0, %mul3A_16, %dma_wait3A, %dma_wait3A_139] : memref<2x32x80x128xi32, #tpu.memory_space<hbm>> -> memref<1x1x80x128xi32, #tpu.memory_space<hbm>>
      %dma_wait3A_141 = tpu.memref_squeeze %dma_wait3A_140 : memref<1x1x80x128xi32, #tpu.memory_space<hbm>> -> memref<80x128xi32, #tpu.memory_space<hbm>>
      %dma_wait3A_142 = arith.constant 0 : i32
      %dma_wait3A_143 = arith.constant 0 : i32
      %dma_wait3A_144 = tpu.memref_slice %arg3[%arg0, %mul3A_16, %dma_wait3A_142, %dma_wait3A_143] : memref<2x32x80x128xi32, #tpu.memory_space<hbm>> -> memref<1x1x80x128xi32, #tpu.memory_space<hbm>>
      %dma_wait3A_145 = tpu.memref_squeeze %dma_wait3A_144 : memref<1x1x80x128xi32, #tpu.memory_space<hbm>> -> memref<80x128xi32, #tpu.memory_space<hbm>>
      tpu.wait_dma2 semaphore(%run_scoped3A : memref<!tpu.dma_semaphore, #tpu.memory_space<semaphore_mem>>) src(%dma_wait3A_145 : memref<80x128xi32, #tpu.memory_space<hbm>>) dst(%arg7 : memref<80x128xi32, #tpu.memory_space<vmem>>)
      tpu.yield
    }) : () -> ()
    "tpu.region"() ({
      %run_scoped3A = tpu.sem_alloc : memref<!tpu.dma_semaphore, #tpu.memory_space<semaphore_mem>>
      %dma_start3A = arith.constant 0 : i32
      %dma_start3A_132 = arith.constant 0 : i32
      %dma_start3A_133 = tpu.memref_slice %arg4[%arg0, %mul3A_16, %dma_start3A, %dma_start3A_132] : memref<2x32x80x128xi32, #tpu.memory_space<hbm>> -> memref<1x1x80x128xi32, #tpu.memory_space<hbm>>
      %dma_start3A_134 = tpu.memref_squeeze %dma_start3A_133 : memref<1x1x80x128xi32, #tpu.memory_space<hbm>> -> memref<80x128xi32, #tpu.memory_space<hbm>>
      %dma_start3A_135 = arith.constant 0 : i32
      %dma_start3A_136 = arith.constant 0 : i32
      %dma_start3A_137 = tpu.memref_slice %arg4[%arg0, %mul3A_16, %dma_start3A_135, %dma_start3A_136] : memref<2x32x80x128xi32, #tpu.memory_space<hbm>> -> memref<1x1x80x128xi32, #tpu.memory_space<hbm>>
      %dma_start3A_138 = tpu.memref_squeeze %dma_start3A_137 : memref<1x1x80x128xi32, #tpu.memory_space<hbm>> -> memref<80x128xi32, #tpu.memory_space<hbm>>
      tpu.enqueue_dma source(%dma_start3A_138 : memref<80x128xi32, #tpu.memory_space<hbm>>) target(%arg8 : memref<80x128xi32, #tpu.memory_space<vmem>>) target_semaphore(%run_scoped3A : memref<!tpu.dma_semaphore, #tpu.memory_space<semaphore_mem>>)
      %dma_wait3A = arith.constant 0 : i32
      %dma_wait3A_139 = arith.constant 0 : i32
      %dma_wait3A_140 = tpu.memref_slice %arg4[%arg0, %mul3A_16, %dma_wait3A, %dma_wait3A_139] : memref<2x32x80x128xi32, #tpu.memory_space<hbm>> -> memref<1x1x80x128xi32, #tpu.memory_space<hbm>>
      %dma_wait3A_141 = tpu.memref_squeeze %dma_wait3A_140 : memref<1x1x80x128xi32, #tpu.memory_space<hbm>> -> memref<80x128xi32, #tpu.memory_space<hbm>>
      %dma_wait3A_142 = arith.constant 0 : i32
      %dma_wait3A_143 = arith.constant 0 : i32
      %dma_wait3A_144 = tpu.memref_slice %arg4[%arg0, %mul3A_16, %dma_wait3A_142, %dma_wait3A_143] : memref<2x32x80x128xi32, #tpu.memory_space<hbm>> -> memref<1x1x80x128xi32, #tpu.memory_space<hbm>>
      %dma_wait3A_145 = tpu.memref_squeeze %dma_wait3A_144 : memref<1x1x80x128xi32, #tpu.memory_space<hbm>> -> memref<80x128xi32, #tpu.memory_space<hbm>>
      tpu.wait_dma2 semaphore(%run_scoped3A : memref<!tpu.dma_semaphore, #tpu.memory_space<semaphore_mem>>) src(%dma_wait3A_145 : memref<80x128xi32, #tpu.memory_space<hbm>>) dst(%arg8 : memref<80x128xi32, #tpu.memory_space<vmem>>)
      tpu.yield
    }) : () -> ()
    "tpu.region"() ({
      %run_scoped3A = tpu.sem_alloc : memref<!tpu.dma_semaphore, #tpu.memory_space<semaphore_mem>>
      %dma_start3A = arith.constant 0 : i32
      %dma_start3A_132 = tpu.memref_slice %arg5[%arg0, %mul3A_16, %dma_start3A] : memref<2x32x16xi32, #tpu.memory_space<hbm>> -> memref<1x1x16xi32, #tpu.memory_space<hbm>>
      %dma_start3A_133 = tpu.memref_squeeze %dma_start3A_132 : memref<1x1x16xi32, #tpu.memory_space<hbm>> -> memref<16xi32, #tpu.memory_space<hbm>>
      %dma_start3A_134 = arith.constant 0 : i32
      %dma_start3A_135 = tpu.memref_slice %arg5[%arg0, %mul3A_16, %dma_start3A_134] : memref<2x32x16xi32, #tpu.memory_space<hbm>> -> memref<1x1x16xi32, #tpu.memory_space<hbm>>
      %dma_start3A_136 = tpu.memref_squeeze %dma_start3A_135 : memref<1x1x16xi32, #tpu.memory_space<hbm>> -> memref<16xi32, #tpu.memory_space<hbm>>
      tpu.enqueue_dma source(%dma_start3A_136 : memref<16xi32, #tpu.memory_space<hbm>>) target(%arg13 : memref<16xi32, #tpu.memory_space<vmem>>) target_semaphore(%run_scoped3A : memref<!tpu.dma_semaphore, #tpu.memory_space<semaphore_mem>>)
      %dma_wait3A = arith.constant 0 : i32
      %dma_wait3A_137 = tpu.memref_slice %arg5[%arg0, %mul3A_16, %dma_wait3A] : memref<2x32x16xi32, #tpu.memory_space<hbm>> -> memref<1x1x16xi32, #tpu.memory_space<hbm>>
      %dma_wait3A_138 = tpu.memref_squeeze %dma_wait3A_137 : memref<1x1x16xi32, #tpu.memory_space<hbm>> -> memref<16xi32, #tpu.memory_space<hbm>>
      %dma_wait3A_139 = arith.constant 0 : i32
      %dma_wait3A_140 = tpu.memref_slice %arg5[%arg0, %mul3A_16, %dma_wait3A_139] : memref<2x32x16xi32, #tpu.memory_space<hbm>> -> memref<1x1x16xi32, #tpu.memory_space<hbm>>
      %dma_wait3A_141 = tpu.memref_squeeze %dma_wait3A_140 : memref<1x1x16xi32, #tpu.memory_space<hbm>> -> memref<16xi32, #tpu.memory_space<hbm>>
      tpu.wait_dma2 semaphore(%run_scoped3A : memref<!tpu.dma_semaphore, #tpu.memory_space<semaphore_mem>>) src(%dma_wait3A_141 : memref<16xi32, #tpu.memory_space<hbm>>) dst(%arg13 : memref<16xi32, #tpu.memory_space<vmem>>)
      tpu.yield
    }) : () -> ()
    %get3A = arith.constant 0 : index
    %get3A_21 = tpu.vector_load %arg13[%get3A] {strides = array<i32>} : memref<16xi32, #tpu.memory_space<vmem>>, vector<16xi32>,
    %get3A_22 = vector.shape_cast %get3A_21 : vector<16xi32> to vector<16xi32>
    %slice3A = vector.extract_strided_slice %get3A_22 {offsets = [0], sizes = [1], strides = [1]} : vector<16xi32> to vector<1xi32>
    %squeeze3A = vector.extract %slice3A[0] : i32 from vector<1xi32>
    %mul3A_23 = arith.constant 4 : i32
    %mul3A_24 = arith.muli %squeeze3A, %mul3A_23 : i32
    %gt3A = arith.constant 0 : i32
    %gt3A_25 = arith.cmpi sgt, %mul3A_24, %gt3A : i32
    %convert_element_type3A_26 = arith.extui %gt3A_25 : i1 to i32
    %cond3A_27 = arith.constant 0 : i32
    %cond3A_28 = arith.cmpi ne, %convert_element_type3A_26, %cond3A_27 : i32
    scf.if %cond3A_28 {
      %dma_start3A = arith.constant 0 : i32
      %dma_start3A_132 = arith.constant 0 : i32
      %dma_start3A_133 = tpu.memref_slice %arg7[%dma_start3A, %dma_start3A_132] : memref<80x128xi32, #tpu.memory_space<vmem>> -> memref<1x128xi32, #tpu.memory_space<vmem>>
      %dma_start3A_134 = tpu.memref_squeeze %dma_start3A_133 : memref<1x128xi32, #tpu.memory_space<vmem>> -> memref<128xi32, #tpu.memory_space<vmem>>
      %dma_start3A_135 = arith.constant 0 : i32
      %dma_start3A_136 = arith.constant 0 : i32
      %dma_start3A_137 = tpu.memref_slice %arg2[%dma_start3A_135, %dma_start3A_136] : memref<10000x128xf32, #tpu.memory_space<hbm>> -> memref<10000x128xf32, #tpu.memory_space<hbm>>
      tpu.enqueue_indirect_dma source(%dma_start3A_137 : memref<10000x128xf32, #tpu.memory_space<hbm>>) target(%arg9 : memref<128x128xf32, #tpu.memory_space<vmem>>) offsets(%dma_start3A_134 : memref<128xi32, #tpu.memory_space<vmem>>) semaphore(%arg15 : memref<!tpu.dma_semaphore, #tpu.memory_space<semaphore_mem>>)
    } else {
    }
    %gt3A_29 = arith.constant 1 : i32
    %gt3A_30 = arith.cmpi sgt, %mul3A_24, %gt3A_29 : i32
    %convert_element_type3A_31 = arith.extui %gt3A_30 : i1 to i32
    %cond3A_32 = arith.constant 0 : i32
    %cond3A_33 = arith.cmpi ne, %convert_element_type3A_31, %cond3A_32 : i32
    scf.if %cond3A_33 {
      %dma_start3A = arith.constant 1 : i32
      %dma_start3A_132 = arith.constant 0 : i32
      %dma_start3A_133 = tpu.memref_slice %arg7[%dma_start3A, %dma_start3A_132] : memref<80x128xi32, #tpu.memory_space<vmem>> -> memref<1x128xi32, #tpu.memory_space<vmem>>
      %dma_start3A_134 = tpu.memref_squeeze %dma_start3A_133 : memref<1x128xi32, #tpu.memory_space<vmem>> -> memref<128xi32, #tpu.memory_space<vmem>>
      %dma_start3A_135 = arith.constant 0 : i32
      %dma_start3A_136 = arith.constant 0 : i32
      %dma_start3A_137 = tpu.memref_slice %arg2[%dma_start3A_135, %dma_start3A_136] : memref<10000x128xf32, #tpu.memory_space<hbm>> -> memref<10000x128xf32, #tpu.memory_space<hbm>>
      tpu.enqueue_indirect_dma source(%dma_start3A_137 : memref<10000x128xf32, #tpu.memory_space<hbm>>) target(%arg10 : memref<128x128xf32, #tpu.memory_space<vmem>>) offsets(%dma_start3A_134 : memref<128xi32, #tpu.memory_space<vmem>>) semaphore(%arg16 : memref<!tpu.dma_semaphore, #tpu.memory_space<semaphore_mem>>)
    } else {
    }
    %gt3A_34 = arith.constant 2 : i32
    %gt3A_35 = arith.cmpi sgt, %mul3A_24, %gt3A_34 : i32
    %convert_element_type3A_36 = arith.extui %gt3A_35 : i1 to i32
    %cond3A_37 = arith.constant 0 : i32
    %cond3A_38 = arith.cmpi ne, %convert_element_type3A_36, %cond3A_37 : i32
    scf.if %cond3A_38 {
      %dma_start3A = arith.constant 2 : i32
      %dma_start3A_132 = arith.constant 0 : i32
      %dma_start3A_133 = tpu.memref_slice %arg7[%dma_start3A, %dma_start3A_132] : memref<80x128xi32, #tpu.memory_space<vmem>> -> memref<1x128xi32, #tpu.memory_space<vmem>>
      %dma_start3A_134 = tpu.memref_squeeze %dma_start3A_133 : memref<1x128xi32, #tpu.memory_space<vmem>> -> memref<128xi32, #tpu.memory_space<vmem>>
      %dma_start3A_135 = arith.constant 0 : i32
      %dma_start3A_136 = arith.constant 0 : i32
      %dma_start3A_137 = tpu.memref_slice %arg2[%dma_start3A_135, %dma_start3A_136] : memref<10000x128xf32, #tpu.memory_space<hbm>> -> memref<10000x128xf32, #tpu.memory_space<hbm>>
      tpu.enqueue_indirect_dma source(%dma_start3A_137 : memref<10000x128xf32, #tpu.memory_space<hbm>>) target(%arg11 : memref<128x128xf32, #tpu.memory_space<vmem>>) offsets(%dma_start3A_134 : memref<128xi32, #tpu.memory_space<vmem>>) semaphore(%arg17 : memref<!tpu.dma_semaphore, #tpu.memory_space<semaphore_mem>>)
    } else {
    }
    %while3A = arith.constant 0 : i32
    %while3A_39 = arith.constant 0 : i32
    %while3A_40 = arith.subi %squeeze3A, %while3A_39 : i32
    %while3A_41 = arith.addi %while3A_39, %while3A_40 : i32
    %while3A_42 = arith.constant 1 : i32
    %while3A_43 = arith.divsi %while3A_40, %while3A_42 : i32
    %while3A_44 = arith.muli %while3A_43, %while3A_42 : i32
    %while3A_45 = arith.addi %while3A_39, %while3A_44 : i32
    %while3A_46 = arith.constant 1 : i32
    scf.for %while3A_132 = %while3A_39 to %while3A_45 step %while3A_46  : i32 {
      %mul3A_133 = arith.constant 4 : i32
      %mul3A_134 = arith.muli %while3A_132, %mul3A_133 : i32
      %add3A_135 = arith.constant 0 : i32
      %add3A_136 = arith.addi %mul3A_134, %add3A_135 : i32
      %add3A_137 = arith.constant 4 : i32
      %add3A_138 = arith.addi %add3A_136, %add3A_137 : i32
      %sub3A = arith.constant 1 : i32
      %sub3A_139 = arith.subi %add3A_138, %sub3A : i32
      %lt3A_140 = arith.cmpi slt, %sub3A_139, %mul3A_24 : i32
      %convert_element_type3A_141 = arith.extui %lt3A_140 : i1 to i32
      %cond3A_142 = arith.constant 0 : i32
      %cond3A_143 = arith.cmpi ne, %convert_element_type3A_141, %cond3A_142 : i32
      scf.if %cond3A_143 {
        %gt3A_230 = arith.constant 0 : i32
        %gt3A_231 = arith.cmpi sgt, %add3A_136, %gt3A_230 : i32
        %convert_element_type3A_232 = arith.extui %gt3A_231 : i1 to i32
        %cond3A_233 = arith.constant 0 : i32
        %cond3A_234 = arith.cmpi ne, %convert_element_type3A_232, %cond3A_233 : i32
        scf.if %cond3A_234 {
          %dma_wait3A_245 = arith.constant 0 : i32
          %dma_wait3A_246 = arith.constant 0 : i32
          %dma_wait3A_247 = tpu.memref_slice %arg8[%dma_wait3A_245, %dma_wait3A_246] : memref<80x128xi32, #tpu.memory_space<vmem>> -> memref<1x128xi32, #tpu.memory_space<vmem>>
          %dma_wait3A_248 = tpu.memref_squeeze %dma_wait3A_247 : memref<1x128xi32, #tpu.memory_space<vmem>> -> memref<128xi32, #tpu.memory_space<vmem>>
          %dma_wait3A_249 = arith.constant 0 : i32
          %dma_wait3A_250 = arith.constant 0 : i32
          %dma_wait3A_251 = tpu.memref_slice %arg14[%dma_wait3A_249, %dma_wait3A_250] : memref<5120x128xf32, #tpu.memory_space<vmem_shared>> -> memref<5120x128xf32, #tpu.memory_space<vmem_shared>>
          tpu.wait_indirect_dma semaphore(%arg22 : memref<!tpu.dma_semaphore, #tpu.memory_space<semaphore_mem>>) src(%arg12 : memref<128x128xf32, #tpu.memory_space<vmem>>) dst(%dma_wait3A_251 : memref<5120x128xf32, #tpu.memory_space<vmem_shared>>)
        } else {
        }
        %add3A_235 = arith.constant 4 : i32
        %add3A_236 = arith.addi %add3A_136, %add3A_235 : i32
        %sub3A_237 = arith.constant 1 : i32
        %sub3A_238 = arith.subi %add3A_236, %sub3A_237 : i32
        %dma_start3A_239 = arith.constant 0 : i32
        %dma_start3A_240 = tpu.memref_slice %arg7[%sub3A_238, %dma_start3A_239] : memref<80x128xi32, #tpu.memory_space<vmem>> -> memref<1x128xi32, #tpu.memory_space<vmem>>
        %dma_start3A_241 = tpu.memref_squeeze %dma_start3A_240 : memref<1x128xi32, #tpu.memory_space<vmem>> -> memref<128xi32, #tpu.memory_space<vmem>>
        %dma_start3A_242 = arith.constant 0 : i32
        %dma_start3A_243 = arith.constant 0 : i32
        %dma_start3A_244 = tpu.memref_slice %arg2[%dma_start3A_242, %dma_start3A_243] : memref<10000x128xf32, #tpu.memory_space<hbm>> -> memref<10000x128xf32, #tpu.memory_space<hbm>>
        tpu.enqueue_indirect_dma source(%dma_start3A_244 : memref<10000x128xf32, #tpu.memory_space<hbm>>) target(%arg12 : memref<128x128xf32, #tpu.memory_space<vmem>>) offsets(%dma_start3A_241 : memref<128xi32, #tpu.memory_space<vmem>>) semaphore(%arg18 : memref<!tpu.dma_semaphore, #tpu.memory_space<semaphore_mem>>)
      } else {
      }
      %dma_wait3A = arith.constant 0 : i32
      %dma_wait3A_144 = arith.constant 0 : i32
      %dma_wait3A_145 = tpu.memref_slice %arg7[%dma_wait3A, %dma_wait3A_144] : memref<80x128xi32, #tpu.memory_space<vmem>> -> memref<1x128xi32, #tpu.memory_space<vmem>>
      %dma_wait3A_146 = tpu.memref_squeeze %dma_wait3A_145 : memref<1x128xi32, #tpu.memory_space<vmem>> -> memref<128xi32, #tpu.memory_space<vmem>>
      %dma_wait3A_147 = arith.constant 0 : i32
      %dma_wait3A_148 = arith.constant 0 : i32
      %dma_wait3A_149 = tpu.memref_slice %arg2[%dma_wait3A_147, %dma_wait3A_148] : memref<10000x128xf32, #tpu.memory_space<hbm>> -> memref<10000x128xf32, #tpu.memory_space<hbm>>
      tpu.wait_indirect_dma semaphore(%arg15 : memref<!tpu.dma_semaphore, #tpu.memory_space<semaphore_mem>>) src(%dma_wait3A_149 : memref<10000x128xf32, #tpu.memory_space<hbm>>) dst(%arg9 : memref<128x128xf32, #tpu.memory_space<vmem>>)
      %dma_start3A = arith.constant 0 : i32
      %dma_start3A_150 = tpu.memref_slice %arg8[%add3A_136, %dma_start3A] : memref<80x128xi32, #tpu.memory_space<vmem>> -> memref<1x128xi32, #tpu.memory_space<vmem>>
      %dma_start3A_151 = tpu.memref_squeeze %dma_start3A_150 : memref<1x128xi32, #tpu.memory_space<vmem>> -> memref<128xi32, #tpu.memory_space<vmem>>
      %dma_start3A_152 = arith.constant 0 : i32
      %dma_start3A_153 = arith.constant 0 : i32
      %dma_start3A_154 = tpu.memref_slice %arg14[%dma_start3A_152, %dma_start3A_153] : memref<5120x128xf32, #tpu.memory_space<vmem_shared>> -> memref<5120x128xf32, #tpu.memory_space<vmem_shared>>
      tpu.enqueue_indirect_dma source(%arg9 : memref<128x128xf32, #tpu.memory_space<vmem>>) target(%dma_start3A_154 : memref<5120x128xf32, #tpu.memory_space<vmem_shared>>) offsets(%dma_start3A_151 : memref<128xi32, #tpu.memory_space<vmem>>) semaphore(%arg19 : memref<!tpu.dma_semaphore, #tpu.memory_space<semaphore_mem>>) {add = true}
      %mul3A_155 = arith.constant 4 : i32
      %mul3A_156 = arith.muli %while3A_132, %mul3A_155 : i32
      %add3A_157 = arith.constant 1 : i32
      %add3A_158 = arith.addi %mul3A_156, %add3A_157 : i32
      %add3A_159 = arith.constant 4 : i32
      %add3A_160 = arith.addi %add3A_158, %add3A_159 : i32
      %sub3A_161 = arith.constant 1 : i32
      %sub3A_162 = arith.subi %add3A_160, %sub3A_161 : i32
      %lt3A_163 = arith.cmpi slt, %sub3A_162, %mul3A_24 : i32
      %convert_element_type3A_164 = arith.extui %lt3A_163 : i1 to i32
      %cond3A_165 = arith.constant 0 : i32
      %cond3A_166 = arith.cmpi ne, %convert_element_type3A_164, %cond3A_165 : i32
      scf.if %cond3A_166 {
        %gt3A_230 = arith.constant 0 : i32
        %gt3A_231 = arith.cmpi sgt, %add3A_158, %gt3A_230 : i32
        %convert_element_type3A_232 = arith.extui %gt3A_231 : i1 to i32
        %cond3A_233 = arith.constant 0 : i32
        %cond3A_234 = arith.cmpi ne, %convert_element_type3A_232, %cond3A_233 : i32
        scf.if %cond3A_234 {
          %dma_wait3A_245 = arith.constant 0 : i32
          %dma_wait3A_246 = arith.constant 0 : i32
          %dma_wait3A_247 = tpu.memref_slice %arg8[%dma_wait3A_245, %dma_wait3A_246] : memref<80x128xi32, #tpu.memory_space<vmem>> -> memref<1x128xi32, #tpu.memory_space<vmem>>
          %dma_wait3A_248 = tpu.memref_squeeze %dma_wait3A_247 : memref<1x128xi32, #tpu.memory_space<vmem>> -> memref<128xi32, #tpu.memory_space<vmem>>
          %dma_wait3A_249 = arith.constant 0 : i32
          %dma_wait3A_250 = arith.constant 0 : i32
          %dma_wait3A_251 = tpu.memref_slice %arg14[%dma_wait3A_249, %dma_wait3A_250] : memref<5120x128xf32, #tpu.memory_space<vmem_shared>> -> memref<5120x128xf32, #tpu.memory_space<vmem_shared>>
          tpu.wait_indirect_dma semaphore(%arg19 : memref<!tpu.dma_semaphore, #tpu.memory_space<semaphore_mem>>) src(%arg9 : memref<128x128xf32, #tpu.memory_space<vmem>>) dst(%dma_wait3A_251 : memref<5120x128xf32, #tpu.memory_space<vmem_shared>>)
        } else {
        }
        %add3A_235 = arith.constant 4 : i32
        %add3A_236 = arith.addi %add3A_158, %add3A_235 : i32
        %sub3A_237 = arith.constant 1 : i32
        %sub3A_238 = arith.subi %add3A_236, %sub3A_237 : i32
        %dma_start3A_239 = arith.constant 0 : i32
        %dma_start3A_240 = tpu.memref_slice %arg7[%sub3A_238, %dma_start3A_239] : memref<80x128xi32, #tpu.memory_space<vmem>> -> memref<1x128xi32, #tpu.memory_space<vmem>>
        %dma_start3A_241 = tpu.memref_squeeze %dma_start3A_240 : memref<1x128xi32, #tpu.memory_space<vmem>> -> memref<128xi32, #tpu.memory_space<vmem>>
        %dma_start3A_242 = arith.constant 0 : i32
        %dma_start3A_243 = arith.constant 0 : i32
        %dma_start3A_244 = tpu.memref_slice %arg2[%dma_start3A_242, %dma_start3A_243] : memref<10000x128xf32, #tpu.memory_space<hbm>> -> memref<10000x128xf32, #tpu.memory_space<hbm>>
        tpu.enqueue_indirect_dma source(%dma_start3A_244 : memref<10000x128xf32, #tpu.memory_space<hbm>>) target(%arg9 : memref<128x128xf32, #tpu.memory_space<vmem>>) offsets(%dma_start3A_241 : memref<128xi32, #tpu.memory_space<vmem>>) semaphore(%arg15 : memref<!tpu.dma_semaphore, #tpu.memory_space<semaphore_mem>>)
      } else {
      }
      %dma_wait3A_167 = arith.constant 0 : i32
      %dma_wait3A_168 = arith.constant 0 : i32
      %dma_wait3A_169 = tpu.memref_slice %arg7[%dma_wait3A_167, %dma_wait3A_168] : memref<80x128xi32, #tpu.memory_space<vmem>> -> memref<1x128xi32, #tpu.memory_space<vmem>>
      %dma_wait3A_170 = tpu.memref_squeeze %dma_wait3A_169 : memref<1x128xi32, #tpu.memory_space<vmem>> -> memref<128xi32, #tpu.memory_space<vmem>>
      %dma_wait3A_171 = arith.constant 0 : i32
      %dma_wait3A_172 = arith.constant 0 : i32
      %dma_wait3A_173 = tpu.memref_slice %arg2[%dma_wait3A_171, %dma_wait3A_172] : memref<10000x128xf32, #tpu.memory_space<hbm>> -> memref<10000x128xf32, #tpu.memory_space<hbm>>
      tpu.wait_indirect_dma semaphore(%arg16 : memref<!tpu.dma_semaphore, #tpu.memory_space<semaphore_mem>>) src(%dma_wait3A_173 : memref<10000x128xf32, #tpu.memory_space<hbm>>) dst(%arg10 : memref<128x128xf32, #tpu.memory_space<vmem>>)
      %dma_start3A_174 = arith.constant 0 : i32
      %dma_start3A_175 = tpu.memref_slice %arg8[%add3A_158, %dma_start3A_174] : memref<80x128xi32, #tpu.memory_space<vmem>> -> memref<1x128xi32, #tpu.memory_space<vmem>>
      %dma_start3A_176 = tpu.memref_squeeze %dma_start3A_175 : memref<1x128xi32, #tpu.memory_space<vmem>> -> memref<128xi32, #tpu.memory_space<vmem>>
      %dma_start3A_177 = arith.constant 0 : i32
      %dma_start3A_178 = arith.constant 0 : i32
      %dma_start3A_179 = tpu.memref_slice %arg14[%dma_start3A_177, %dma_start3A_178] : memref<5120x128xf32, #tpu.memory_space<vmem_shared>> -> memref<5120x128xf32, #tpu.memory_space<vmem_shared>>
      tpu.enqueue_indirect_dma source(%arg10 : memref<128x128xf32, #tpu.memory_space<vmem>>) target(%dma_start3A_179 : memref<5120x128xf32, #tpu.memory_space<vmem_shared>>) offsets(%dma_start3A_176 : memref<128xi32, #tpu.memory_space<vmem>>) semaphore(%arg20 : memref<!tpu.dma_semaphore, #tpu.memory_space<semaphore_mem>>) {add = true}
      %mul3A_180 = arith.constant 4 : i32
      %mul3A_181 = arith.muli %while3A_132, %mul3A_180 : i32
      %add3A_182 = arith.constant 2 : i32
      %add3A_183 = arith.addi %mul3A_181, %add3A_182 : i32
      %add3A_184 = arith.constant 4 : i32
      %add3A_185 = arith.addi %add3A_183, %add3A_184 : i32
      %sub3A_186 = arith.constant 1 : i32
      %sub3A_187 = arith.subi %add3A_185, %sub3A_186 : i32
      %lt3A_188 = arith.cmpi slt, %sub3A_187, %mul3A_24 : i32
      %convert_element_type3A_189 = arith.extui %lt3A_188 : i1 to i32
      %cond3A_190 = arith.constant 0 : i32
      %cond3A_191 = arith.cmpi ne, %convert_element_type3A_189, %cond3A_190 : i32
      scf.if %cond3A_191 {
        %gt3A_230 = arith.constant 0 : i32
        %gt3A_231 = arith.cmpi sgt, %add3A_183, %gt3A_230 : i32
        %convert_element_type3A_232 = arith.extui %gt3A_231 : i1 to i32
        %cond3A_233 = arith.constant 0 : i32
        %cond3A_234 = arith.cmpi ne, %convert_element_type3A_232, %cond3A_233 : i32
        scf.if %cond3A_234 {
          %dma_wait3A_245 = arith.constant 0 : i32
          %dma_wait3A_246 = arith.constant 0 : i32
          %dma_wait3A_247 = tpu.memref_slice %arg8[%dma_wait3A_245, %dma_wait3A_246] : memref<80x128xi32, #tpu.memory_space<vmem>> -> memref<1x128xi32, #tpu.memory_space<vmem>>
          %dma_wait3A_248 = tpu.memref_squeeze %dma_wait3A_247 : memref<1x128xi32, #tpu.memory_space<vmem>> -> memref<128xi32, #tpu.memory_space<vmem>>
          %dma_wait3A_249 = arith.constant 0 : i32
          %dma_wait3A_250 = arith.constant 0 : i32
          %dma_wait3A_251 = tpu.memref_slice %arg14[%dma_wait3A_249, %dma_wait3A_250] : memref<5120x128xf32, #tpu.memory_space<vmem_shared>> -> memref<5120x128xf32, #tpu.memory_space<vmem_shared>>
          tpu.wait_indirect_dma semaphore(%arg20 : memref<!tpu.dma_semaphore, #tpu.memory_space<semaphore_mem>>) src(%arg10 : memref<128x128xf32, #tpu.memory_space<vmem>>) dst(%dma_wait3A_251 : memref<5120x128xf32, #tpu.memory_space<vmem_shared>>)
        } else {
        }
        %add3A_235 = arith.constant 4 : i32
        %add3A_236 = arith.addi %add3A_183, %add3A_235 : i32
        %sub3A_237 = arith.constant 1 : i32
        %sub3A_238 = arith.subi %add3A_236, %sub3A_237 : i32
        %dma_start3A_239 = arith.constant 0 : i32
        %dma_start3A_240 = tpu.memref_slice %arg7[%sub3A_238, %dma_start3A_239] : memref<80x128xi32, #tpu.memory_space<vmem>> -> memref<1x128xi32, #tpu.memory_space<vmem>>
        %dma_start3A_241 = tpu.memref_squeeze %dma_start3A_240 : memref<1x128xi32, #tpu.memory_space<vmem>> -> memref<128xi32, #tpu.memory_space<vmem>>
        %dma_start3A_242 = arith.constant 0 : i32
        %dma_start3A_243 = arith.constant 0 : i32
        %dma_start3A_244 = tpu.memref_slice %arg2[%dma_start3A_242, %dma_start3A_243] : memref<10000x128xf32, #tpu.memory_space<hbm>> -> memref<10000x128xf32, #tpu.memory_space<hbm>>
        tpu.enqueue_indirect_dma source(%dma_start3A_244 : memref<10000x128xf32, #tpu.memory_space<hbm>>) target(%arg10 : memref<128x128xf32, #tpu.memory_space<vmem>>) offsets(%dma_start3A_241 : memref<128xi32, #tpu.memory_space<vmem>>) semaphore(%arg16 : memref<!tpu.dma_semaphore, #tpu.memory_space<semaphore_mem>>)
      } else {
      }
      %dma_wait3A_192 = arith.constant 0 : i32
      %dma_wait3A_193 = arith.constant 0 : i32
      %dma_wait3A_194 = tpu.memref_slice %arg7[%dma_wait3A_192, %dma_wait3A_193] : memref<80x128xi32, #tpu.memory_space<vmem>> -> memref<1x128xi32, #tpu.memory_space<vmem>>
      %dma_wait3A_195 = tpu.memref_squeeze %dma_wait3A_194 : memref<1x128xi32, #tpu.memory_space<vmem>> -> memref<128xi32, #tpu.memory_space<vmem>>
      %dma_wait3A_196 = arith.constant 0 : i32
      %dma_wait3A_197 = arith.constant 0 : i32
      %dma_wait3A_198 = tpu.memref_slice %arg2[%dma_wait3A_196, %dma_wait3A_197] : memref<10000x128xf32, #tpu.memory_space<hbm>> -> memref<10000x128xf32, #tpu.memory_space<hbm>>
      tpu.wait_indirect_dma semaphore(%arg17 : memref<!tpu.dma_semaphore, #tpu.memory_space<semaphore_mem>>) src(%dma_wait3A_198 : memref<10000x128xf32, #tpu.memory_space<hbm>>) dst(%arg11 : memref<128x128xf32, #tpu.memory_space<vmem>>)
      %dma_start3A_199 = arith.constant 0 : i32
      %dma_start3A_200 = tpu.memref_slice %arg8[%add3A_183, %dma_start3A_199] : memref<80x128xi32, #tpu.memory_space<vmem>> -> memref<1x128xi32, #tpu.memory_space<vmem>>
      %dma_start3A_201 = tpu.memref_squeeze %dma_start3A_200 : memref<1x128xi32, #tpu.memory_space<vmem>> -> memref<128xi32, #tpu.memory_space<vmem>>
      %dma_start3A_202 = arith.constant 0 : i32
      %dma_start3A_203 = arith.constant 0 : i32
      %dma_start3A_204 = tpu.memref_slice %arg14[%dma_start3A_202, %dma_start3A_203] : memref<5120x128xf32, #tpu.memory_space<vmem_shared>> -> memref<5120x128xf32, #tpu.memory_space<vmem_shared>>
      tpu.enqueue_indirect_dma source(%arg11 : memref<128x128xf32, #tpu.memory_space<vmem>>) target(%dma_start3A_204 : memref<5120x128xf32, #tpu.memory_space<vmem_shared>>) offsets(%dma_start3A_201 : memref<128xi32, #tpu.memory_space<vmem>>) semaphore(%arg21 : memref<!tpu.dma_semaphore, #tpu.memory_space<semaphore_mem>>) {add = true}
      %mul3A_205 = arith.constant 4 : i32
      %mul3A_206 = arith.muli %while3A_132, %mul3A_205 : i32
      %add3A_207 = arith.constant 3 : i32
      %add3A_208 = arith.addi %mul3A_206, %add3A_207 : i32
      %add3A_209 = arith.constant 4 : i32
      %add3A_210 = arith.addi %add3A_208, %add3A_209 : i32
      %sub3A_211 = arith.constant 1 : i32
      %sub3A_212 = arith.subi %add3A_210, %sub3A_211 : i32
      %lt3A_213 = arith.cmpi slt, %sub3A_212, %mul3A_24 : i32
      %convert_element_type3A_214 = arith.extui %lt3A_213 : i1 to i32
      %cond3A_215 = arith.constant 0 : i32
      %cond3A_216 = arith.cmpi ne, %convert_element_type3A_214, %cond3A_215 : i32
      scf.if %cond3A_216 {
        %gt3A_230 = arith.constant 0 : i32
        %gt3A_231 = arith.cmpi sgt, %add3A_208, %gt3A_230 : i32
        %convert_element_type3A_232 = arith.extui %gt3A_231 : i1 to i32
        %cond3A_233 = arith.constant 0 : i32
        %cond3A_234 = arith.cmpi ne, %convert_element_type3A_232, %cond3A_233 : i32
        scf.if %cond3A_234 {
          %dma_wait3A_245 = arith.constant 0 : i32
          %dma_wait3A_246 = arith.constant 0 : i32
          %dma_wait3A_247 = tpu.memref_slice %arg8[%dma_wait3A_245, %dma_wait3A_246] : memref<80x128xi32, #tpu.memory_space<vmem>> -> memref<1x128xi32, #tpu.memory_space<vmem>>
          %dma_wait3A_248 = tpu.memref_squeeze %dma_wait3A_247 : memref<1x128xi32, #tpu.memory_space<vmem>> -> memref<128xi32, #tpu.memory_space<vmem>>
          %dma_wait3A_249 = arith.constant 0 : i32
          %dma_wait3A_250 = arith.constant 0 : i32
          %dma_wait3A_251 = tpu.memref_slice %arg14[%dma_wait3A_249, %dma_wait3A_250] : memref<5120x128xf32, #tpu.memory_space<vmem_shared>> -> memref<5120x128xf32, #tpu.memory_space<vmem_shared>>
          tpu.wait_indirect_dma semaphore(%arg21 : memref<!tpu.dma_semaphore, #tpu.memory_space<semaphore_mem>>) src(%arg11 : memref<128x128xf32, #tpu.memory_space<vmem>>) dst(%dma_wait3A_251 : memref<5120x128xf32, #tpu.memory_space<vmem_shared>>)
        } else {
        }
        %add3A_235 = arith.constant 4 : i32
        %add3A_236 = arith.addi %add3A_208, %add3A_235 : i32
        %sub3A_237 = arith.constant 1 : i32
        %sub3A_238 = arith.subi %add3A_236, %sub3A_237 : i32
        %dma_start3A_239 = arith.constant 0 : i32
        %dma_start3A_240 = tpu.memref_slice %arg7[%sub3A_238, %dma_start3A_239] : memref<80x128xi32, #tpu.memory_space<vmem>> -> memref<1x128xi32, #tpu.memory_space<vmem>>
        %dma_start3A_241 = tpu.memref_squeeze %dma_start3A_240 : memref<1x128xi32, #tpu.memory_space<vmem>> -> memref<128xi32, #tpu.memory_space<vmem>>
        %dma_start3A_242 = arith.constant 0 : i32
        %dma_start3A_243 = arith.constant 0 : i32
        %dma_start3A_244 = tpu.memref_slice %arg2[%dma_start3A_242, %dma_start3A_243] : memref<10000x128xf32, #tpu.memory_space<hbm>> -> memref<10000x128xf32, #tpu.memory_space<hbm>>
        tpu.enqueue_indirect_dma source(%dma_start3A_244 : memref<10000x128xf32, #tpu.memory_space<hbm>>) target(%arg11 : memref<128x128xf32, #tpu.memory_space<vmem>>) offsets(%dma_start3A_241 : memref<128xi32, #tpu.memory_space<vmem>>) semaphore(%arg17 : memref<!tpu.dma_semaphore, #tpu.memory_space<semaphore_mem>>)
      } else {
      }
      %dma_wait3A_217 = arith.constant 0 : i32
      %dma_wait3A_218 = arith.constant 0 : i32
      %dma_wait3A_219 = tpu.memref_slice %arg7[%dma_wait3A_217, %dma_wait3A_218] : memref<80x128xi32, #tpu.memory_space<vmem>> -> memref<1x128xi32, #tpu.memory_space<vmem>>
      %dma_wait3A_220 = tpu.memref_squeeze %dma_wait3A_219 : memref<1x128xi32, #tpu.memory_space<vmem>> -> memref<128xi32, #tpu.memory_space<vmem>>
      %dma_wait3A_221 = arith.constant 0 : i32
      %dma_wait3A_222 = arith.constant 0 : i32
      %dma_wait3A_223 = tpu.memref_slice %arg2[%dma_wait3A_221, %dma_wait3A_222] : memref<10000x128xf32, #tpu.memory_space<hbm>> -> memref<10000x128xf32, #tpu.memory_space<hbm>>
      tpu.wait_indirect_dma semaphore(%arg18 : memref<!tpu.dma_semaphore, #tpu.memory_space<semaphore_mem>>) src(%dma_wait3A_223 : memref<10000x128xf32, #tpu.memory_space<hbm>>) dst(%arg12 : memref<128x128xf32, #tpu.memory_space<vmem>>)
      %dma_start3A_224 = arith.constant 0 : i32
      %dma_start3A_225 = tpu.memref_slice %arg8[%add3A_208, %dma_start3A_224] : memref<80x128xi32, #tpu.memory_space<vmem>> -> memref<1x128xi32, #tpu.memory_space<vmem>>
      %dma_start3A_226 = tpu.memref_squeeze %dma_start3A_225 : memref<1x128xi32, #tpu.memory_space<vmem>> -> memref<128xi32, #tpu.memory_space<vmem>>
      %dma_start3A_227 = arith.constant 0 : i32
      %dma_start3A_228 = arith.constant 0 : i32
      %dma_start3A_229 = tpu.memref_slice %arg14[%dma_start3A_227, %dma_start3A_228] : memref<5120x128xf32, #tpu.memory_space<vmem_shared>> -> memref<5120x128xf32, #tpu.memory_space<vmem_shared>>
      tpu.enqueue_indirect_dma source(%arg12 : memref<128x128xf32, #tpu.memory_space<vmem>>) target(%dma_start3A_229 : memref<5120x128xf32, #tpu.memory_space<vmem_shared>>) offsets(%dma_start3A_226 : memref<128xi32, #tpu.memory_space<vmem>>) semaphore(%arg22 : memref<!tpu.dma_semaphore, #tpu.memory_space<semaphore_mem>>) {add = true}
    }
    %while3A_47 = arith.constant 1 : i32
    scf.for %while3A_132 = %while3A_45 to %while3A_41 step %while3A_47  : i32 {
      %mul3A_133 = arith.constant 4 : i32
      %mul3A_134 = arith.muli %while3A_132, %mul3A_133 : i32
      %add3A_135 = arith.constant 0 : i32
      %add3A_136 = arith.addi %mul3A_134, %add3A_135 : i32
      %add3A_137 = arith.constant 4 : i32
      %add3A_138 = arith.addi %add3A_136, %add3A_137 : i32
      %sub3A = arith.constant 1 : i32
      %sub3A_139 = arith.subi %add3A_138, %sub3A : i32
      %lt3A_140 = arith.cmpi slt, %sub3A_139, %mul3A_24 : i32
      %convert_element_type3A_141 = arith.extui %lt3A_140 : i1 to i32
      %cond3A_142 = arith.constant 0 : i32
      %cond3A_143 = arith.cmpi ne, %convert_element_type3A_141, %cond3A_142 : i32
      scf.if %cond3A_143 {
        %gt3A_230 = arith.constant 0 : i32
        %gt3A_231 = arith.cmpi sgt, %add3A_136, %gt3A_230 : i32
        %convert_element_type3A_232 = arith.extui %gt3A_231 : i1 to i32
        %cond3A_233 = arith.constant 0 : i32
        %cond3A_234 = arith.cmpi ne, %convert_element_type3A_232, %cond3A_233 : i32
        scf.if %cond3A_234 {
          %dma_wait3A_245 = arith.constant 0 : i32
          %dma_wait3A_246 = arith.constant 0 : i32
          %dma_wait3A_247 = tpu.memref_slice %arg8[%dma_wait3A_245, %dma_wait3A_246] : memref<80x128xi32, #tpu.memory_space<vmem>> -> memref<1x128xi32, #tpu.memory_space<vmem>>
          %dma_wait3A_248 = tpu.memref_squeeze %dma_wait3A_247 : memref<1x128xi32, #tpu.memory_space<vmem>> -> memref<128xi32, #tpu.memory_space<vmem>>
          %dma_wait3A_249 = arith.constant 0 : i32
          %dma_wait3A_250 = arith.constant 0 : i32
          %dma_wait3A_251 = tpu.memref_slice %arg14[%dma_wait3A_249, %dma_wait3A_250] : memref<5120x128xf32, #tpu.memory_space<vmem_shared>> -> memref<5120x128xf32, #tpu.memory_space<vmem_shared>>
          tpu.wait_indirect_dma semaphore(%arg22 : memref<!tpu.dma_semaphore, #tpu.memory_space<semaphore_mem>>) src(%arg12 : memref<128x128xf32, #tpu.memory_space<vmem>>) dst(%dma_wait3A_251 : memref<5120x128xf32, #tpu.memory_space<vmem_shared>>)
        } else {
        }
        %add3A_235 = arith.constant 4 : i32
        %add3A_236 = arith.addi %add3A_136, %add3A_235 : i32
        %sub3A_237 = arith.constant 1 : i32
        %sub3A_238 = arith.subi %add3A_236, %sub3A_237 : i32
        %dma_start3A_239 = arith.constant 0 : i32
        %dma_start3A_240 = tpu.memref_slice %arg7[%sub3A_238, %dma_start3A_239] : memref<80x128xi32, #tpu.memory_space<vmem>> -> memref<1x128xi32, #tpu.memory_space<vmem>>
        %dma_start3A_241 = tpu.memref_squeeze %dma_start3A_240 : memref<1x128xi32, #tpu.memory_space<vmem>> -> memref<128xi32, #tpu.memory_space<vmem>>
        %dma_start3A_242 = arith.constant 0 : i32
        %dma_start3A_243 = arith.constant 0 : i32
        %dma_start3A_244 = tpu.memref_slice %arg2[%dma_start3A_242, %dma_start3A_243] : memref<10000x128xf32, #tpu.memory_space<hbm>> -> memref<10000x128xf32, #tpu.memory_space<hbm>>
        tpu.enqueue_indirect_dma source(%dma_start3A_244 : memref<10000x128xf32, #tpu.memory_space<hbm>>) target(%arg12 : memref<128x128xf32, #tpu.memory_space<vmem>>) offsets(%dma_start3A_241 : memref<128xi32, #tpu.memory_space<vmem>>) semaphore(%arg18 : memref<!tpu.dma_semaphore, #tpu.memory_space<semaphore_mem>>)
      } else {
      }
      %dma_wait3A = arith.constant 0 : i32
      %dma_wait3A_144 = arith.constant 0 : i32
      %dma_wait3A_145 = tpu.memref_slice %arg7[%dma_wait3A, %dma_wait3A_144] : memref<80x128xi32, #tpu.memory_space<vmem>> -> memref<1x128xi32, #tpu.memory_space<vmem>>
      %dma_wait3A_146 = tpu.memref_squeeze %dma_wait3A_145 : memref<1x128xi32, #tpu.memory_space<vmem>> -> memref<128xi32, #tpu.memory_space<vmem>>
      %dma_wait3A_147 = arith.constant 0 : i32
      %dma_wait3A_148 = arith.constant 0 : i32
      %dma_wait3A_149 = tpu.memref_slice %arg2[%dma_wait3A_147, %dma_wait3A_148] : memref<10000x128xf32, #tpu.memory_space<hbm>> -> memref<10000x128xf32, #tpu.memory_space<hbm>>
      tpu.wait_indirect_dma semaphore(%arg15 : memref<!tpu.dma_semaphore, #tpu.memory_space<semaphore_mem>>) src(%dma_wait3A_149 : memref<10000x128xf32, #tpu.memory_space<hbm>>) dst(%arg9 : memref<128x128xf32, #tpu.memory_space<vmem>>)
      %dma_start3A = arith.constant 0 : i32
      %dma_start3A_150 = tpu.memref_slice %arg8[%add3A_136, %dma_start3A] : memref<80x128xi32, #tpu.memory_space<vmem>> -> memref<1x128xi32, #tpu.memory_space<vmem>>
      %dma_start3A_151 = tpu.memref_squeeze %dma_start3A_150 : memref<1x128xi32, #tpu.memory_space<vmem>> -> memref<128xi32, #tpu.memory_space<vmem>>
      %dma_start3A_152 = arith.constant 0 : i32
      %dma_start3A_153 = arith.constant 0 : i32
      %dma_start3A_154 = tpu.memref_slice %arg14[%dma_start3A_152, %dma_start3A_153] : memref<5120x128xf32, #tpu.memory_space<vmem_shared>> -> memref<5120x128xf32, #tpu.memory_space<vmem_shared>>
      tpu.enqueue_indirect_dma source(%arg9 : memref<128x128xf32, #tpu.memory_space<vmem>>) target(%dma_start3A_154 : memref<5120x128xf32, #tpu.memory_space<vmem_shared>>) offsets(%dma_start3A_151 : memref<128xi32, #tpu.memory_space<vmem>>) semaphore(%arg19 : memref<!tpu.dma_semaphore, #tpu.memory_space<semaphore_mem>>) {add = true}
      %mul3A_155 = arith.constant 4 : i32
      %mul3A_156 = arith.muli %while3A_132, %mul3A_155 : i32
      %add3A_157 = arith.constant 1 : i32
      %add3A_158 = arith.addi %mul3A_156, %add3A_157 : i32
      %add3A_159 = arith.constant 4 : i32
      %add3A_160 = arith.addi %add3A_158, %add3A_159 : i32
      %sub3A_161 = arith.constant 1 : i32
      %sub3A_162 = arith.subi %add3A_160, %sub3A_161 : i32
      %lt3A_163 = arith.cmpi slt, %sub3A_162, %mul3A_24 : i32
      %convert_element_type3A_164 = arith.extui %lt3A_163 : i1 to i32
      %cond3A_165 = arith.constant 0 : i32
      %cond3A_166 = arith.cmpi ne, %convert_element_type3A_164, %cond3A_165 : i32
      scf.if %cond3A_166 {
        %gt3A_230 = arith.constant 0 : i32
        %gt3A_231 = arith.cmpi sgt, %add3A_158, %gt3A_230 : i32
        %convert_element_type3A_232 = arith.extui %gt3A_231 : i1 to i32
        %cond3A_233 = arith.constant 0 : i32
        %cond3A_234 = arith.cmpi ne, %convert_element_type3A_232, %cond3A_233 : i32
        scf.if %cond3A_234 {
          %dma_wait3A_245 = arith.constant 0 : i32
          %dma_wait3A_246 = arith.constant 0 : i32
          %dma_wait3A_247 = tpu.memref_slice %arg8[%dma_wait3A_245, %dma_wait3A_246] : memref<80x128xi32, #tpu.memory_space<vmem>> -> memref<1x128xi32, #tpu.memory_space<vmem>>
          %dma_wait3A_248 = tpu.memref_squeeze %dma_wait3A_247 : memref<1x128xi32, #tpu.memory_space<vmem>> -> memref<128xi32, #tpu.memory_space<vmem>>
          %dma_wait3A_249 = arith.constant 0 : i32
          %dma_wait3A_250 = arith.constant 0 : i32
          %dma_wait3A_251 = tpu.memref_slice %arg14[%dma_wait3A_249, %dma_wait3A_250] : memref<5120x128xf32, #tpu.memory_space<vmem_shared>> -> memref<5120x128xf32, #tpu.memory_space<vmem_shared>>
          tpu.wait_indirect_dma semaphore(%arg19 : memref<!tpu.dma_semaphore, #tpu.memory_space<semaphore_mem>>) src(%arg9 : memref<128x128xf32, #tpu.memory_space<vmem>>) dst(%dma_wait3A_251 : memref<5120x128xf32, #tpu.memory_space<vmem_shared>>)
        } else {
        }
        %add3A_235 = arith.constant 4 : i32
        %add3A_236 = arith.addi %add3A_158, %add3A_235 : i32
        %sub3A_237 = arith.constant 1 : i32
        %sub3A_238 = arith.subi %add3A_236, %sub3A_237 : i32
        %dma_start3A_239 = arith.constant 0 : i32
        %dma_start3A_240 = tpu.memref_slice %arg7[%sub3A_238, %dma_start3A_239] : memref<80x128xi32, #tpu.memory_space<vmem>> -> memref<1x128xi32, #tpu.memory_space<vmem>>
        %dma_start3A_241 = tpu.memref_squeeze %dma_start3A_240 : memref<1x128xi32, #tpu.memory_space<vmem>> -> memref<128xi32, #tpu.memory_space<vmem>>
        %dma_start3A_242 = arith.constant 0 : i32
        %dma_start3A_243 = arith.constant 0 : i32
        %dma_start3A_244 = tpu.memref_slice %arg2[%dma_start3A_242, %dma_start3A_243] : memref<10000x128xf32, #tpu.memory_space<hbm>> -> memref<10000x128xf32, #tpu.memory_space<hbm>>
        tpu.enqueue_indirect_dma source(%dma_start3A_244 : memref<10000x128xf32, #tpu.memory_space<hbm>>) target(%arg9 : memref<128x128xf32, #tpu.memory_space<vmem>>) offsets(%dma_start3A_241 : memref<128xi32, #tpu.memory_space<vmem>>) semaphore(%arg15 : memref<!tpu.dma_semaphore, #tpu.memory_space<semaphore_mem>>)
      } else {
      }
      %dma_wait3A_167 = arith.constant 0 : i32
      %dma_wait3A_168 = arith.constant 0 : i32
      %dma_wait3A_169 = tpu.memref_slice %arg7[%dma_wait3A_167, %dma_wait3A_168] : memref<80x128xi32, #tpu.memory_space<vmem>> -> memref<1x128xi32, #tpu.memory_space<vmem>>
      %dma_wait3A_170 = tpu.memref_squeeze %dma_wait3A_169 : memref<1x128xi32, #tpu.memory_space<vmem>> -> memref<128xi32, #tpu.memory_space<vmem>>
      %dma_wait3A_171 = arith.constant 0 : i32
      %dma_wait3A_172 = arith.constant 0 : i32
      %dma_wait3A_173 = tpu.memref_slice %arg2[%dma_wait3A_171, %dma_wait3A_172] : memref<10000x128xf32, #tpu.memory_space<hbm>> -> memref<10000x128xf32, #tpu.memory_space<hbm>>
      tpu.wait_indirect_dma semaphore(%arg16 : memref<!tpu.dma_semaphore, #tpu.memory_space<semaphore_mem>>) src(%dma_wait3A_173 : memref<10000x128xf32, #tpu.memory_space<hbm>>) dst(%arg10 : memref<128x128xf32, #tpu.memory_space<vmem>>)
      %dma_start3A_174 = arith.constant 0 : i32
      %dma_start3A_175 = tpu.memref_slice %arg8[%add3A_158, %dma_start3A_174] : memref<80x128xi32, #tpu.memory_space<vmem>> -> memref<1x128xi32, #tpu.memory_space<vmem>>
      %dma_start3A_176 = tpu.memref_squeeze %dma_start3A_175 : memref<1x128xi32, #tpu.memory_space<vmem>> -> memref<128xi32, #tpu.memory_space<vmem>>
      %dma_start3A_177 = arith.constant 0 : i32
      %dma_start3A_178 = arith.constant 0 : i32
      %dma_start3A_179 = tpu.memref_slice %arg14[%dma_start3A_177, %dma_start3A_178] : memref<5120x128xf32, #tpu.memory_space<vmem_shared>> -> memref<5120x128xf32, #tpu.memory_space<vmem_shared>>
      tpu.enqueue_indirect_dma source(%arg10 : memref<128x128xf32, #tpu.memory_space<vmem>>) target(%dma_start3A_179 : memref<5120x128xf32, #tpu.memory_space<vmem_shared>>) offsets(%dma_start3A_176 : memref<128xi32, #tpu.memory_space<vmem>>) semaphore(%arg20 : memref<!tpu.dma_semaphore, #tpu.memory_space<semaphore_mem>>) {add = true}
      %mul3A_180 = arith.constant 4 : i32
      %mul3A_181 = arith.muli %while3A_132, %mul3A_180 : i32
      %add3A_182 = arith.constant 2 : i32
      %add3A_183 = arith.addi %mul3A_181, %add3A_182 : i32
      %add3A_184 = arith.constant 4 : i32
      %add3A_185 = arith.addi %add3A_183, %add3A_184 : i32
      %sub3A_186 = arith.constant 1 : i32
      %sub3A_187 = arith.subi %add3A_185, %sub3A_186 : i32
      %lt3A_188 = arith.cmpi slt, %sub3A_187, %mul3A_24 : i32
      %convert_element_type3A_189 = arith.extui %lt3A_188 : i1 to i32
      %cond3A_190 = arith.constant 0 : i32
      %cond3A_191 = arith.cmpi ne, %convert_element_type3A_189, %cond3A_190 : i32
      scf.if %cond3A_191 {
        %gt3A_230 = arith.constant 0 : i32
        %gt3A_231 = arith.cmpi sgt, %add3A_183, %gt3A_230 : i32
        %convert_element_type3A_232 = arith.extui %gt3A_231 : i1 to i32
        %cond3A_233 = arith.constant 0 : i32
        %cond3A_234 = arith.cmpi ne, %convert_element_type3A_232, %cond3A_233 : i32
        scf.if %cond3A_234 {
          %dma_wait3A_245 = arith.constant 0 : i32
          %dma_wait3A_246 = arith.constant 0 : i32
          %dma_wait3A_247 = tpu.memref_slice %arg8[%dma_wait3A_245, %dma_wait3A_246] : memref<80x128xi32, #tpu.memory_space<vmem>> -> memref<1x128xi32, #tpu.memory_space<vmem>>
          %dma_wait3A_248 = tpu.memref_squeeze %dma_wait3A_247 : memref<1x128xi32, #tpu.memory_space<vmem>> -> memref<128xi32, #tpu.memory_space<vmem>>
          %dma_wait3A_249 = arith.constant 0 : i32
          %dma_wait3A_250 = arith.constant 0 : i32
          %dma_wait3A_251 = tpu.memref_slice %arg14[%dma_wait3A_249, %dma_wait3A_250] : memref<5120x128xf32, #tpu.memory_space<vmem_shared>> -> memref<5120x128xf32, #tpu.memory_space<vmem_shared>>
          tpu.wait_indirect_dma semaphore(%arg20 : memref<!tpu.dma_semaphore, #tpu.memory_space<semaphore_mem>>) src(%arg10 : memref<128x128xf32, #tpu.memory_space<vmem>>) dst(%dma_wait3A_251 : memref<5120x128xf32, #tpu.memory_space<vmem_shared>>)
        } else {
        }
        %add3A_235 = arith.constant 4 : i32
        %add3A_236 = arith.addi %add3A_183, %add3A_235 : i32
        %sub3A_237 = arith.constant 1 : i32
        %sub3A_238 = arith.subi %add3A_236, %sub3A_237 : i32
        %dma_start3A_239 = arith.constant 0 : i32
        %dma_start3A_240 = tpu.memref_slice %arg7[%sub3A_238, %dma_start3A_239] : memref<80x128xi32, #tpu.memory_space<vmem>> -> memref<1x128xi32, #tpu.memory_space<vmem>>
        %dma_start3A_241 = tpu.memref_squeeze %dma_start3A_240 : memref<1x128xi32, #tpu.memory_space<vmem>> -> memref<128xi32, #tpu.memory_space<vmem>>
        %dma_start3A_242 = arith.constant 0 : i32
        %dma_start3A_243 = arith.constant 0 : i32
        %dma_start3A_244 = tpu.memref_slice %arg2[%dma_start3A_242, %dma_start3A_243] : memref<10000x128xf32, #tpu.memory_space<hbm>> -> memref<10000x128xf32, #tpu.memory_space<hbm>>
        tpu.enqueue_indirect_dma source(%dma_start3A_244 : memref<10000x128xf32, #tpu.memory_space<hbm>>) target(%arg10 : memref<128x128xf32, #tpu.memory_space<vmem>>) offsets(%dma_start3A_241 : memref<128xi32, #tpu.memory_space<vmem>>) semaphore(%arg16 : memref<!tpu.dma_semaphore, #tpu.memory_space<semaphore_mem>>)
      } else {
      }
      %dma_wait3A_192 = arith.constant 0 : i32
      %dma_wait3A_193 = arith.constant 0 : i32
      %dma_wait3A_194 = tpu.memref_slice %arg7[%dma_wait3A_192, %dma_wait3A_193] : memref<80x128xi32, #tpu.memory_space<vmem>> -> memref<1x128xi32, #tpu.memory_space<vmem>>
      %dma_wait3A_195 = tpu.memref_squeeze %dma_wait3A_194 : memref<1x128xi32, #tpu.memory_space<vmem>> -> memref<128xi32, #tpu.memory_space<vmem>>
      %dma_wait3A_196 = arith.constant 0 : i32
      %dma_wait3A_197 = arith.constant 0 : i32
      %dma_wait3A_198 = tpu.memref_slice %arg2[%dma_wait3A_196, %dma_wait3A_197] : memref<10000x128xf32, #tpu.memory_space<hbm>> -> memref<10000x128xf32, #tpu.memory_space<hbm>>
      tpu.wait_indirect_dma semaphore(%arg17 : memref<!tpu.dma_semaphore, #tpu.memory_space<semaphore_mem>>) src(%dma_wait3A_198 : memref<10000x128xf32, #tpu.memory_space<hbm>>) dst(%arg11 : memref<128x128xf32, #tpu.memory_space<vmem>>)
      %dma_start3A_199 = arith.constant 0 : i32
      %dma_start3A_200 = tpu.memref_slice %arg8[%add3A_183, %dma_start3A_199] : memref<80x128xi32, #tpu.memory_space<vmem>> -> memref<1x128xi32, #tpu.memory_space<vmem>>
      %dma_start3A_201 = tpu.memref_squeeze %dma_start3A_200 : memref<1x128xi32, #tpu.memory_space<vmem>> -> memref<128xi32, #tpu.memory_space<vmem>>
      %dma_start3A_202 = arith.constant 0 : i32
      %dma_start3A_203 = arith.constant 0 : i32
      %dma_start3A_204 = tpu.memref_slice %arg14[%dma_start3A_202, %dma_start3A_203] : memref<5120x128xf32, #tpu.memory_space<vmem_shared>> -> memref<5120x128xf32, #tpu.memory_space<vmem_shared>>
      tpu.enqueue_indirect_dma source(%arg11 : memref<128x128xf32, #tpu.memory_space<vmem>>) target(%dma_start3A_204 : memref<5120x128xf32, #tpu.memory_space<vmem_shared>>) offsets(%dma_start3A_201 : memref<128xi32, #tpu.memory_space<vmem>>) semaphore(%arg21 : memref<!tpu.dma_semaphore, #tpu.memory_space<semaphore_mem>>) {add = true}
      %mul3A_205 = arith.constant 4 : i32
      %mul3A_206 = arith.muli %while3A_132, %mul3A_205 : i32
      %add3A_207 = arith.constant 3 : i32
      %add3A_208 = arith.addi %mul3A_206, %add3A_207 : i32
      %add3A_209 = arith.constant 4 : i32
      %add3A_210 = arith.addi %add3A_208, %add3A_209 : i32
      %sub3A_211 = arith.constant 1 : i32
      %sub3A_212 = arith.subi %add3A_210, %sub3A_211 : i32
      %lt3A_213 = arith.cmpi slt, %sub3A_212, %mul3A_24 : i32
      %convert_element_type3A_214 = arith.extui %lt3A_213 : i1 to i32
      %cond3A_215 = arith.constant 0 : i32
      %cond3A_216 = arith.cmpi ne, %convert_element_type3A_214, %cond3A_215 : i32
      scf.if %cond3A_216 {
        %gt3A_230 = arith.constant 0 : i32
        %gt3A_231 = arith.cmpi sgt, %add3A_208, %gt3A_230 : i32
        %convert_element_type3A_232 = arith.extui %gt3A_231 : i1 to i32
        %cond3A_233 = arith.constant 0 : i32
        %cond3A_234 = arith.cmpi ne, %convert_element_type3A_232, %cond3A_233 : i32
        scf.if %cond3A_234 {
          %dma_wait3A_245 = arith.constant 0 : i32
          %dma_wait3A_246 = arith.constant 0 : i32
          %dma_wait3A_247 = tpu.memref_slice %arg8[%dma_wait3A_245, %dma_wait3A_246] : memref<80x128xi32, #tpu.memory_space<vmem>> -> memref<1x128xi32, #tpu.memory_space<vmem>>
          %dma_wait3A_248 = tpu.memref_squeeze %dma_wait3A_247 : memref<1x128xi32, #tpu.memory_space<vmem>> -> memref<128xi32, #tpu.memory_space<vmem>>
          %dma_wait3A_249 = arith.constant 0 : i32
          %dma_wait3A_250 = arith.constant 0 : i32
          %dma_wait3A_251 = tpu.memref_slice %arg14[%dma_wait3A_249, %dma_wait3A_250] : memref<5120x128xf32, #tpu.memory_space<vmem_shared>> -> memref<5120x128xf32, #tpu.memory_space<vmem_shared>>
          tpu.wait_indirect_dma semaphore(%arg21 : memref<!tpu.dma_semaphore, #tpu.memory_space<semaphore_mem>>) src(%arg11 : memref<128x128xf32, #tpu.memory_space<vmem>>) dst(%dma_wait3A_251 : memref<5120x128xf32, #tpu.memory_space<vmem_shared>>)
        } else {
        }
        %add3A_235 = arith.constant 4 : i32
        %add3A_236 = arith.addi %add3A_208, %add3A_235 : i32
        %sub3A_237 = arith.constant 1 : i32
        %sub3A_238 = arith.subi %add3A_236, %sub3A_237 : i32
        %dma_start3A_239 = arith.constant 0 : i32
        %dma_start3A_240 = tpu.memref_slice %arg7[%sub3A_238, %dma_start3A_239] : memref<80x128xi32, #tpu.memory_space<vmem>> -> memref<1x128xi32, #tpu.memory_space<vmem>>
        %dma_start3A_241 = tpu.memref_squeeze %dma_start3A_240 : memref<1x128xi32, #tpu.memory_space<vmem>> -> memref<128xi32, #tpu.memory_space<vmem>>
        %dma_start3A_242 = arith.constant 0 : i32
        %dma_start3A_243 = arith.constant 0 : i32
        %dma_start3A_244 = tpu.memref_slice %arg2[%dma_start3A_242, %dma_start3A_243] : memref<10000x128xf32, #tpu.memory_space<hbm>> -> memref<10000x128xf32, #tpu.memory_space<hbm>>
        tpu.enqueue_indirect_dma source(%dma_start3A_244 : memref<10000x128xf32, #tpu.memory_space<hbm>>) target(%arg11 : memref<128x128xf32, #tpu.memory_space<vmem>>) offsets(%dma_start3A_241 : memref<128xi32, #tpu.memory_space<vmem>>) semaphore(%arg17 : memref<!tpu.dma_semaphore, #tpu.memory_space<semaphore_mem>>)
      } else {
      }
      %dma_wait3A_217 = arith.constant 0 : i32
      %dma_wait3A_218 = arith.constant 0 : i32
      %dma_wait3A_219 = tpu.memref_slice %arg7[%dma_wait3A_217, %dma_wait3A_218] : memref<80x128xi32, #tpu.memory_space<vmem>> -> memref<1x128xi32, #tpu.memory_space<vmem>>
      %dma_wait3A_220 = tpu.memref_squeeze %dma_wait3A_219 : memref<1x128xi32, #tpu.memory_space<vmem>> -> memref<128xi32, #tpu.memory_space<vmem>>
      %dma_wait3A_221 = arith.constant 0 : i32
      %dma_wait3A_222 = arith.constant 0 : i32
      %dma_wait3A_223 = tpu.memref_slice %arg2[%dma_wait3A_221, %dma_wait3A_222] : memref<10000x128xf32, #tpu.memory_space<hbm>> -> memref<10000x128xf32, #tpu.memory_space<hbm>>
      tpu.wait_indirect_dma semaphore(%arg18 : memref<!tpu.dma_semaphore, #tpu.memory_space<semaphore_mem>>) src(%dma_wait3A_223 : memref<10000x128xf32, #tpu.memory_space<hbm>>) dst(%arg12 : memref<128x128xf32, #tpu.memory_space<vmem>>)
      %dma_start3A_224 = arith.constant 0 : i32
      %dma_start3A_225 = tpu.memref_slice %arg8[%add3A_208, %dma_start3A_224] : memref<80x128xi32, #tpu.memory_space<vmem>> -> memref<1x128xi32, #tpu.memory_space<vmem>>
      %dma_start3A_226 = tpu.memref_squeeze %dma_start3A_225 : memref<1x128xi32, #tpu.memory_space<vmem>> -> memref<128xi32, #tpu.memory_space<vmem>>
      %dma_start3A_227 = arith.constant 0 : i32
      %dma_start3A_228 = arith.constant 0 : i32
      %dma_start3A_229 = tpu.memref_slice %arg14[%dma_start3A_227, %dma_start3A_228] : memref<5120x128xf32, #tpu.memory_space<vmem_shared>> -> memref<5120x128xf32, #tpu.memory_space<vmem_shared>>
      tpu.enqueue_indirect_dma source(%arg12 : memref<128x128xf32, #tpu.memory_space<vmem>>) target(%dma_start3A_229 : memref<5120x128xf32, #tpu.memory_space<vmem_shared>>) offsets(%dma_start3A_226 : memref<128xi32, #tpu.memory_space<vmem>>) semaphore(%arg22 : memref<!tpu.dma_semaphore, #tpu.memory_space<semaphore_mem>>) {add = true}
    }
    %gt3A_48 = arith.constant 0 : i32
    %gt3A_49 = arith.cmpi sgt, %mul3A_24, %gt3A_48 : i32
    %convert_element_type3A_50 = arith.extui %gt3A_49 : i1 to i32
    %cond3A_51 = arith.constant 0 : i32
    %cond3A_52 = arith.cmpi ne, %convert_element_type3A_50, %cond3A_51 : i32
    scf.if %cond3A_52 {
      %dma_wait3A = arith.constant 0 : i32
      %dma_wait3A_132 = arith.constant 0 : i32
      %dma_wait3A_133 = tpu.memref_slice %arg8[%dma_wait3A, %dma_wait3A_132] : memref<80x128xi32, #tpu.memory_space<vmem>> -> memref<1x128xi32, #tpu.memory_space<vmem>>
      %dma_wait3A_134 = tpu.memref_squeeze %dma_wait3A_133 : memref<1x128xi32, #tpu.memory_space<vmem>> -> memref<128xi32, #tpu.memory_space<vmem>>
      %dma_wait3A_135 = arith.constant 0 : i32
      %dma_wait3A_136 = arith.constant 0 : i32
      %dma_wait3A_137 = tpu.memref_slice %arg14[%dma_wait3A_135, %dma_wait3A_136] : memref<5120x128xf32, #tpu.memory_space<vmem_shared>> -> memref<5120x128xf32, #tpu.memory_space<vmem_shared>>
      tpu.wait_indirect_dma semaphore(%arg19 : memref<!tpu.dma_semaphore, #tpu.memory_space<semaphore_mem>>) src(%arg9 : memref<128x128xf32, #tpu.memory_space<vmem>>) dst(%dma_wait3A_137 : memref<5120x128xf32, #tpu.memory_space<vmem_shared>>)
    } else {
    }
    %gt3A_53 = arith.constant 1 : i32
    %gt3A_54 = arith.cmpi sgt, %mul3A_24, %gt3A_53 : i32
    %convert_element_type3A_55 = arith.extui %gt3A_54 : i1 to i32
    %cond3A_56 = arith.constant 0 : i32
    %cond3A_57 = arith.cmpi ne, %convert_element_type3A_55, %cond3A_56 : i32
    scf.if %cond3A_57 {
      %dma_wait3A = arith.constant 0 : i32
      %dma_wait3A_132 = arith.constant 0 : i32
      %dma_wait3A_133 = tpu.memref_slice %arg8[%dma_wait3A, %dma_wait3A_132] : memref<80x128xi32, #tpu.memory_space<vmem>> -> memref<1x128xi32, #tpu.memory_space<vmem>>
      %dma_wait3A_134 = tpu.memref_squeeze %dma_wait3A_133 : memref<1x128xi32, #tpu.memory_space<vmem>> -> memref<128xi32, #tpu.memory_space<vmem>>
      %dma_wait3A_135 = arith.constant 0 : i32
      %dma_wait3A_136 = arith.constant 0 : i32
      %dma_wait3A_137 = tpu.memref_slice %arg14[%dma_wait3A_135, %dma_wait3A_136] : memref<5120x128xf32, #tpu.memory_space<vmem_shared>> -> memref<5120x128xf32, #tpu.memory_space<vmem_shared>>
      tpu.wait_indirect_dma semaphore(%arg20 : memref<!tpu.dma_semaphore, #tpu.memory_space<semaphore_mem>>) src(%arg10 : memref<128x128xf32, #tpu.memory_space<vmem>>) dst(%dma_wait3A_137 : memref<5120x128xf32, #tpu.memory_space<vmem_shared>>)
    } else {
    }
    %gt3A_58 = arith.constant 2 : i32
    %gt3A_59 = arith.cmpi sgt, %mul3A_24, %gt3A_58 : i32
    %convert_element_type3A_60 = arith.extui %gt3A_59 : i1 to i32
    %cond3A_61 = arith.constant 0 : i32
    %cond3A_62 = arith.cmpi ne, %convert_element_type3A_60, %cond3A_61 : i32
    scf.if %cond3A_62 {
      %dma_wait3A = arith.constant 0 : i32
      %dma_wait3A_132 = arith.constant 0 : i32
      %dma_wait3A_133 = tpu.memref_slice %arg8[%dma_wait3A, %dma_wait3A_132] : memref<80x128xi32, #tpu.memory_space<vmem>> -> memref<1x128xi32, #tpu.memory_space<vmem>>
      %dma_wait3A_134 = tpu.memref_squeeze %dma_wait3A_133 : memref<1x128xi32, #tpu.memory_space<vmem>> -> memref<128xi32, #tpu.memory_space<vmem>>
      %dma_wait3A_135 = arith.constant 0 : i32
      %dma_wait3A_136 = arith.constant 0 : i32
      %dma_wait3A_137 = tpu.memref_slice %arg14[%dma_wait3A_135, %dma_wait3A_136] : memref<5120x128xf32, #tpu.memory_space<vmem_shared>> -> memref<5120x128xf32, #tpu.memory_space<vmem_shared>>
      tpu.wait_indirect_dma semaphore(%arg21 : memref<!tpu.dma_semaphore, #tpu.memory_space<semaphore_mem>>) src(%arg11 : memref<128x128xf32, #tpu.memory_space<vmem>>) dst(%dma_wait3A_137 : memref<5120x128xf32, #tpu.memory_space<vmem_shared>>)
    } else {
    }
    %gt3A_63 = arith.constant 3 : i32
    %gt3A_64 = arith.cmpi sgt, %mul3A_24, %gt3A_63 : i32
    %convert_element_type3A_65 = arith.extui %gt3A_64 : i1 to i32
    %cond3A_66 = arith.constant 0 : i32
    %cond3A_67 = arith.cmpi ne, %convert_element_type3A_65, %cond3A_66 : i32
    scf.if %cond3A_67 {
      %dma_wait3A = arith.constant 0 : i32
      %dma_wait3A_132 = arith.constant 0 : i32
      %dma_wait3A_133 = tpu.memref_slice %arg8[%dma_wait3A, %dma_wait3A_132] : memref<80x128xi32, #tpu.memory_space<vmem>> -> memref<1x128xi32, #tpu.memory_space<vmem>>
      %dma_wait3A_134 = tpu.memref_squeeze %dma_wait3A_133 : memref<1x128xi32, #tpu.memory_space<vmem>> -> memref<128xi32, #tpu.memory_space<vmem>>
      %dma_wait3A_135 = arith.constant 0 : i32
      %dma_wait3A_136 = arith.constant 0 : i32
      %dma_wait3A_137 = tpu.memref_slice %arg14[%dma_wait3A_135, %dma_wait3A_136] : memref<5120x128xf32, #tpu.memory_space<vmem_shared>> -> memref<5120x128xf32, #tpu.memory_space<vmem_shared>>
      tpu.wait_indirect_dma semaphore(%arg22 : memref<!tpu.dma_semaphore, #tpu.memory_space<semaphore_mem>>) src(%arg12 : memref<128x128xf32, #tpu.memory_space<vmem>>) dst(%dma_wait3A_137 : memref<5120x128xf32, #tpu.memory_space<vmem_shared>>)
    } else {
    }
    "tpu.region"() ({
      %run_scoped3A = tpu.sem_alloc : memref<!tpu.dma_semaphore, #tpu.memory_space<semaphore_mem>>
      %dma_start3A = arith.constant 0 : i32
      %dma_start3A_132 = arith.constant 0 : i32
      %dma_start3A_133 = tpu.memref_slice %arg3[%arg0, %add3A_20, %dma_start3A, %dma_start3A_132] : memref<2x32x80x128xi32, #tpu.memory_space<hbm>> -> memref<1x1x80x128xi32, #tpu.memory_space<hbm>>
      %dma_start3A_134 = tpu.memref_squeeze %dma_start3A_133 : memref<1x1x80x128xi32, #tpu.memory_space<hbm>> -> memref<80x128xi32, #tpu.memory_space<hbm>>
      %dma_start3A_135 = arith.constant 0 : i32
      %dma_start3A_136 = arith.constant 0 : i32
      %dma_start3A_137 = tpu.memref_slice %arg3[%arg0, %add3A_20, %dma_start3A_135, %dma_start3A_136] : memref<2x32x80x128xi32, #tpu.memory_space<hbm>> -> memref<1x1x80x128xi32, #tpu.memory_space<hbm>>
      %dma_start3A_138 = tpu.memref_squeeze %dma_start3A_137 : memref<1x1x80x128xi32, #tpu.memory_space<hbm>> -> memref<80x128xi32, #tpu.memory_space<hbm>>
      tpu.enqueue_dma source(%dma_start3A_138 : memref<80x128xi32, #tpu.memory_space<hbm>>) target(%arg7 : memref<80x128xi32, #tpu.memory_space<vmem>>) target_semaphore(%run_scoped3A : memref<!tpu.dma_semaphore, #tpu.memory_space<semaphore_mem>>)
      %dma_wait3A = arith.constant 0 : i32
      %dma_wait3A_139 = arith.constant 0 : i32
      %dma_wait3A_140 = tpu.memref_slice %arg3[%arg0, %add3A_20, %dma_wait3A, %dma_wait3A_139] : memref<2x32x80x128xi32, #tpu.memory_space<hbm>> -> memref<1x1x80x128xi32, #tpu.memory_space<hbm>>
      %dma_wait3A_141 = tpu.memref_squeeze %dma_wait3A_140 : memref<1x1x80x128xi32, #tpu.memory_space<hbm>> -> memref<80x128xi32, #tpu.memory_space<hbm>>
      %dma_wait3A_142 = arith.constant 0 : i32
      %dma_wait3A_143 = arith.constant 0 : i32
      %dma_wait3A_144 = tpu.memref_slice %arg3[%arg0, %add3A_20, %dma_wait3A_142, %dma_wait3A_143] : memref<2x32x80x128xi32, #tpu.memory_space<hbm>> -> memref<1x1x80x128xi32, #tpu.memory_space<hbm>>
      %dma_wait3A_145 = tpu.memref_squeeze %dma_wait3A_144 : memref<1x1x80x128xi32, #tpu.memory_space<hbm>> -> memref<80x128xi32, #tpu.memory_space<hbm>>
      tpu.wait_dma2 semaphore(%run_scoped3A : memref<!tpu.dma_semaphore, #tpu.memory_space<semaphore_mem>>) src(%dma_wait3A_145 : memref<80x128xi32, #tpu.memory_space<hbm>>) dst(%arg7 : memref<80x128xi32, #tpu.memory_space<vmem>>)
      tpu.yield
    }) : () -> ()
    "tpu.region"() ({
      %run_scoped3A = tpu.sem_alloc : memref<!tpu.dma_semaphore, #tpu.memory_space<semaphore_mem>>
      %dma_start3A = arith.constant 0 : i32
      %dma_start3A_132 = arith.constant 0 : i32
      %dma_start3A_133 = tpu.memref_slice %arg4[%arg0, %add3A_20, %dma_start3A, %dma_start3A_132] : memref<2x32x80x128xi32, #tpu.memory_space<hbm>> -> memref<1x1x80x128xi32, #tpu.memory_space<hbm>>
      %dma_start3A_134 = tpu.memref_squeeze %dma_start3A_133 : memref<1x1x80x128xi32, #tpu.memory_space<hbm>> -> memref<80x128xi32, #tpu.memory_space<hbm>>
      %dma_start3A_135 = arith.constant 0 : i32
      %dma_start3A_136 = arith.constant 0 : i32
      %dma_start3A_137 = tpu.memref_slice %arg4[%arg0, %add3A_20, %dma_start3A_135, %dma_start3A_136] : memref<2x32x80x128xi32, #tpu.memory_space<hbm>> -> memref<1x1x80x128xi32, #tpu.memory_space<hbm>>
      %dma_start3A_138 = tpu.memref_squeeze %dma_start3A_137 : memref<1x1x80x128xi32, #tpu.memory_space<hbm>> -> memref<80x128xi32, #tpu.memory_space<hbm>>
      tpu.enqueue_dma source(%dma_start3A_138 : memref<80x128xi32, #tpu.memory_space<hbm>>) target(%arg8 : memref<80x128xi32, #tpu.memory_space<vmem>>) target_semaphore(%run_scoped3A : memref<!tpu.dma_semaphore, #tpu.memory_space<semaphore_mem>>)
      %dma_wait3A = arith.constant 0 : i32
      %dma_wait3A_139 = arith.constant 0 : i32
      %dma_wait3A_140 = tpu.memref_slice %arg4[%arg0, %add3A_20, %dma_wait3A, %dma_wait3A_139] : memref<2x32x80x128xi32, #tpu.memory_space<hbm>> -> memref<1x1x80x128xi32, #tpu.memory_space<hbm>>
      %dma_wait3A_141 = tpu.memref_squeeze %dma_wait3A_140 : memref<1x1x80x128xi32, #tpu.memory_space<hbm>> -> memref<80x128xi32, #tpu.memory_space<hbm>>
      %dma_wait3A_142 = arith.constant 0 : i32
      %dma_wait3A_143 = arith.constant 0 : i32
      %dma_wait3A_144 = tpu.memref_slice %arg4[%arg0, %add3A_20, %dma_wait3A_142, %dma_wait3A_143] : memref<2x32x80x128xi32, #tpu.memory_space<hbm>> -> memref<1x1x80x128xi32, #tpu.memory_space<hbm>>
      %dma_wait3A_145 = tpu.memref_squeeze %dma_wait3A_144 : memref<1x1x80x128xi32, #tpu.memory_space<hbm>> -> memref<80x128xi32, #tpu.memory_space<hbm>>
      tpu.wait_dma2 semaphore(%run_scoped3A : memref<!tpu.dma_semaphore, #tpu.memory_space<semaphore_mem>>) src(%dma_wait3A_145 : memref<80x128xi32, #tpu.memory_space<hbm>>) dst(%arg8 : memref<80x128xi32, #tpu.memory_space<vmem>>)
      tpu.yield
    }) : () -> ()
    "tpu.region"() ({
      %run_scoped3A = tpu.sem_alloc : memref<!tpu.dma_semaphore, #tpu.memory_space<semaphore_mem>>
      %dma_start3A = arith.constant 0 : i32
      %dma_start3A_132 = tpu.memref_slice %arg5[%arg0, %add3A_20, %dma_start3A] : memref<2x32x16xi32, #tpu.memory_space<hbm>> -> memref<1x1x16xi32, #tpu.memory_space<hbm>>
      %dma_start3A_133 = tpu.memref_squeeze %dma_start3A_132 : memref<1x1x16xi32, #tpu.memory_space<hbm>> -> memref<16xi32, #tpu.memory_space<hbm>>
      %dma_start3A_134 = arith.constant 0 : i32
      %dma_start3A_135 = tpu.memref_slice %arg5[%arg0, %add3A_20, %dma_start3A_134] : memref<2x32x16xi32, #tpu.memory_space<hbm>> -> memref<1x1x16xi32, #tpu.memory_space<hbm>>
      %dma_start3A_136 = tpu.memref_squeeze %dma_start3A_135 : memref<1x1x16xi32, #tpu.memory_space<hbm>> -> memref<16xi32, #tpu.memory_space<hbm>>
      tpu.enqueue_dma source(%dma_start3A_136 : memref<16xi32, #tpu.memory_space<hbm>>) target(%arg13 : memref<16xi32, #tpu.memory_space<vmem>>) target_semaphore(%run_scoped3A : memref<!tpu.dma_semaphore, #tpu.memory_space<semaphore_mem>>)
      %dma_wait3A = arith.constant 0 : i32
      %dma_wait3A_137 = tpu.memref_slice %arg5[%arg0, %add3A_20, %dma_wait3A] : memref<2x32x16xi32, #tpu.memory_space<hbm>> -> memref<1x1x16xi32, #tpu.memory_space<hbm>>
      %dma_wait3A_138 = tpu.memref_squeeze %dma_wait3A_137 : memref<1x1x16xi32, #tpu.memory_space<hbm>> -> memref<16xi32, #tpu.memory_space<hbm>>
      %dma_wait3A_139 = arith.constant 0 : i32
      %dma_wait3A_140 = tpu.memref_slice %arg5[%arg0, %add3A_20, %dma_wait3A_139] : memref<2x32x16xi32, #tpu.memory_space<hbm>> -> memref<1x1x16xi32, #tpu.memory_space<hbm>>
      %dma_wait3A_141 = tpu.memref_squeeze %dma_wait3A_140 : memref<1x1x16xi32, #tpu.memory_space<hbm>> -> memref<16xi32, #tpu.memory_space<hbm>>
      tpu.wait_dma2 semaphore(%run_scoped3A : memref<!tpu.dma_semaphore, #tpu.memory_space<semaphore_mem>>) src(%dma_wait3A_141 : memref<16xi32, #tpu.memory_space<hbm>>) dst(%arg13 : memref<16xi32, #tpu.memory_space<vmem>>)
      tpu.yield
    }) : () -> ()
    %get3A_68 = arith.constant 0 : index
    %get3A_69 = tpu.vector_load %arg13[%get3A_68] {strides = array<i32>} : memref<16xi32, #tpu.memory_space<vmem>>, vector<16xi32>,
    %get3A_70 = vector.shape_cast %get3A_69 : vector<16xi32> to vector<16xi32>
    %slice3A_71 = vector.extract_strided_slice %get3A_70 {offsets = [0], sizes = [1], strides = [1]} : vector<16xi32> to vector<1xi32>
    %squeeze3A_72 = vector.extract %slice3A_71[0] : i32 from vector<1xi32>
    %mul3A_73 = arith.constant 4 : i32
    %mul3A_74 = arith.muli %squeeze3A_72, %mul3A_73 : i32
    %gt3A_75 = arith.constant 0 : i32
    %gt3A_76 = arith.cmpi sgt, %mul3A_74, %gt3A_75 : i32
    %convert_element_type3A_77 = arith.extui %gt3A_76 : i1 to i32
    %cond3A_78 = arith.constant 0 : i32
    %cond3A_79 = arith.cmpi ne, %convert_element_type3A_77, %cond3A_78 : i32
    scf.if %cond3A_79 {
      %dma_start3A = arith.constant 0 : i32
      %dma_start3A_132 = arith.constant 0 : i32
      %dma_start3A_133 = tpu.memref_slice %arg7[%dma_start3A, %dma_start3A_132] : memref<80x128xi32, #tpu.memory_space<vmem>> -> memref<1x128xi32, #tpu.memory_space<vmem>>
      %dma_start3A_134 = tpu.memref_squeeze %dma_start3A_133 : memref<1x128xi32, #tpu.memory_space<vmem>> -> memref<128xi32, #tpu.memory_space<vmem>>
      %dma_start3A_135 = arith.constant 0 : i32
      %dma_start3A_136 = arith.constant 0 : i32
      %dma_start3A_137 = tpu.memref_slice %arg2[%dma_start3A_135, %dma_start3A_136] : memref<10000x128xf32, #tpu.memory_space<hbm>> -> memref<10000x128xf32, #tpu.memory_space<hbm>>
      tpu.enqueue_indirect_dma source(%dma_start3A_137 : memref<10000x128xf32, #tpu.memory_space<hbm>>) target(%arg9 : memref<128x128xf32, #tpu.memory_space<vmem>>) offsets(%dma_start3A_134 : memref<128xi32, #tpu.memory_space<vmem>>) semaphore(%arg15 : memref<!tpu.dma_semaphore, #tpu.memory_space<semaphore_mem>>)
    } else {
    }
    %gt3A_80 = arith.constant 1 : i32
    %gt3A_81 = arith.cmpi sgt, %mul3A_74, %gt3A_80 : i32
    %convert_element_type3A_82 = arith.extui %gt3A_81 : i1 to i32
    %cond3A_83 = arith.constant 0 : i32
    %cond3A_84 = arith.cmpi ne, %convert_element_type3A_82, %cond3A_83 : i32
    scf.if %cond3A_84 {
      %dma_start3A = arith.constant 1 : i32
      %dma_start3A_132 = arith.constant 0 : i32
      %dma_start3A_133 = tpu.memref_slice %arg7[%dma_start3A, %dma_start3A_132] : memref<80x128xi32, #tpu.memory_space<vmem>> -> memref<1x128xi32, #tpu.memory_space<vmem>>
      %dma_start3A_134 = tpu.memref_squeeze %dma_start3A_133 : memref<1x128xi32, #tpu.memory_space<vmem>> -> memref<128xi32, #tpu.memory_space<vmem>>
      %dma_start3A_135 = arith.constant 0 : i32
      %dma_start3A_136 = arith.constant 0 : i32
      %dma_start3A_137 = tpu.memref_slice %arg2[%dma_start3A_135, %dma_start3A_136] : memref<10000x128xf32, #tpu.memory_space<hbm>> -> memref<10000x128xf32, #tpu.memory_space<hbm>>
      tpu.enqueue_indirect_dma source(%dma_start3A_137 : memref<10000x128xf32, #tpu.memory_space<hbm>>) target(%arg10 : memref<128x128xf32, #tpu.memory_space<vmem>>) offsets(%dma_start3A_134 : memref<128xi32, #tpu.memory_space<vmem>>) semaphore(%arg16 : memref<!tpu.dma_semaphore, #tpu.memory_space<semaphore_mem>>)
    } else {
    }
    %gt3A_85 = arith.constant 2 : i32
    %gt3A_86 = arith.cmpi sgt, %mul3A_74, %gt3A_85 : i32
    %convert_element_type3A_87 = arith.extui %gt3A_86 : i1 to i32
    %cond3A_88 = arith.constant 0 : i32
    %cond3A_89 = arith.cmpi ne, %convert_element_type3A_87, %cond3A_88 : i32
    scf.if %cond3A_89 {
      %dma_start3A = arith.constant 2 : i32
      %dma_start3A_132 = arith.constant 0 : i32
      %dma_start3A_133 = tpu.memref_slice %arg7[%dma_start3A, %dma_start3A_132] : memref<80x128xi32, #tpu.memory_space<vmem>> -> memref<1x128xi32, #tpu.memory_space<vmem>>
      %dma_start3A_134 = tpu.memref_squeeze %dma_start3A_133 : memref<1x128xi32, #tpu.memory_space<vmem>> -> memref<128xi32, #tpu.memory_space<vmem>>
      %dma_start3A_135 = arith.constant 0 : i32
      %dma_start3A_136 = arith.constant 0 : i32
      %dma_start3A_137 = tpu.memref_slice %arg2[%dma_start3A_135, %dma_start3A_136] : memref<10000x128xf32, #tpu.memory_space<hbm>> -> memref<10000x128xf32, #tpu.memory_space<hbm>>
      tpu.enqueue_indirect_dma source(%dma_start3A_137 : memref<10000x128xf32, #tpu.memory_space<hbm>>) target(%arg11 : memref<128x128xf32, #tpu.memory_space<vmem>>) offsets(%dma_start3A_134 : memref<128xi32, #tpu.memory_space<vmem>>) semaphore(%arg17 : memref<!tpu.dma_semaphore, #tpu.memory_space<semaphore_mem>>)
    } else {
    }
    %while3A_90 = arith.constant 0 : i32
    %while3A_91 = arith.constant 0 : i32
    %while3A_92 = arith.subi %squeeze3A_72, %while3A_91 : i32
    %while3A_93 = arith.addi %while3A_91, %while3A_92 : i32
    %while3A_94 = arith.constant 1 : i32
    %while3A_95 = arith.divsi %while3A_92, %while3A_94 : i32
    %while3A_96 = arith.muli %while3A_95, %while3A_94 : i32
    %while3A_97 = arith.addi %while3A_91, %while3A_96 : i32
    %while3A_98 = arith.constant 1 : i32
    scf.for %while3A_132 = %while3A_91 to %while3A_97 step %while3A_98  : i32 {
      %mul3A_133 = arith.constant 4 : i32
      %mul3A_134 = arith.muli %while3A_132, %mul3A_133 : i32
      %add3A_135 = arith.constant 0 : i32
      %add3A_136 = arith.addi %mul3A_134, %add3A_135 : i32
      %add3A_137 = arith.constant 4 : i32
      %add3A_138 = arith.addi %add3A_136, %add3A_137 : i32
      %sub3A = arith.constant 1 : i32
      %sub3A_139 = arith.subi %add3A_138, %sub3A : i32
      %lt3A_140 = arith.cmpi slt, %sub3A_139, %mul3A_74 : i32
      %convert_element_type3A_141 = arith.extui %lt3A_140 : i1 to i32
      %cond3A_142 = arith.constant 0 : i32
      %cond3A_143 = arith.cmpi ne, %convert_element_type3A_141, %cond3A_142 : i32
      scf.if %cond3A_143 {
        %gt3A_230 = arith.constant 0 : i32
        %gt3A_231 = arith.cmpi sgt, %add3A_136, %gt3A_230 : i32
        %convert_element_type3A_232 = arith.extui %gt3A_231 : i1 to i32
        %cond3A_233 = arith.constant 0 : i32
        %cond3A_234 = arith.cmpi ne, %convert_element_type3A_232, %cond3A_233 : i32
        scf.if %cond3A_234 {
          %dma_wait3A_245 = arith.constant 0 : i32
          %dma_wait3A_246 = arith.constant 0 : i32
          %dma_wait3A_247 = tpu.memref_slice %arg8[%dma_wait3A_245, %dma_wait3A_246] : memref<80x128xi32, #tpu.memory_space<vmem>> -> memref<1x128xi32, #tpu.memory_space<vmem>>
          %dma_wait3A_248 = tpu.memref_squeeze %dma_wait3A_247 : memref<1x128xi32, #tpu.memory_space<vmem>> -> memref<128xi32, #tpu.memory_space<vmem>>
          %dma_wait3A_249 = arith.constant 0 : i32
          %dma_wait3A_250 = arith.constant 0 : i32
          %dma_wait3A_251 = tpu.memref_slice %arg14[%dma_wait3A_249, %dma_wait3A_250] : memref<5120x128xf32, #tpu.memory_space<vmem_shared>> -> memref<5120x128xf32, #tpu.memory_space<vmem_shared>>
          tpu.wait_indirect_dma semaphore(%arg22 : memref<!tpu.dma_semaphore, #tpu.memory_space<semaphore_mem>>) src(%arg12 : memref<128x128xf32, #tpu.memory_space<vmem>>) dst(%dma_wait3A_251 : memref<5120x128xf32, #tpu.memory_space<vmem_shared>>)
        } else {
        }
        %add3A_235 = arith.constant 4 : i32
        %add3A_236 = arith.addi %add3A_136, %add3A_235 : i32
        %sub3A_237 = arith.constant 1 : i32
        %sub3A_238 = arith.subi %add3A_236, %sub3A_237 : i32
        %dma_start3A_239 = arith.constant 0 : i32
        %dma_start3A_240 = tpu.memref_slice %arg7[%sub3A_238, %dma_start3A_239] : memref<80x128xi32, #tpu.memory_space<vmem>> -> memref<1x128xi32, #tpu.memory_space<vmem>>
        %dma_start3A_241 = tpu.memref_squeeze %dma_start3A_240 : memref<1x128xi32, #tpu.memory_space<vmem>> -> memref<128xi32, #tpu.memory_space<vmem>>
        %dma_start3A_242 = arith.constant 0 : i32
        %dma_start3A_243 = arith.constant 0 : i32
        %dma_start3A_244 = tpu.memref_slice %arg2[%dma_start3A_242, %dma_start3A_243] : memref<10000x128xf32, #tpu.memory_space<hbm>> -> memref<10000x128xf32, #tpu.memory_space<hbm>>
        tpu.enqueue_indirect_dma source(%dma_start3A_244 : memref<10000x128xf32, #tpu.memory_space<hbm>>) target(%arg12 : memref<128x128xf32, #tpu.memory_space<vmem>>) offsets(%dma_start3A_241 : memref<128xi32, #tpu.memory_space<vmem>>) semaphore(%arg18 : memref<!tpu.dma_semaphore, #tpu.memory_space<semaphore_mem>>)
      } else {
      }
      %dma_wait3A = arith.constant 0 : i32
      %dma_wait3A_144 = arith.constant 0 : i32
      %dma_wait3A_145 = tpu.memref_slice %arg7[%dma_wait3A, %dma_wait3A_144] : memref<80x128xi32, #tpu.memory_space<vmem>> -> memref<1x128xi32, #tpu.memory_space<vmem>>
      %dma_wait3A_146 = tpu.memref_squeeze %dma_wait3A_145 : memref<1x128xi32, #tpu.memory_space<vmem>> -> memref<128xi32, #tpu.memory_space<vmem>>
      %dma_wait3A_147 = arith.constant 0 : i32
      %dma_wait3A_148 = arith.constant 0 : i32
      %dma_wait3A_149 = tpu.memref_slice %arg2[%dma_wait3A_147, %dma_wait3A_148] : memref<10000x128xf32, #tpu.memory_space<hbm>> -> memref<10000x128xf32, #tpu.memory_space<hbm>>
      tpu.wait_indirect_dma semaphore(%arg15 : memref<!tpu.dma_semaphore, #tpu.memory_space<semaphore_mem>>) src(%dma_wait3A_149 : memref<10000x128xf32, #tpu.memory_space<hbm>>) dst(%arg9 : memref<128x128xf32, #tpu.memory_space<vmem>>)
      %dma_start3A = arith.constant 0 : i32
      %dma_start3A_150 = tpu.memref_slice %arg8[%add3A_136, %dma_start3A] : memref<80x128xi32, #tpu.memory_space<vmem>> -> memref<1x128xi32, #tpu.memory_space<vmem>>
      %dma_start3A_151 = tpu.memref_squeeze %dma_start3A_150 : memref<1x128xi32, #tpu.memory_space<vmem>> -> memref<128xi32, #tpu.memory_space<vmem>>
      %dma_start3A_152 = arith.constant 0 : i32
      %dma_start3A_153 = arith.constant 0 : i32
      %dma_start3A_154 = tpu.memref_slice %arg14[%dma_start3A_152, %dma_start3A_153] : memref<5120x128xf32, #tpu.memory_space<vmem_shared>> -> memref<5120x128xf32, #tpu.memory_space<vmem_shared>>
      tpu.enqueue_indirect_dma source(%arg9 : memref<128x128xf32, #tpu.memory_space<vmem>>) target(%dma_start3A_154 : memref<5120x128xf32, #tpu.memory_space<vmem_shared>>) offsets(%dma_start3A_151 : memref<128xi32, #tpu.memory_space<vmem>>) semaphore(%arg19 : memref<!tpu.dma_semaphore, #tpu.memory_space<semaphore_mem>>) {add = true}
      %mul3A_155 = arith.constant 4 : i32
      %mul3A_156 = arith.muli %while3A_132, %mul3A_155 : i32
      %add3A_157 = arith.constant 1 : i32
      %add3A_158 = arith.addi %mul3A_156, %add3A_157 : i32
      %add3A_159 = arith.constant 4 : i32
      %add3A_160 = arith.addi %add3A_158, %add3A_159 : i32
      %sub3A_161 = arith.constant 1 : i32
      %sub3A_162 = arith.subi %add3A_160, %sub3A_161 : i32
      %lt3A_163 = arith.cmpi slt, %sub3A_162, %mul3A_74 : i32
      %convert_element_type3A_164 = arith.extui %lt3A_163 : i1 to i32
      %cond3A_165 = arith.constant 0 : i32
      %cond3A_166 = arith.cmpi ne, %convert_element_type3A_164, %cond3A_165 : i32
      scf.if %cond3A_166 {
        %gt3A_230 = arith.constant 0 : i32
        %gt3A_231 = arith.cmpi sgt, %add3A_158, %gt3A_230 : i32
        %convert_element_type3A_232 = arith.extui %gt3A_231 : i1 to i32
        %cond3A_233 = arith.constant 0 : i32
        %cond3A_234 = arith.cmpi ne, %convert_element_type3A_232, %cond3A_233 : i32
        scf.if %cond3A_234 {
          %dma_wait3A_245 = arith.constant 0 : i32
          %dma_wait3A_246 = arith.constant 0 : i32
          %dma_wait3A_247 = tpu.memref_slice %arg8[%dma_wait3A_245, %dma_wait3A_246] : memref<80x128xi32, #tpu.memory_space<vmem>> -> memref<1x128xi32, #tpu.memory_space<vmem>>
          %dma_wait3A_248 = tpu.memref_squeeze %dma_wait3A_247 : memref<1x128xi32, #tpu.memory_space<vmem>> -> memref<128xi32, #tpu.memory_space<vmem>>
          %dma_wait3A_249 = arith.constant 0 : i32
          %dma_wait3A_250 = arith.constant 0 : i32
          %dma_wait3A_251 = tpu.memref_slice %arg14[%dma_wait3A_249, %dma_wait3A_250] : memref<5120x128xf32, #tpu.memory_space<vmem_shared>> -> memref<5120x128xf32, #tpu.memory_space<vmem_shared>>
          tpu.wait_indirect_dma semaphore(%arg19 : memref<!tpu.dma_semaphore, #tpu.memory_space<semaphore_mem>>) src(%arg9 : memref<128x128xf32, #tpu.memory_space<vmem>>) dst(%dma_wait3A_251 : memref<5120x128xf32, #tpu.memory_space<vmem_shared>>)
        } else {
        }
        %add3A_235 = arith.constant 4 : i32
        %add3A_236 = arith.addi %add3A_158, %add3A_235 : i32
        %sub3A_237 = arith.constant 1 : i32
        %sub3A_238 = arith.subi %add3A_236, %sub3A_237 : i32
        %dma_start3A_239 = arith.constant 0 : i32
        %dma_start3A_240 = tpu.memref_slice %arg7[%sub3A_238, %dma_start3A_239] : memref<80x128xi32, #tpu.memory_space<vmem>> -> memref<1x128xi32, #tpu.memory_space<vmem>>
        %dma_start3A_241 = tpu.memref_squeeze %dma_start3A_240 : memref<1x128xi32, #tpu.memory_space<vmem>> -> memref<128xi32, #tpu.memory_space<vmem>>
        %dma_start3A_242 = arith.constant 0 : i32
        %dma_start3A_243 = arith.constant 0 : i32
        %dma_start3A_244 = tpu.memref_slice %arg2[%dma_start3A_242, %dma_start3A_243] : memref<10000x128xf32, #tpu.memory_space<hbm>> -> memref<10000x128xf32, #tpu.memory_space<hbm>>
        tpu.enqueue_indirect_dma source(%dma_start3A_244 : memref<10000x128xf32, #tpu.memory_space<hbm>>) target(%arg9 : memref<128x128xf32, #tpu.memory_space<vmem>>) offsets(%dma_start3A_241 : memref<128xi32, #tpu.memory_space<vmem>>) semaphore(%arg15 : memref<!tpu.dma_semaphore, #tpu.memory_space<semaphore_mem>>)
      } else {
      }
      %dma_wait3A_167 = arith.constant 0 : i32
      %dma_wait3A_168 = arith.constant 0 : i32
      %dma_wait3A_169 = tpu.memref_slice %arg7[%dma_wait3A_167, %dma_wait3A_168] : memref<80x128xi32, #tpu.memory_space<vmem>> -> memref<1x128xi32, #tpu.memory_space<vmem>>
      %dma_wait3A_170 = tpu.memref_squeeze %dma_wait3A_169 : memref<1x128xi32, #tpu.memory_space<vmem>> -> memref<128xi32, #tpu.memory_space<vmem>>
      %dma_wait3A_171 = arith.constant 0 : i32
      %dma_wait3A_172 = arith.constant 0 : i32
      %dma_wait3A_173 = tpu.memref_slice %arg2[%dma_wait3A_171, %dma_wait3A_172] : memref<10000x128xf32, #tpu.memory_space<hbm>> -> memref<10000x128xf32, #tpu.memory_space<hbm>>
      tpu.wait_indirect_dma semaphore(%arg16 : memref<!tpu.dma_semaphore, #tpu.memory_space<semaphore_mem>>) src(%dma_wait3A_173 : memref<10000x128xf32, #tpu.memory_space<hbm>>) dst(%arg10 : memref<128x128xf32, #tpu.memory_space<vmem>>)
      %dma_start3A_174 = arith.constant 0 : i32
      %dma_start3A_175 = tpu.memref_slice %arg8[%add3A_158, %dma_start3A_174] : memref<80x128xi32, #tpu.memory_space<vmem>> -> memref<1x128xi32, #tpu.memory_space<vmem>>
      %dma_start3A_176 = tpu.memref_squeeze %dma_start3A_175 : memref<1x128xi32, #tpu.memory_space<vmem>> -> memref<128xi32, #tpu.memory_space<vmem>>
      %dma_start3A_177 = arith.constant 0 : i32
      %dma_start3A_178 = arith.constant 0 : i32
      %dma_start3A_179 = tpu.memref_slice %arg14[%dma_start3A_177, %dma_start3A_178] : memref<5120x128xf32, #tpu.memory_space<vmem_shared>> -> memref<5120x128xf32, #tpu.memory_space<vmem_shared>>
      tpu.enqueue_indirect_dma source(%arg10 : memref<128x128xf32, #tpu.memory_space<vmem>>) target(%dma_start3A_179 : memref<5120x128xf32, #tpu.memory_space<vmem_shared>>) offsets(%dma_start3A_176 : memref<128xi32, #tpu.memory_space<vmem>>) semaphore(%arg20 : memref<!tpu.dma_semaphore, #tpu.memory_space<semaphore_mem>>) {add = true}
      %mul3A_180 = arith.constant 4 : i32
      %mul3A_181 = arith.muli %while3A_132, %mul3A_180 : i32
      %add3A_182 = arith.constant 2 : i32
      %add3A_183 = arith.addi %mul3A_181, %add3A_182 : i32
      %add3A_184 = arith.constant 4 : i32
      %add3A_185 = arith.addi %add3A_183, %add3A_184 : i32
      %sub3A_186 = arith.constant 1 : i32
      %sub3A_187 = arith.subi %add3A_185, %sub3A_186 : i32
      %lt3A_188 = arith.cmpi slt, %sub3A_187, %mul3A_74 : i32
      %convert_element_type3A_189 = arith.extui %lt3A_188 : i1 to i32
      %cond3A_190 = arith.constant 0 : i32
      %cond3A_191 = arith.cmpi ne, %convert_element_type3A_189, %cond3A_190 : i32
      scf.if %cond3A_191 {
        %gt3A_230 = arith.constant 0 : i32
        %gt3A_231 = arith.cmpi sgt, %add3A_183, %gt3A_230 : i32
        %convert_element_type3A_232 = arith.extui %gt3A_231 : i1 to i32
        %cond3A_233 = arith.constant 0 : i32
        %cond3A_234 = arith.cmpi ne, %convert_element_type3A_232, %cond3A_233 : i32
        scf.if %cond3A_234 {
          %dma_wait3A_245 = arith.constant 0 : i32
          %dma_wait3A_246 = arith.constant 0 : i32
          %dma_wait3A_247 = tpu.memref_slice %arg8[%dma_wait3A_245, %dma_wait3A_246] : memref<80x128xi32, #tpu.memory_space<vmem>> -> memref<1x128xi32, #tpu.memory_space<vmem>>
          %dma_wait3A_248 = tpu.memref_squeeze %dma_wait3A_247 : memref<1x128xi32, #tpu.memory_space<vmem>> -> memref<128xi32, #tpu.memory_space<vmem>>
          %dma_wait3A_249 = arith.constant 0 : i32
          %dma_wait3A_250 = arith.constant 0 : i32
          %dma_wait3A_251 = tpu.memref_slice %arg14[%dma_wait3A_249, %dma_wait3A_250] : memref<5120x128xf32, #tpu.memory_space<vmem_shared>> -> memref<5120x128xf32, #tpu.memory_space<vmem_shared>>
          tpu.wait_indirect_dma semaphore(%arg20 : memref<!tpu.dma_semaphore, #tpu.memory_space<semaphore_mem>>) src(%arg10 : memref<128x128xf32, #tpu.memory_space<vmem>>) dst(%dma_wait3A_251 : memref<5120x128xf32, #tpu.memory_space<vmem_shared>>)
        } else {
        }
        %add3A_235 = arith.constant 4 : i32
        %add3A_236 = arith.addi %add3A_183, %add3A_235 : i32
        %sub3A_237 = arith.constant 1 : i32
        %sub3A_238 = arith.subi %add3A_236, %sub3A_237 : i32
        %dma_start3A_239 = arith.constant 0 : i32
        %dma_start3A_240 = tpu.memref_slice %arg7[%sub3A_238, %dma_start3A_239] : memref<80x128xi32, #tpu.memory_space<vmem>> -> memref<1x128xi32, #tpu.memory_space<vmem>>
        %dma_start3A_241 = tpu.memref_squeeze %dma_start3A_240 : memref<1x128xi32, #tpu.memory_space<vmem>> -> memref<128xi32, #tpu.memory_space<vmem>>
        %dma_start3A_242 = arith.constant 0 : i32
        %dma_start3A_243 = arith.constant 0 : i32
        %dma_start3A_244 = tpu.memref_slice %arg2[%dma_start3A_242, %dma_start3A_243] : memref<10000x128xf32, #tpu.memory_space<hbm>> -> memref<10000x128xf32, #tpu.memory_space<hbm>>
        tpu.enqueue_indirect_dma source(%dma_start3A_244 : memref<10000x128xf32, #tpu.memory_space<hbm>>) target(%arg10 : memref<128x128xf32, #tpu.memory_space<vmem>>) offsets(%dma_start3A_241 : memref<128xi32, #tpu.memory_space<vmem>>) semaphore(%arg16 : memref<!tpu.dma_semaphore, #tpu.memory_space<semaphore_mem>>)
      } else {
      }
      %dma_wait3A_192 = arith.constant 0 : i32
      %dma_wait3A_193 = arith.constant 0 : i32
      %dma_wait3A_194 = tpu.memref_slice %arg7[%dma_wait3A_192, %dma_wait3A_193] : memref<80x128xi32, #tpu.memory_space<vmem>> -> memref<1x128xi32, #tpu.memory_space<vmem>>
      %dma_wait3A_195 = tpu.memref_squeeze %dma_wait3A_194 : memref<1x128xi32, #tpu.memory_space<vmem>> -> memref<128xi32, #tpu.memory_space<vmem>>
      %dma_wait3A_196 = arith.constant 0 : i32
      %dma_wait3A_197 = arith.constant 0 : i32
      %dma_wait3A_198 = tpu.memref_slice %arg2[%dma_wait3A_196, %dma_wait3A_197] : memref<10000x128xf32, #tpu.memory_space<hbm>> -> memref<10000x128xf32, #tpu.memory_space<hbm>>
      tpu.wait_indirect_dma semaphore(%arg17 : memref<!tpu.dma_semaphore, #tpu.memory_space<semaphore_mem>>) src(%dma_wait3A_198 : memref<10000x128xf32, #tpu.memory_space<hbm>>) dst(%arg11 : memref<128x128xf32, #tpu.memory_space<vmem>>)
      %dma_start3A_199 = arith.constant 0 : i32
      %dma_start3A_200 = tpu.memref_slice %arg8[%add3A_183, %dma_start3A_199] : memref<80x128xi32, #tpu.memory_space<vmem>> -> memref<1x128xi32, #tpu.memory_space<vmem>>
      %dma_start3A_201 = tpu.memref_squeeze %dma_start3A_200 : memref<1x128xi32, #tpu.memory_space<vmem>> -> memref<128xi32, #tpu.memory_space<vmem>>
      %dma_start3A_202 = arith.constant 0 : i32
      %dma_start3A_203 = arith.constant 0 : i32
      %dma_start3A_204 = tpu.memref_slice %arg14[%dma_start3A_202, %dma_start3A_203] : memref<5120x128xf32, #tpu.memory_space<vmem_shared>> -> memref<5120x128xf32, #tpu.memory_space<vmem_shared>>
      tpu.enqueue_indirect_dma source(%arg11 : memref<128x128xf32, #tpu.memory_space<vmem>>) target(%dma_start3A_204 : memref<5120x128xf32, #tpu.memory_space<vmem_shared>>) offsets(%dma_start3A_201 : memref<128xi32, #tpu.memory_space<vmem>>) semaphore(%arg21 : memref<!tpu.dma_semaphore, #tpu.memory_space<semaphore_mem>>) {add = true}
      %mul3A_205 = arith.constant 4 : i32
      %mul3A_206 = arith.muli %while3A_132, %mul3A_205 : i32
      %add3A_207 = arith.constant 3 : i32
      %add3A_208 = arith.addi %mul3A_206, %add3A_207 : i32
      %add3A_209 = arith.constant 4 : i32
      %add3A_210 = arith.addi %add3A_208, %add3A_209 : i32
      %sub3A_211 = arith.constant 1 : i32
      %sub3A_212 = arith.subi %add3A_210, %sub3A_211 : i32
      %lt3A_213 = arith.cmpi slt, %sub3A_212, %mul3A_74 : i32
      %convert_element_type3A_214 = arith.extui %lt3A_213 : i1 to i32
      %cond3A_215 = arith.constant 0 : i32
      %cond3A_216 = arith.cmpi ne, %convert_element_type3A_214, %cond3A_215 : i32
      scf.if %cond3A_216 {
        %gt3A_230 = arith.constant 0 : i32
        %gt3A_231 = arith.cmpi sgt, %add3A_208, %gt3A_230 : i32
        %convert_element_type3A_232 = arith.extui %gt3A_231 : i1 to i32
        %cond3A_233 = arith.constant 0 : i32
        %cond3A_234 = arith.cmpi ne, %convert_element_type3A_232, %cond3A_233 : i32
        scf.if %cond3A_234 {
          %dma_wait3A_245 = arith.constant 0 : i32
          %dma_wait3A_246 = arith.constant 0 : i32
          %dma_wait3A_247 = tpu.memref_slice %arg8[%dma_wait3A_245, %dma_wait3A_246] : memref<80x128xi32, #tpu.memory_space<vmem>> -> memref<1x128xi32, #tpu.memory_space<vmem>>
          %dma_wait3A_248 = tpu.memref_squeeze %dma_wait3A_247 : memref<1x128xi32, #tpu.memory_space<vmem>> -> memref<128xi32, #tpu.memory_space<vmem>>
          %dma_wait3A_249 = arith.constant 0 : i32
          %dma_wait3A_250 = arith.constant 0 : i32
          %dma_wait3A_251 = tpu.memref_slice %arg14[%dma_wait3A_249, %dma_wait3A_250] : memref<5120x128xf32, #tpu.memory_space<vmem_shared>> -> memref<5120x128xf32, #tpu.memory_space<vmem_shared>>
          tpu.wait_indirect_dma semaphore(%arg21 : memref<!tpu.dma_semaphore, #tpu.memory_space<semaphore_mem>>) src(%arg11 : memref<128x128xf32, #tpu.memory_space<vmem>>) dst(%dma_wait3A_251 : memref<5120x128xf32, #tpu.memory_space<vmem_shared>>)
        } else {
        }
        %add3A_235 = arith.constant 4 : i32
        %add3A_236 = arith.addi %add3A_208, %add3A_235 : i32
        %sub3A_237 = arith.constant 1 : i32
        %sub3A_238 = arith.subi %add3A_236, %sub3A_237 : i32
        %dma_start3A_239 = arith.constant 0 : i32
        %dma_start3A_240 = tpu.memref_slice %arg7[%sub3A_238, %dma_start3A_239] : memref<80x128xi32, #tpu.memory_space<vmem>> -> memref<1x128xi32, #tpu.memory_space<vmem>>
        %dma_start3A_241 = tpu.memref_squeeze %dma_start3A_240 : memref<1x128xi32, #tpu.memory_space<vmem>> -> memref<128xi32, #tpu.memory_space<vmem>>
        %dma_start3A_242 = arith.constant 0 : i32
        %dma_start3A_243 = arith.constant 0 : i32
        %dma_start3A_244 = tpu.memref_slice %arg2[%dma_start3A_242, %dma_start3A_243] : memref<10000x128xf32, #tpu.memory_space<hbm>> -> memref<10000x128xf32, #tpu.memory_space<hbm>>
        tpu.enqueue_indirect_dma source(%dma_start3A_244 : memref<10000x128xf32, #tpu.memory_space<hbm>>) target(%arg11 : memref<128x128xf32, #tpu.memory_space<vmem>>) offsets(%dma_start3A_241 : memref<128xi32, #tpu.memory_space<vmem>>) semaphore(%arg17 : memref<!tpu.dma_semaphore, #tpu.memory_space<semaphore_mem>>)
      } else {
      }
      %dma_wait3A_217 = arith.constant 0 : i32
      %dma_wait3A_218 = arith.constant 0 : i32
      %dma_wait3A_219 = tpu.memref_slice %arg7[%dma_wait3A_217, %dma_wait3A_218] : memref<80x128xi32, #tpu.memory_space<vmem>> -> memref<1x128xi32, #tpu.memory_space<vmem>>
      %dma_wait3A_220 = tpu.memref_squeeze %dma_wait3A_219 : memref<1x128xi32, #tpu.memory_space<vmem>> -> memref<128xi32, #tpu.memory_space<vmem>>
      %dma_wait3A_221 = arith.constant 0 : i32
      %dma_wait3A_222 = arith.constant 0 : i32
      %dma_wait3A_223 = tpu.memref_slice %arg2[%dma_wait3A_221, %dma_wait3A_222] : memref<10000x128xf32, #tpu.memory_space<hbm>> -> memref<10000x128xf32, #tpu.memory_space<hbm>>
      tpu.wait_indirect_dma semaphore(%arg18 : memref<!tpu.dma_semaphore, #tpu.memory_space<semaphore_mem>>) src(%dma_wait3A_223 : memref<10000x128xf32, #tpu.memory_space<hbm>>) dst(%arg12 : memref<128x128xf32, #tpu.memory_space<vmem>>)
      %dma_start3A_224 = arith.constant 0 : i32
      %dma_start3A_225 = tpu.memref_slice %arg8[%add3A_208, %dma_start3A_224] : memref<80x128xi32, #tpu.memory_space<vmem>> -> memref<1x128xi32, #tpu.memory_space<vmem>>
      %dma_start3A_226 = tpu.memref_squeeze %dma_start3A_225 : memref<1x128xi32, #tpu.memory_space<vmem>> -> memref<128xi32, #tpu.memory_space<vmem>>
      %dma_start3A_227 = arith.constant 0 : i32
      %dma_start3A_228 = arith.constant 0 : i32
      %dma_start3A_229 = tpu.memref_slice %arg14[%dma_start3A_227, %dma_start3A_228] : memref<5120x128xf32, #tpu.memory_space<vmem_shared>> -> memref<5120x128xf32, #tpu.memory_space<vmem_shared>>
      tpu.enqueue_indirect_dma source(%arg12 : memref<128x128xf32, #tpu.memory_space<vmem>>) target(%dma_start3A_229 : memref<5120x128xf32, #tpu.memory_space<vmem_shared>>) offsets(%dma_start3A_226 : memref<128xi32, #tpu.memory_space<vmem>>) semaphore(%arg22 : memref<!tpu.dma_semaphore, #tpu.memory_space<semaphore_mem>>) {add = true}
    }
    %while3A_99 = arith.constant 1 : i32
    scf.for %while3A_132 = %while3A_97 to %while3A_93 step %while3A_99  : i32 {
      %mul3A_133 = arith.constant 4 : i32
      %mul3A_134 = arith.muli %while3A_132, %mul3A_133 : i32
      %add3A_135 = arith.constant 0 : i32
      %add3A_136 = arith.addi %mul3A_134, %add3A_135 : i32
      %add3A_137 = arith.constant 4 : i32
      %add3A_138 = arith.addi %add3A_136, %add3A_137 : i32
      %sub3A = arith.constant 1 : i32
      %sub3A_139 = arith.subi %add3A_138, %sub3A : i32
      %lt3A_140 = arith.cmpi slt, %sub3A_139, %mul3A_74 : i32
      %convert_element_type3A_141 = arith.extui %lt3A_140 : i1 to i32
      %cond3A_142 = arith.constant 0 : i32
      %cond3A_143 = arith.cmpi ne, %convert_element_type3A_141, %cond3A_142 : i32
      scf.if %cond3A_143 {
        %gt3A_230 = arith.constant 0 : i32
        %gt3A_231 = arith.cmpi sgt, %add3A_136, %gt3A_230 : i32
        %convert_element_type3A_232 = arith.extui %gt3A_231 : i1 to i32
        %cond3A_233 = arith.constant 0 : i32
        %cond3A_234 = arith.cmpi ne, %convert_element_type3A_232, %cond3A_233 : i32
        scf.if %cond3A_234 {
          %dma_wait3A_245 = arith.constant 0 : i32
          %dma_wait3A_246 = arith.constant 0 : i32
          %dma_wait3A_247 = tpu.memref_slice %arg8[%dma_wait3A_245, %dma_wait3A_246] : memref<80x128xi32, #tpu.memory_space<vmem>> -> memref<1x128xi32, #tpu.memory_space<vmem>>
          %dma_wait3A_248 = tpu.memref_squeeze %dma_wait3A_247 : memref<1x128xi32, #tpu.memory_space<vmem>> -> memref<128xi32, #tpu.memory_space<vmem>>
          %dma_wait3A_249 = arith.constant 0 : i32
          %dma_wait3A_250 = arith.constant 0 : i32
          %dma_wait3A_251 = tpu.memref_slice %arg14[%dma_wait3A_249, %dma_wait3A_250] : memref<5120x128xf32, #tpu.memory_space<vmem_shared>> -> memref<5120x128xf32, #tpu.memory_space<vmem_shared>>
          tpu.wait_indirect_dma semaphore(%arg22 : memref<!tpu.dma_semaphore, #tpu.memory_space<semaphore_mem>>) src(%arg12 : memref<128x128xf32, #tpu.memory_space<vmem>>) dst(%dma_wait3A_251 : memref<5120x128xf32, #tpu.memory_space<vmem_shared>>)
        } else {
        }
        %add3A_235 = arith.constant 4 : i32
        %add3A_236 = arith.addi %add3A_136, %add3A_235 : i32
        %sub3A_237 = arith.constant 1 : i32
        %sub3A_238 = arith.subi %add3A_236, %sub3A_237 : i32
        %dma_start3A_239 = arith.constant 0 : i32
        %dma_start3A_240 = tpu.memref_slice %arg7[%sub3A_238, %dma_start3A_239] : memref<80x128xi32, #tpu.memory_space<vmem>> -> memref<1x128xi32, #tpu.memory_space<vmem>>
        %dma_start3A_241 = tpu.memref_squeeze %dma_start3A_240 : memref<1x128xi32, #tpu.memory_space<vmem>> -> memref<128xi32, #tpu.memory_space<vmem>>
        %dma_start3A_242 = arith.constant 0 : i32
        %dma_start3A_243 = arith.constant 0 : i32
        %dma_start3A_244 = tpu.memref_slice %arg2[%dma_start3A_242, %dma_start3A_243] : memref<10000x128xf32, #tpu.memory_space<hbm>> -> memref<10000x128xf32, #tpu.memory_space<hbm>>
        tpu.enqueue_indirect_dma source(%dma_start3A_244 : memref<10000x128xf32, #tpu.memory_space<hbm>>) target(%arg12 : memref<128x128xf32, #tpu.memory_space<vmem>>) offsets(%dma_start3A_241 : memref<128xi32, #tpu.memory_space<vmem>>) semaphore(%arg18 : memref<!tpu.dma_semaphore, #tpu.memory_space<semaphore_mem>>)
      } else {
      }
      %dma_wait3A = arith.constant 0 : i32
      %dma_wait3A_144 = arith.constant 0 : i32
      %dma_wait3A_145 = tpu.memref_slice %arg7[%dma_wait3A, %dma_wait3A_144] : memref<80x128xi32, #tpu.memory_space<vmem>> -> memref<1x128xi32, #tpu.memory_space<vmem>>
      %dma_wait3A_146 = tpu.memref_squeeze %dma_wait3A_145 : memref<1x128xi32, #tpu.memory_space<vmem>> -> memref<128xi32, #tpu.memory_space<vmem>>
      %dma_wait3A_147 = arith.constant 0 : i32
      %dma_wait3A_148 = arith.constant 0 : i32
      %dma_wait3A_149 = tpu.memref_slice %arg2[%dma_wait3A_147, %dma_wait3A_148] : memref<10000x128xf32, #tpu.memory_space<hbm>> -> memref<10000x128xf32, #tpu.memory_space<hbm>>
      tpu.wait_indirect_dma semaphore(%arg15 : memref<!tpu.dma_semaphore, #tpu.memory_space<semaphore_mem>>) src(%dma_wait3A_149 : memref<10000x128xf32, #tpu.memory_space<hbm>>) dst(%arg9 : memref<128x128xf32, #tpu.memory_space<vmem>>)
      %dma_start3A = arith.constant 0 : i32
      %dma_start3A_150 = tpu.memref_slice %arg8[%add3A_136, %dma_start3A] : memref<80x128xi32, #tpu.memory_space<vmem>> -> memref<1x128xi32, #tpu.memory_space<vmem>>
      %dma_start3A_151 = tpu.memref_squeeze %dma_start3A_150 : memref<1x128xi32, #tpu.memory_space<vmem>> -> memref<128xi32, #tpu.memory_space<vmem>>
      %dma_start3A_152 = arith.constant 0 : i32
      %dma_start3A_153 = arith.constant 0 : i32
      %dma_start3A_154 = tpu.memref_slice %arg14[%dma_start3A_152, %dma_start3A_153] : memref<5120x128xf32, #tpu.memory_space<vmem_shared>> -> memref<5120x128xf32, #tpu.memory_space<vmem_shared>>
      tpu.enqueue_indirect_dma source(%arg9 : memref<128x128xf32, #tpu.memory_space<vmem>>) target(%dma_start3A_154 : memref<5120x128xf32, #tpu.memory_space<vmem_shared>>) offsets(%dma_start3A_151 : memref<128xi32, #tpu.memory_space<vmem>>) semaphore(%arg19 : memref<!tpu.dma_semaphore, #tpu.memory_space<semaphore_mem>>) {add = true}
      %mul3A_155 = arith.constant 4 : i32
      %mul3A_156 = arith.muli %while3A_132, %mul3A_155 : i32
      %add3A_157 = arith.constant 1 : i32
      %add3A_158 = arith.addi %mul3A_156, %add3A_157 : i32
      %add3A_159 = arith.constant 4 : i32
      %add3A_160 = arith.addi %add3A_158, %add3A_159 : i32
      %sub3A_161 = arith.constant 1 : i32
      %sub3A_162 = arith.subi %add3A_160, %sub3A_161 : i32
      %lt3A_163 = arith.cmpi slt, %sub3A_162, %mul3A_74 : i32
      %convert_element_type3A_164 = arith.extui %lt3A_163 : i1 to i32
      %cond3A_165 = arith.constant 0 : i32
      %cond3A_166 = arith.cmpi ne, %convert_element_type3A_164, %cond3A_165 : i32
      scf.if %cond3A_166 {
        %gt3A_230 = arith.constant 0 : i32
        %gt3A_231 = arith.cmpi sgt, %add3A_158, %gt3A_230 : i32
        %convert_element_type3A_232 = arith.extui %gt3A_231 : i1 to i32
        %cond3A_233 = arith.constant 0 : i32
        %cond3A_234 = arith.cmpi ne, %convert_element_type3A_232, %cond3A_233 : i32
        scf.if %cond3A_234 {
          %dma_wait3A_245 = arith.constant 0 : i32
          %dma_wait3A_246 = arith.constant 0 : i32
          %dma_wait3A_247 = tpu.memref_slice %arg8[%dma_wait3A_245, %dma_wait3A_246] : memref<80x128xi32, #tpu.memory_space<vmem>> -> memref<1x128xi32, #tpu.memory_space<vmem>>
          %dma_wait3A_248 = tpu.memref_squeeze %dma_wait3A_247 : memref<1x128xi32, #tpu.memory_space<vmem>> -> memref<128xi32, #tpu.memory_space<vmem>>
          %dma_wait3A_249 = arith.constant 0 : i32
          %dma_wait3A_250 = arith.constant 0 : i32
          %dma_wait3A_251 = tpu.memref_slice %arg14[%dma_wait3A_249, %dma_wait3A_250] : memref<5120x128xf32, #tpu.memory_space<vmem_shared>> -> memref<5120x128xf32, #tpu.memory_space<vmem_shared>>
          tpu.wait_indirect_dma semaphore(%arg19 : memref<!tpu.dma_semaphore, #tpu.memory_space<semaphore_mem>>) src(%arg9 : memref<128x128xf32, #tpu.memory_space<vmem>>) dst(%dma_wait3A_251 : memref<5120x128xf32, #tpu.memory_space<vmem_shared>>)
        } else {
        }
        %add3A_235 = arith.constant 4 : i32
        %add3A_236 = arith.addi %add3A_158, %add3A_235 : i32
        %sub3A_237 = arith.constant 1 : i32
        %sub3A_238 = arith.subi %add3A_236, %sub3A_237 : i32
        %dma_start3A_239 = arith.constant 0 : i32
        %dma_start3A_240 = tpu.memref_slice %arg7[%sub3A_238, %dma_start3A_239] : memref<80x128xi32, #tpu.memory_space<vmem>> -> memref<1x128xi32, #tpu.memory_space<vmem>>
        %dma_start3A_241 = tpu.memref_squeeze %dma_start3A_240 : memref<1x128xi32, #tpu.memory_space<vmem>> -> memref<128xi32, #tpu.memory_space<vmem>>
        %dma_start3A_242 = arith.constant 0 : i32
        %dma_start3A_243 = arith.constant 0 : i32
        %dma_start3A_244 = tpu.memref_slice %arg2[%dma_start3A_242, %dma_start3A_243] : memref<10000x128xf32, #tpu.memory_space<hbm>> -> memref<10000x128xf32, #tpu.memory_space<hbm>>
        tpu.enqueue_indirect_dma source(%dma_start3A_244 : memref<10000x128xf32, #tpu.memory_space<hbm>>) target(%arg9 : memref<128x128xf32, #tpu.memory_space<vmem>>) offsets(%dma_start3A_241 : memref<128xi32, #tpu.memory_space<vmem>>) semaphore(%arg15 : memref<!tpu.dma_semaphore, #tpu.memory_space<semaphore_mem>>)
      } else {
      }
      %dma_wait3A_167 = arith.constant 0 : i32
      %dma_wait3A_168 = arith.constant 0 : i32
      %dma_wait3A_169 = tpu.memref_slice %arg7[%dma_wait3A_167, %dma_wait3A_168] : memref<80x128xi32, #tpu.memory_space<vmem>> -> memref<1x128xi32, #tpu.memory_space<vmem>>
      %dma_wait3A_170 = tpu.memref_squeeze %dma_wait3A_169 : memref<1x128xi32, #tpu.memory_space<vmem>> -> memref<128xi32, #tpu.memory_space<vmem>>
      %dma_wait3A_171 = arith.constant 0 : i32
      %dma_wait3A_172 = arith.constant 0 : i32
      %dma_wait3A_173 = tpu.memref_slice %arg2[%dma_wait3A_171, %dma_wait3A_172] : memref<10000x128xf32, #tpu.memory_space<hbm>> -> memref<10000x128xf32, #tpu.memory_space<hbm>>
      tpu.wait_indirect_dma semaphore(%arg16 : memref<!tpu.dma_semaphore, #tpu.memory_space<semaphore_mem>>) src(%dma_wait3A_173 : memref<10000x128xf32, #tpu.memory_space<hbm>>) dst(%arg10 : memref<128x128xf32, #tpu.memory_space<vmem>>)
      %dma_start3A_174 = arith.constant 0 : i32
      %dma_start3A_175 = tpu.memref_slice %arg8[%add3A_158, %dma_start3A_174] : memref<80x128xi32, #tpu.memory_space<vmem>> -> memref<1x128xi32, #tpu.memory_space<vmem>>
      %dma_start3A_176 = tpu.memref_squeeze %dma_start3A_175 : memref<1x128xi32, #tpu.memory_space<vmem>> -> memref<128xi32, #tpu.memory_space<vmem>>
      %dma_start3A_177 = arith.constant 0 : i32
      %dma_start3A_178 = arith.constant 0 : i32
      %dma_start3A_179 = tpu.memref_slice %arg14[%dma_start3A_177, %dma_start3A_178] : memref<5120x128xf32, #tpu.memory_space<vmem_shared>> -> memref<5120x128xf32, #tpu.memory_space<vmem_shared>>
      tpu.enqueue_indirect_dma source(%arg10 : memref<128x128xf32, #tpu.memory_space<vmem>>) target(%dma_start3A_179 : memref<5120x128xf32, #tpu.memory_space<vmem_shared>>) offsets(%dma_start3A_176 : memref<128xi32, #tpu.memory_space<vmem>>) semaphore(%arg20 : memref<!tpu.dma_semaphore, #tpu.memory_space<semaphore_mem>>) {add = true}
      %mul3A_180 = arith.constant 4 : i32
      %mul3A_181 = arith.muli %while3A_132, %mul3A_180 : i32
      %add3A_182 = arith.constant 2 : i32
      %add3A_183 = arith.addi %mul3A_181, %add3A_182 : i32
      %add3A_184 = arith.constant 4 : i32
      %add3A_185 = arith.addi %add3A_183, %add3A_184 : i32
      %sub3A_186 = arith.constant 1 : i32
      %sub3A_187 = arith.subi %add3A_185, %sub3A_186 : i32
      %lt3A_188 = arith.cmpi slt, %sub3A_187, %mul3A_74 : i32
      %convert_element_type3A_189 = arith.extui %lt3A_188 : i1 to i32
      %cond3A_190 = arith.constant 0 : i32
      %cond3A_191 = arith.cmpi ne, %convert_element_type3A_189, %cond3A_190 : i32
      scf.if %cond3A_191 {
        %gt3A_230 = arith.constant 0 : i32
        %gt3A_231 = arith.cmpi sgt, %add3A_183, %gt3A_230 : i32
        %convert_element_type3A_232 = arith.extui %gt3A_231 : i1 to i32
        %cond3A_233 = arith.constant 0 : i32
        %cond3A_234 = arith.cmpi ne, %convert_element_type3A_232, %cond3A_233 : i32
        scf.if %cond3A_234 {
          %dma_wait3A_245 = arith.constant 0 : i32
          %dma_wait3A_246 = arith.constant 0 : i32
          %dma_wait3A_247 = tpu.memref_slice %arg8[%dma_wait3A_245, %dma_wait3A_246] : memref<80x128xi32, #tpu.memory_space<vmem>> -> memref<1x128xi32, #tpu.memory_space<vmem>>
          %dma_wait3A_248 = tpu.memref_squeeze %dma_wait3A_247 : memref<1x128xi32, #tpu.memory_space<vmem>> -> memref<128xi32, #tpu.memory_space<vmem>>
          %dma_wait3A_249 = arith.constant 0 : i32
          %dma_wait3A_250 = arith.constant 0 : i32
          %dma_wait3A_251 = tpu.memref_slice %arg14[%dma_wait3A_249, %dma_wait3A_250] : memref<5120x128xf32, #tpu.memory_space<vmem_shared>> -> memref<5120x128xf32, #tpu.memory_space<vmem_shared>>
          tpu.wait_indirect_dma semaphore(%arg20 : memref<!tpu.dma_semaphore, #tpu.memory_space<semaphore_mem>>) src(%arg10 : memref<128x128xf32, #tpu.memory_space<vmem>>) dst(%dma_wait3A_251 : memref<5120x128xf32, #tpu.memory_space<vmem_shared>>)
        } else {
        }
        %add3A_235 = arith.constant 4 : i32
        %add3A_236 = arith.addi %add3A_183, %add3A_235 : i32
        %sub3A_237 = arith.constant 1 : i32
        %sub3A_238 = arith.subi %add3A_236, %sub3A_237 : i32
        %dma_start3A_239 = arith.constant 0 : i32
        %dma_start3A_240 = tpu.memref_slice %arg7[%sub3A_238, %dma_start3A_239] : memref<80x128xi32, #tpu.memory_space<vmem>> -> memref<1x128xi32, #tpu.memory_space<vmem>>
        %dma_start3A_241 = tpu.memref_squeeze %dma_start3A_240 : memref<1x128xi32, #tpu.memory_space<vmem>> -> memref<128xi32, #tpu.memory_space<vmem>>
        %dma_start3A_242 = arith.constant 0 : i32
        %dma_start3A_243 = arith.constant 0 : i32
        %dma_start3A_244 = tpu.memref_slice %arg2[%dma_start3A_242, %dma_start3A_243] : memref<10000x128xf32, #tpu.memory_space<hbm>> -> memref<10000x128xf32, #tpu.memory_space<hbm>>
        tpu.enqueue_indirect_dma source(%dma_start3A_244 : memref<10000x128xf32, #tpu.memory_space<hbm>>) target(%arg10 : memref<128x128xf32, #tpu.memory_space<vmem>>) offsets(%dma_start3A_241 : memref<128xi32, #tpu.memory_space<vmem>>) semaphore(%arg16 : memref<!tpu.dma_semaphore, #tpu.memory_space<semaphore_mem>>)
      } else {
      }
      %dma_wait3A_192 = arith.constant 0 : i32
      %dma_wait3A_193 = arith.constant 0 : i32
      %dma_wait3A_194 = tpu.memref_slice %arg7[%dma_wait3A_192, %dma_wait3A_193] : memref<80x128xi32, #tpu.memory_space<vmem>> -> memref<1x128xi32, #tpu.memory_space<vmem>>
      %dma_wait3A_195 = tpu.memref_squeeze %dma_wait3A_194 : memref<1x128xi32, #tpu.memory_space<vmem>> -> memref<128xi32, #tpu.memory_space<vmem>>
      %dma_wait3A_196 = arith.constant 0 : i32
      %dma_wait3A_197 = arith.constant 0 : i32
      %dma_wait3A_198 = tpu.memref_slice %arg2[%dma_wait3A_196, %dma_wait3A_197] : memref<10000x128xf32, #tpu.memory_space<hbm>> -> memref<10000x128xf32, #tpu.memory_space<hbm>>
      tpu.wait_indirect_dma semaphore(%arg17 : memref<!tpu.dma_semaphore, #tpu.memory_space<semaphore_mem>>) src(%dma_wait3A_198 : memref<10000x128xf32, #tpu.memory_space<hbm>>) dst(%arg11 : memref<128x128xf32, #tpu.memory_space<vmem>>)
      %dma_start3A_199 = arith.constant 0 : i32
      %dma_start3A_200 = tpu.memref_slice %arg8[%add3A_183, %dma_start3A_199] : memref<80x128xi32, #tpu.memory_space<vmem>> -> memref<1x128xi32, #tpu.memory_space<vmem>>
      %dma_start3A_201 = tpu.memref_squeeze %dma_start3A_200 : memref<1x128xi32, #tpu.memory_space<vmem>> -> memref<128xi32, #tpu.memory_space<vmem>>
      %dma_start3A_202 = arith.constant 0 : i32
      %dma_start3A_203 = arith.constant 0 : i32
      %dma_start3A_204 = tpu.memref_slice %arg14[%dma_start3A_202, %dma_start3A_203] : memref<5120x128xf32, #tpu.memory_space<vmem_shared>> -> memref<5120x128xf32, #tpu.memory_space<vmem_shared>>
      tpu.enqueue_indirect_dma source(%arg11 : memref<128x128xf32, #tpu.memory_space<vmem>>) target(%dma_start3A_204 : memref<5120x128xf32, #tpu.memory_space<vmem_shared>>) offsets(%dma_start3A_201 : memref<128xi32, #tpu.memory_space<vmem>>) semaphore(%arg21 : memref<!tpu.dma_semaphore, #tpu.memory_space<semaphore_mem>>) {add = true}
      %mul3A_205 = arith.constant 4 : i32
      %mul3A_206 = arith.muli %while3A_132, %mul3A_205 : i32
      %add3A_207 = arith.constant 3 : i32
      %add3A_208 = arith.addi %mul3A_206, %add3A_207 : i32
      %add3A_209 = arith.constant 4 : i32
      %add3A_210 = arith.addi %add3A_208, %add3A_209 : i32
      %sub3A_211 = arith.constant 1 : i32
      %sub3A_212 = arith.subi %add3A_210, %sub3A_211 : i32
      %lt3A_213 = arith.cmpi slt, %sub3A_212, %mul3A_74 : i32
      %convert_element_type3A_214 = arith.extui %lt3A_213 : i1 to i32
      %cond3A_215 = arith.constant 0 : i32
      %cond3A_216 = arith.cmpi ne, %convert_element_type3A_214, %cond3A_215 : i32
      scf.if %cond3A_216 {
        %gt3A_230 = arith.constant 0 : i32
        %gt3A_231 = arith.cmpi sgt, %add3A_208, %gt3A_230 : i32
        %convert_element_type3A_232 = arith.extui %gt3A_231 : i1 to i32
        %cond3A_233 = arith.constant 0 : i32
        %cond3A_234 = arith.cmpi ne, %convert_element_type3A_232, %cond3A_233 : i32
        scf.if %cond3A_234 {
          %dma_wait3A_245 = arith.constant 0 : i32
          %dma_wait3A_246 = arith.constant 0 : i32
          %dma_wait3A_247 = tpu.memref_slice %arg8[%dma_wait3A_245, %dma_wait3A_246] : memref<80x128xi32, #tpu.memory_space<vmem>> -> memref<1x128xi32, #tpu.memory_space<vmem>>
          %dma_wait3A_248 = tpu.memref_squeeze %dma_wait3A_247 : memref<1x128xi32, #tpu.memory_space<vmem>> -> memref<128xi32, #tpu.memory_space<vmem>>
          %dma_wait3A_249 = arith.constant 0 : i32
          %dma_wait3A_250 = arith.constant 0 : i32
          %dma_wait3A_251 = tpu.memref_slice %arg14[%dma_wait3A_249, %dma_wait3A_250] : memref<5120x128xf32, #tpu.memory_space<vmem_shared>> -> memref<5120x128xf32, #tpu.memory_space<vmem_shared>>
          tpu.wait_indirect_dma semaphore(%arg21 : memref<!tpu.dma_semaphore, #tpu.memory_space<semaphore_mem>>) src(%arg11 : memref<128x128xf32, #tpu.memory_space<vmem>>) dst(%dma_wait3A_251 : memref<5120x128xf32, #tpu.memory_space<vmem_shared>>)
        } else {
        }
        %add3A_235 = arith.constant 4 : i32
        %add3A_236 = arith.addi %add3A_208, %add3A_235 : i32
        %sub3A_237 = arith.constant 1 : i32
        %sub3A_238 = arith.subi %add3A_236, %sub3A_237 : i32
        %dma_start3A_239 = arith.constant 0 : i32
        %dma_start3A_240 = tpu.memref_slice %arg7[%sub3A_238, %dma_start3A_239] : memref<80x128xi32, #tpu.memory_space<vmem>> -> memref<1x128xi32, #tpu.memory_space<vmem>>
        %dma_start3A_241 = tpu.memref_squeeze %dma_start3A_240 : memref<1x128xi32, #tpu.memory_space<vmem>> -> memref<128xi32, #tpu.memory_space<vmem>>
        %dma_start3A_242 = arith.constant 0 : i32
        %dma_start3A_243 = arith.constant 0 : i32
        %dma_start3A_244 = tpu.memref_slice %arg2[%dma_start3A_242, %dma_start3A_243] : memref<10000x128xf32, #tpu.memory_space<hbm>> -> memref<10000x128xf32, #tpu.memory_space<hbm>>
        tpu.enqueue_indirect_dma source(%dma_start3A_244 : memref<10000x128xf32, #tpu.memory_space<hbm>>) target(%arg11 : memref<128x128xf32, #tpu.memory_space<vmem>>) offsets(%dma_start3A_241 : memref<128xi32, #tpu.memory_space<vmem>>) semaphore(%arg17 : memref<!tpu.dma_semaphore, #tpu.memory_space<semaphore_mem>>)
      } else {
      }
      %dma_wait3A_217 = arith.constant 0 : i32
      %dma_wait3A_218 = arith.constant 0 : i32
      %dma_wait3A_219 = tpu.memref_slice %arg7[%dma_wait3A_217, %dma_wait3A_218] : memref<80x128xi32, #tpu.memory_space<vmem>> -> memref<1x128xi32, #tpu.memory_space<vmem>>
      %dma_wait3A_220 = tpu.memref_squeeze %dma_wait3A_219 : memref<1x128xi32, #tpu.memory_space<vmem>> -> memref<128xi32, #tpu.memory_space<vmem>>
      %dma_wait3A_221 = arith.constant 0 : i32
      %dma_wait3A_222 = arith.constant 0 : i32
      %dma_wait3A_223 = tpu.memref_slice %arg2[%dma_wait3A_221, %dma_wait3A_222] : memref<10000x128xf32, #tpu.memory_space<hbm>> -> memref<10000x128xf32, #tpu.memory_space<hbm>>
      tpu.wait_indirect_dma semaphore(%arg18 : memref<!tpu.dma_semaphore, #tpu.memory_space<semaphore_mem>>) src(%dma_wait3A_223 : memref<10000x128xf32, #tpu.memory_space<hbm>>) dst(%arg12 : memref<128x128xf32, #tpu.memory_space<vmem>>)
      %dma_start3A_224 = arith.constant 0 : i32
      %dma_start3A_225 = tpu.memref_slice %arg8[%add3A_208, %dma_start3A_224] : memref<80x128xi32, #tpu.memory_space<vmem>> -> memref<1x128xi32, #tpu.memory_space<vmem>>
      %dma_start3A_226 = tpu.memref_squeeze %dma_start3A_225 : memref<1x128xi32, #tpu.memory_space<vmem>> -> memref<128xi32, #tpu.memory_space<vmem>>
      %dma_start3A_227 = arith.constant 0 : i32
      %dma_start3A_228 = arith.constant 0 : i32
      %dma_start3A_229 = tpu.memref_slice %arg14[%dma_start3A_227, %dma_start3A_228] : memref<5120x128xf32, #tpu.memory_space<vmem_shared>> -> memref<5120x128xf32, #tpu.memory_space<vmem_shared>>
      tpu.enqueue_indirect_dma source(%arg12 : memref<128x128xf32, #tpu.memory_space<vmem>>) target(%dma_start3A_229 : memref<5120x128xf32, #tpu.memory_space<vmem_shared>>) offsets(%dma_start3A_226 : memref<128xi32, #tpu.memory_space<vmem>>) semaphore(%arg22 : memref<!tpu.dma_semaphore, #tpu.memory_space<semaphore_mem>>) {add = true}
    }
    %gt3A_100 = arith.constant 0 : i32
    %gt3A_101 = arith.cmpi sgt, %mul3A_74, %gt3A_100 : i32
    %convert_element_type3A_102 = arith.extui %gt3A_101 : i1 to i32
    %cond3A_103 = arith.constant 0 : i32
    %cond3A_104 = arith.cmpi ne, %convert_element_type3A_102, %cond3A_103 : i32
    scf.if %cond3A_104 {
      %dma_wait3A = arith.constant 0 : i32
      %dma_wait3A_132 = arith.constant 0 : i32
      %dma_wait3A_133 = tpu.memref_slice %arg8[%dma_wait3A, %dma_wait3A_132] : memref<80x128xi32, #tpu.memory_space<vmem>> -> memref<1x128xi32, #tpu.memory_space<vmem>>
      %dma_wait3A_134 = tpu.memref_squeeze %dma_wait3A_133 : memref<1x128xi32, #tpu.memory_space<vmem>> -> memref<128xi32, #tpu.memory_space<vmem>>
      %dma_wait3A_135 = arith.constant 0 : i32
      %dma_wait3A_136 = arith.constant 0 : i32
      %dma_wait3A_137 = tpu.memref_slice %arg14[%dma_wait3A_135, %dma_wait3A_136] : memref<5120x128xf32, #tpu.memory_space<vmem_shared>> -> memref<5120x128xf32, #tpu.memory_space<vmem_shared>>
      tpu.wait_indirect_dma semaphore(%arg19 : memref<!tpu.dma_semaphore, #tpu.memory_space<semaphore_mem>>) src(%arg9 : memref<128x128xf32, #tpu.memory_space<vmem>>) dst(%dma_wait3A_137 : memref<5120x128xf32, #tpu.memory_space<vmem_shared>>)
    } else {
    }
    %gt3A_105 = arith.constant 1 : i32
    %gt3A_106 = arith.cmpi sgt, %mul3A_74, %gt3A_105 : i32
    %convert_element_type3A_107 = arith.extui %gt3A_106 : i1 to i32
    %cond3A_108 = arith.constant 0 : i32
    %cond3A_109 = arith.cmpi ne, %convert_element_type3A_107, %cond3A_108 : i32
    scf.if %cond3A_109 {
      %dma_wait3A = arith.constant 0 : i32
      %dma_wait3A_132 = arith.constant 0 : i32
      %dma_wait3A_133 = tpu.memref_slice %arg8[%dma_wait3A, %dma_wait3A_132] : memref<80x128xi32, #tpu.memory_space<vmem>> -> memref<1x128xi32, #tpu.memory_space<vmem>>
      %dma_wait3A_134 = tpu.memref_squeeze %dma_wait3A_133 : memref<1x128xi32, #tpu.memory_space<vmem>> -> memref<128xi32, #tpu.memory_space<vmem>>
      %dma_wait3A_135 = arith.constant 0 : i32
      %dma_wait3A_136 = arith.constant 0 : i32
      %dma_wait3A_137 = tpu.memref_slice %arg14[%dma_wait3A_135, %dma_wait3A_136] : memref<5120x128xf32, #tpu.memory_space<vmem_shared>> -> memref<5120x128xf32, #tpu.memory_space<vmem_shared>>
      tpu.wait_indirect_dma semaphore(%arg20 : memref<!tpu.dma_semaphore, #tpu.memory_space<semaphore_mem>>) src(%arg10 : memref<128x128xf32, #tpu.memory_space<vmem>>) dst(%dma_wait3A_137 : memref<5120x128xf32, #tpu.memory_space<vmem_shared>>)
    } else {
    }
    %gt3A_110 = arith.constant 2 : i32
    %gt3A_111 = arith.cmpi sgt, %mul3A_74, %gt3A_110 : i32
    %convert_element_type3A_112 = arith.extui %gt3A_111 : i1 to i32
    %cond3A_113 = arith.constant 0 : i32
    %cond3A_114 = arith.cmpi ne, %convert_element_type3A_112, %cond3A_113 : i32
    scf.if %cond3A_114 {
      %dma_wait3A = arith.constant 0 : i32
      %dma_wait3A_132 = arith.constant 0 : i32
      %dma_wait3A_133 = tpu.memref_slice %arg8[%dma_wait3A, %dma_wait3A_132] : memref<80x128xi32, #tpu.memory_space<vmem>> -> memref<1x128xi32, #tpu.memory_space<vmem>>
      %dma_wait3A_134 = tpu.memref_squeeze %dma_wait3A_133 : memref<1x128xi32, #tpu.memory_space<vmem>> -> memref<128xi32, #tpu.memory_space<vmem>>
      %dma_wait3A_135 = arith.constant 0 : i32
      %dma_wait3A_136 = arith.constant 0 : i32
      %dma_wait3A_137 = tpu.memref_slice %arg14[%dma_wait3A_135, %dma_wait3A_136] : memref<5120x128xf32, #tpu.memory_space<vmem_shared>> -> memref<5120x128xf32, #tpu.memory_space<vmem_shared>>
      tpu.wait_indirect_dma semaphore(%arg21 : memref<!tpu.dma_semaphore, #tpu.memory_space<semaphore_mem>>) src(%arg11 : memref<128x128xf32, #tpu.memory_space<vmem>>) dst(%dma_wait3A_137 : memref<5120x128xf32, #tpu.memory_space<vmem_shared>>)
    } else {
    }
    %gt3A_115 = arith.constant 3 : i32
    %gt3A_116 = arith.cmpi sgt, %mul3A_74, %gt3A_115 : i32
    %convert_element_type3A_117 = arith.extui %gt3A_116 : i1 to i32
    %cond3A_118 = arith.constant 0 : i32
    %cond3A_119 = arith.cmpi ne, %convert_element_type3A_117, %cond3A_118 : i32
    scf.if %cond3A_119 {
      %dma_wait3A = arith.constant 0 : i32
      %dma_wait3A_132 = arith.constant 0 : i32
      %dma_wait3A_133 = tpu.memref_slice %arg8[%dma_wait3A, %dma_wait3A_132] : memref<80x128xi32, #tpu.memory_space<vmem>> -> memref<1x128xi32, #tpu.memory_space<vmem>>
      %dma_wait3A_134 = tpu.memref_squeeze %dma_wait3A_133 : memref<1x128xi32, #tpu.memory_space<vmem>> -> memref<128xi32, #tpu.memory_space<vmem>>
      %dma_wait3A_135 = arith.constant 0 : i32
      %dma_wait3A_136 = arith.constant 0 : i32
      %dma_wait3A_137 = tpu.memref_slice %arg14[%dma_wait3A_135, %dma_wait3A_136] : memref<5120x128xf32, #tpu.memory_space<vmem_shared>> -> memref<5120x128xf32, #tpu.memory_space<vmem_shared>>
      tpu.wait_indirect_dma semaphore(%arg22 : memref<!tpu.dma_semaphore, #tpu.memory_space<semaphore_mem>>) src(%arg12 : memref<128x128xf32, #tpu.memory_space<vmem>>) dst(%dma_wait3A_137 : memref<5120x128xf32, #tpu.memory_space<vmem_shared>>)
    } else {
    }
    %barrier3A_120 = arith.constant 0 : index
    tpu.barrier barrier_id(%barrier3A_120)
    %mul3A_121 = arith.constant 5000 : i32
    %mul3A_122 = arith.muli %arg0, %mul3A_121 : i32
    %mul3A_123 = arith.constant 312 : i32
    %mul3A_124 = arith.muli %arg1, %mul3A_123 : i32
    %mul3A_125 = arith.constant 312 : i32
    %mul3A_126 = arith.muli %arg1, %mul3A_125 : i32
    %add3A_127 = arith.addi %mul3A_122, %mul3A_126 : i32
    "tpu.region"() ({
      %run_scoped3A = tpu.sem_alloc : memref<!tpu.dma_semaphore, #tpu.memory_space<semaphore_mem>>
      %dma_start3A = arith.constant 0 : i32
      %dma_start3A_132 = tpu.memref_slice %arg6[%add3A_127, %dma_start3A] : memref<10000x128xf32, #tpu.memory_space<hbm>> -> memref<312x128xf32, #tpu.memory_space<hbm>>
      %dma_start3A_133 = arith.constant 0 : i32
      %dma_start3A_134 = tpu.memref_slice %arg14[%mul3A_124, %dma_start3A_133] : memref<5120x128xf32, #tpu.memory_space<vmem_shared>> -> memref<312x128xf32, #tpu.memory_space<vmem_shared>>
      tpu.enqueue_dma source(%dma_start3A_134 : memref<312x128xf32, #tpu.memory_space<vmem_shared>>) target(%dma_start3A_132 : memref<312x128xf32, #tpu.memory_space<hbm>>) target_semaphore(%run_scoped3A : memref<!tpu.dma_semaphore, #tpu.memory_space<semaphore_mem>>)
      %dma_wait3A = arith.constant 0 : i32
      %dma_wait3A_135 = tpu.memref_slice %arg6[%add3A_127, %dma_wait3A] : memref<10000x128xf32, #tpu.memory_space<hbm>> -> memref<312x128xf32, #tpu.memory_space<hbm>>
      %dma_wait3A_136 = arith.constant 0 : i32
      %dma_wait3A_137 = tpu.memref_slice %arg14[%mul3A_124, %dma_wait3A_136] : memref<5120x128xf32, #tpu.memory_space<vmem_shared>> -> memref<312x128xf32, #tpu.memory_space<vmem_shared>>
      tpu.wait_dma2 semaphore(%run_scoped3A : memref<!tpu.dma_semaphore, #tpu.memory_space<semaphore_mem>>) src(%dma_wait3A_137 : memref<312x128xf32, #tpu.memory_space<vmem_shared>>) dst(%dma_wait3A_135 : memref<312x128xf32, #tpu.memory_space<hbm>>)
      tpu.yield
    }) : () -> ()
    %eq3A = arith.constant 15 : i32
    %eq3A_128 = arith.cmpi eq, %arg1, %eq3A : i32
    %convert_element_type3A_129 = arith.extui %eq3A_128 : i1 to i32
    %cond3A_130 = arith.constant 0 : i32
    %cond3A_131 = arith.cmpi ne, %convert_element_type3A_129, %cond3A_130 : i32
    scf.if %cond3A_131 {
      %add3A_132 = arith.constant 4992 : i32
      %add3A_133 = arith.addi %mul3A_122, %add3A_132 : i32
      "tpu.region"() ({
        %run_scoped3A = tpu.sem_alloc : memref<!tpu.dma_semaphore, #tpu.memory_space<semaphore_mem>>
        %dma_start3A = arith.constant 0 : i32
        %dma_start3A_134 = tpu.memref_slice %arg6[%add3A_133, %dma_start3A] : memref<10000x128xf32, #tpu.memory_space<hbm>> -> memref<8x128xf32, #tpu.memory_space<hbm>>
        %dma_start3A_135 = arith.constant 4992 : i32
        %dma_start3A_136 = arith.constant 0 : i32
        %dma_start3A_137 = tpu.memref_slice %arg14[%dma_start3A_135, %dma_start3A_136] : memref<5120x128xf32, #tpu.memory_space<vmem_shared>> -> memref<8x128xf32, #tpu.memory_space<vmem_shared>>
        tpu.enqueue_dma source(%dma_start3A_137 : memref<8x128xf32, #tpu.memory_space<vmem_shared>>) target(%dma_start3A_134 : memref<8x128xf32, #tpu.memory_space<hbm>>) target_semaphore(%run_scoped3A : memref<!tpu.dma_semaphore, #tpu.memory_space<semaphore_mem>>)
        %dma_wait3A = arith.constant 0 : i32
        %dma_wait3A_138 = tpu.memref_slice %arg6[%add3A_133, %dma_wait3A] : memref<10000x128xf32, #tpu.memory_space<hbm>> -> memref<8x128xf32, #tpu.memory_space<hbm>>
        %dma_wait3A_139 = arith.constant 4992 : i32
        %dma_wait3A_140 = arith.constant 0 : i32
        %dma_wait3A_141 = tpu.memref_slice %arg14[%dma_wait3A_139, %dma_wait3A_140] : memref<5120x128xf32, #tpu.memory_space<vmem_shared>> -> memref<8x128xf32, #tpu.memory_space<vmem_shared>>
        tpu.wait_dma2 semaphore(%run_scoped3A : memref<!tpu.dma_semaphore, #tpu.memory_space<semaphore_mem>>) src(%dma_wait3A_141 : memref<8x128xf32, #tpu.memory_space<vmem_shared>>) dst(%dma_wait3A_138 : memref<8x128xf32, #tpu.memory_space<hbm>>)
        tpu.yield
      }) : () -> ()
    } else {
    }
    return
  }
}

#map = affine_map<(d0, d1) -> (0, 0)>
#map1 = affine_map<(d0, d1) -> (0, 0, 0)>
module attributes {stable_mosaic.version = 14 : i64} {
  func.func @_sc_filter_body(%arg0: i32, %arg1: i32, %arg2: memref<2x320000xi32, #tpu.memory_space<hbm>>, %arg3: memref<2x32x10240xi32, #tpu.memory_space<hbm>>, %arg4: memref<2x32x10240xi32, #tpu.memory_space<hbm>>, %arg5: memref<2x32x16xi32, #tpu.memory_space<hbm>>, %arg6: memref<10000xi32, #tpu.memory_space<vmem>>, %arg7: memref<10000xi32, #tpu.memory_space<vmem>>, %arg8: memref<10768xi32, #tpu.memory_space<vmem>>, %arg9: memref<10768xi32, #tpu.memory_space<vmem>>, %arg10: memref<10768xi32, #tpu.memory_space<vmem>>, %arg11: memref<10768xi32, #tpu.memory_space<vmem>>, %arg12: memref<16xi32, #tpu.memory_space<vmem>>, %arg13: memref<!tpu.dma_semaphore, #tpu.memory_space<semaphore_mem>>) attributes {dimension_semantics = [#tpu.dimension_semantics<core_parallel>, #tpu.dimension_semantics<subcore_parallel>], iteration_bounds = array<i64: 2, 16>, scalar_prefetch = 0 : i64, scratch_operands = 8 : i64, tpu.core_type = #tpu.core_type<sc_vector_subcore>, window_params = [{transform_indices = #map}, {transform_indices = #map1}, {transform_indices = #map1}, {transform_indices = #map1}]} {
    %mul3A = arith.constant 2 : i32
    %mul3A_0 = arith.muli %arg1, %mul3A : i32
    %add3A = arith.addi %mul3A_0, %arg0 : i32
    %mul3A_1 = arith.constant 10000 : i32
    %mul3A_2 = arith.muli %add3A, %mul3A_1 : i32
    %run_scoped3A = arith.constant 0 : i32
    "tpu.region"() ({
      %run_scoped3A_166 = tpu.sem_alloc : memref<!tpu.dma_semaphore, #tpu.memory_space<semaphore_mem>>
      %dma_start3A_167 = tpu.memref_slice %arg2[%run_scoped3A, %mul3A_2] : memref<2x320000xi32, #tpu.memory_space<hbm>> -> memref<1x10000xi32, #tpu.memory_space<hbm>>
      %dma_start3A_168 = tpu.memref_squeeze %dma_start3A_167 : memref<1x10000xi32, #tpu.memory_space<hbm>> -> memref<10000xi32, #tpu.memory_space<hbm>>
      %dma_start3A_169 = tpu.memref_slice %arg2[%run_scoped3A, %mul3A_2] : memref<2x320000xi32, #tpu.memory_space<hbm>> -> memref<1x10000xi32, #tpu.memory_space<hbm>>
      %dma_start3A_170 = tpu.memref_squeeze %dma_start3A_169 : memref<1x10000xi32, #tpu.memory_space<hbm>> -> memref<10000xi32, #tpu.memory_space<hbm>>
      tpu.enqueue_dma source(%dma_start3A_170 : memref<10000xi32, #tpu.memory_space<hbm>>) target(%arg6 : memref<10000xi32, #tpu.memory_space<vmem>>) target_semaphore(%run_scoped3A_166 : memref<!tpu.dma_semaphore, #tpu.memory_space<semaphore_mem>>)
      %dma_wait3A_171 = tpu.memref_slice %arg2[%run_scoped3A, %mul3A_2] : memref<2x320000xi32, #tpu.memory_space<hbm>> -> memref<1x10000xi32, #tpu.memory_space<hbm>>
      %dma_wait3A_172 = tpu.memref_squeeze %dma_wait3A_171 : memref<1x10000xi32, #tpu.memory_space<hbm>> -> memref<10000xi32, #tpu.memory_space<hbm>>
      %dma_wait3A_173 = tpu.memref_slice %arg2[%run_scoped3A, %mul3A_2] : memref<2x320000xi32, #tpu.memory_space<hbm>> -> memref<1x10000xi32, #tpu.memory_space<hbm>>
      %dma_wait3A_174 = tpu.memref_squeeze %dma_wait3A_173 : memref<1x10000xi32, #tpu.memory_space<hbm>> -> memref<10000xi32, #tpu.memory_space<hbm>>
      tpu.wait_dma2 semaphore(%run_scoped3A_166 : memref<!tpu.dma_semaphore, #tpu.memory_space<semaphore_mem>>) src(%dma_wait3A_174 : memref<10000xi32, #tpu.memory_space<hbm>>) dst(%arg6 : memref<10000xi32, #tpu.memory_space<vmem>>)
      tpu.yield
    }) : () -> ()
    %mul3A_3 = arith.constant 10000 : i32
    %mul3A_4 = arith.muli %add3A, %mul3A_3 : i32
    %run_scoped3A_5 = arith.constant 1 : i32
    "tpu.region"() ({
      %run_scoped3A_166 = tpu.sem_alloc : memref<!tpu.dma_semaphore, #tpu.memory_space<semaphore_mem>>
      %dma_start3A_167 = tpu.memref_slice %arg2[%run_scoped3A_5, %mul3A_4] : memref<2x320000xi32, #tpu.memory_space<hbm>> -> memref<1x10000xi32, #tpu.memory_space<hbm>>
      %dma_start3A_168 = tpu.memref_squeeze %dma_start3A_167 : memref<1x10000xi32, #tpu.memory_space<hbm>> -> memref<10000xi32, #tpu.memory_space<hbm>>
      %dma_start3A_169 = tpu.memref_slice %arg2[%run_scoped3A_5, %mul3A_4] : memref<2x320000xi32, #tpu.memory_space<hbm>> -> memref<1x10000xi32, #tpu.memory_space<hbm>>
      %dma_start3A_170 = tpu.memref_squeeze %dma_start3A_169 : memref<1x10000xi32, #tpu.memory_space<hbm>> -> memref<10000xi32, #tpu.memory_space<hbm>>
      tpu.enqueue_dma source(%dma_start3A_170 : memref<10000xi32, #tpu.memory_space<hbm>>) target(%arg7 : memref<10000xi32, #tpu.memory_space<vmem>>) target_semaphore(%run_scoped3A_166 : memref<!tpu.dma_semaphore, #tpu.memory_space<semaphore_mem>>)
      %dma_wait3A_171 = tpu.memref_slice %arg2[%run_scoped3A_5, %mul3A_4] : memref<2x320000xi32, #tpu.memory_space<hbm>> -> memref<1x10000xi32, #tpu.memory_space<hbm>>
      %dma_wait3A_172 = tpu.memref_squeeze %dma_wait3A_171 : memref<1x10000xi32, #tpu.memory_space<hbm>> -> memref<10000xi32, #tpu.memory_space<hbm>>
      %dma_wait3A_173 = tpu.memref_slice %arg2[%run_scoped3A_5, %mul3A_4] : memref<2x320000xi32, #tpu.memory_space<hbm>> -> memref<1x10000xi32, #tpu.memory_space<hbm>>
      %dma_wait3A_174 = tpu.memref_squeeze %dma_wait3A_173 : memref<1x10000xi32, #tpu.memory_space<hbm>> -> memref<10000xi32, #tpu.memory_space<hbm>>
      tpu.wait_dma2 semaphore(%run_scoped3A_166 : memref<!tpu.dma_semaphore, #tpu.memory_space<semaphore_mem>>) src(%dma_wait3A_174 : memref<10000xi32, #tpu.memory_space<hbm>>) dst(%arg7 : memref<10000xi32, #tpu.memory_space<vmem>>)
      tpu.yield
    }) : () -> ()
    %iota3A = tpu.iota {dimensions = array<i32: 0>} : vector<16xi32>
    %scan3A = arith.constant 0 : i32
    %scan3A_6 = arith.constant 0 : i32
    %scan3A_7 = arith.constant 640 : i32
    %scan3A_8 = arith.addi %scan3A_6, %scan3A_7 : i32
    %scan3A_9 = arith.constant 1 : i32
    scf.for %scan3A_166 = %scan3A_6 to %scan3A_8 step %scan3A_9  : i32 {
      %mul3A_167 = arith.constant 16 : i32
      %mul3A_168 = arith.muli %scan3A_166, %mul3A_167 : i32
      %mul3A_169 = arith.constant 16 : i32
      %mul3A_170 = arith.muli %scan3A_166, %mul3A_169 : i32
      %add3A_171 = vector.broadcast %mul3A_170 : i32 to vector<16xi32>
      %add3A_172 = arith.addi %add3A_171, %iota3A : vector<16xi32>
      %and3A_173 = arith.constant 8191 : i32
      %and3A_174 = vector.broadcast %and3A_173 : i32 to vector<16xi32>
      %and3A_175 = arith.andi %add3A_172, %and3A_174 : vector<16xi32>
      %and3A_176 = arith.constant 63 : i32
      %and3A_177 = vector.broadcast %and3A_176 : i32 to vector<16xi32>
      %and3A_178 = arith.andi %add3A_172, %and3A_177 : vector<16xi32>
      %add3A_179 = arith.constant 5000 : i32
      %add3A_180 = vector.broadcast %add3A_179 : i32 to vector<16xi32>
      %add3A_181 = arith.addi %add3A_180, %and3A_178 : vector<16xi32>
      %swap3A_182 = arith.index_cast %mul3A_168 : i32 to index
      %swap3A_183 = tpu.vector_load %arg8[%swap3A_182] {strides = array<i32>} : memref<10768xi32, #tpu.memory_space<vmem>>, vector<16xi32>,
      tpu.vector_store %arg8[%swap3A_182], %and3A_175 {strides = array<i32>} : memref<10768xi32, #tpu.memory_space<vmem>>, vector<16xi32>,
      %swap3A_184 = arith.index_cast %mul3A_168 : i32 to index
      %swap3A_185 = tpu.vector_load %arg9[%swap3A_184] {strides = array<i32>} : memref<10768xi32, #tpu.memory_space<vmem>>, vector<16xi32>,
      tpu.vector_store %arg9[%swap3A_184], %and3A_175 {strides = array<i32>} : memref<10768xi32, #tpu.memory_space<vmem>>, vector<16xi32>,
      %swap3A_186 = arith.index_cast %mul3A_168 : i32 to index
      %swap3A_187 = tpu.vector_load %arg10[%swap3A_186] {strides = array<i32>} : memref<10768xi32, #tpu.memory_space<vmem>>, vector<16xi32>,
      tpu.vector_store %arg10[%swap3A_186], %add3A_181 {strides = array<i32>} : memref<10768xi32, #tpu.memory_space<vmem>>, vector<16xi32>,
      %swap3A_188 = arith.index_cast %mul3A_168 : i32 to index
      %swap3A_189 = tpu.vector_load %arg11[%swap3A_188] {strides = array<i32>} : memref<10768xi32, #tpu.memory_space<vmem>>, vector<16xi32>,
      tpu.vector_store %arg11[%swap3A_188], %add3A_181 {strides = array<i32>} : memref<10768xi32, #tpu.memory_space<vmem>>, vector<16xi32>,
    }
    %scan3A_10 = arith.constant 640 : i32
    %iota3A_11 = tpu.iota {dimensions = array<i32: 0>} : vector<16xi32>
    %scan3A_12 = arith.constant 0 : i32
    %scan3A_13 = arith.constant 0 : i32
    %scan3A_14 = arith.constant 0 : i32
    %scan3A_15 = arith.constant 625 : i32
    %scan3A_16 = arith.addi %scan3A_14, %scan3A_15 : i32
    %scan3A_17 = arith.constant 1 : i32
    %scan3A_18:2 = scf.for %scan3A_166 = %scan3A_14 to %scan3A_16 step %scan3A_17 iter_args(%scan3A_167 = %scan3A_12, %scan3A_168 = %scan3A_13) -> (i32, i32)  : i32 {
      %mul3A_169 = arith.constant 16 : i32
      %mul3A_170 = arith.muli %scan3A_166, %mul3A_169 : i32
      %get3A = arith.index_cast %mul3A_170 : i32 to index
      %get3A_171 = tpu.vector_load %arg6[%get3A] {strides = array<i32>} : memref<10000xi32, #tpu.memory_space<vmem>>, vector<16xi32>,
      %mul3A_172 = arith.constant 16 : i32
      %mul3A_173 = arith.muli %scan3A_166, %mul3A_172 : i32
      %get3A_174 = arith.index_cast %mul3A_173 : i32 to index
      %get3A_175 = tpu.vector_load %arg7[%get3A_174] {strides = array<i32>} : memref<10000xi32, #tpu.memory_space<vmem>>, vector<16xi32>,
      %lt3A = arith.constant 5000 : i32
      %lt3A_176 = vector.broadcast %lt3A : i32 to vector<16xi32>
      %lt3A_177 = arith.cmpi slt, %get3A_175, %lt3A_176 : vector<16xi32>
      %jit3A_178 = arith.constant 1 : i32
      %jit3A_179 = arith.constant 0 : i32
      %broadcast_in_dim3A_180 = vector.broadcast %jit3A_178 : i32 to vector<16xi32>
      %broadcast_in_dim3A_181 = vector.broadcast %jit3A_179 : i32 to vector<16xi32>
      %select_n3A_182 = arith.select %lt3A_177, %broadcast_in_dim3A_180, %broadcast_in_dim3A_181 : vector<16xi1>, vector<16xi32>
      %broadcast_in_dim3A_183 = arith.constant true
      %broadcast_in_dim3A_184 = vector.broadcast %broadcast_in_dim3A_183 : i1 to vector<16xi1>
      %masked_cumsum3A = tpu.scan <sum>, %select_n3A_182 masked %broadcast_in_dim3A_184 : vector<16xi32>, vector<16xi1> -> vector<16xi32>
      %sub3A_185 = arith.subi %masked_cumsum3A, %select_n3A_182 : vector<16xi32>
      %add3A_186 = arith.constant 10752 : i32
      %add3A_187 = vector.broadcast %add3A_186 : i32 to vector<16xi32>
      %add3A_188 = arith.addi %add3A_187, %iota3A_11 : vector<16xi32>
      %add3A_189 = vector.broadcast %scan3A_167 : i32 to vector<16xi32>
      %add3A_190 = arith.addi %add3A_189, %sub3A_185 : vector<16xi32>
      %select_n3A_191 = arith.select %lt3A_177, %add3A_190, %add3A_188 : vector<16xi1>, vector<16xi32>
      %sub3A_192 = arith.subi %iota3A_11, %sub3A_185 : vector<16xi32>
      %add3A_193 = vector.broadcast %scan3A_168 : i32 to vector<16xi32>
      %add3A_194 = arith.addi %add3A_193, %sub3A_192 : vector<16xi32>
      %select_n3A_195 = arith.select %lt3A_177, %add3A_188, %add3A_194 : vector<16xi1>, vector<16xi32>
      tpu.vector_store_idx %arg8[%select_n3A_191], %get3A_171 : memref<10768xi32, #tpu.memory_space<vmem>>[vector<16xi32>], vector<16xi32>,
      tpu.vector_store_idx %arg10[%select_n3A_191], %get3A_175 : memref<10768xi32, #tpu.memory_space<vmem>>[vector<16xi32>], vector<16xi32>,
      tpu.vector_store_idx %arg9[%select_n3A_195], %get3A_171 : memref<10768xi32, #tpu.memory_space<vmem>>[vector<16xi32>], vector<16xi32>,
      %sub3A_196 = arith.constant 5000 : i32
      %sub3A_197 = vector.broadcast %sub3A_196 : i32 to vector<16xi32>
      %sub3A_198 = arith.subi %get3A_175, %sub3A_197 : vector<16xi32>
      tpu.vector_store_idx %arg11[%select_n3A_195], %sub3A_198 : memref<10768xi32, #tpu.memory_space<vmem>>[vector<16xi32>], vector<16xi32>,
      %slice3A = vector.extract_strided_slice %masked_cumsum3A {offsets = [15], sizes = [1], strides = [1]} : vector<16xi32> to vector<1xi32>
      %squeeze3A = vector.extract %slice3A[0] : i32 from vector<1xi32>
      %add3A_199 = arith.addi %scan3A_167, %squeeze3A : i32
      %sub3A_200 = arith.constant 16 : i32
      %sub3A_201 = arith.subi %sub3A_200, %squeeze3A : i32
      %add3A_202 = arith.addi %scan3A_168, %sub3A_201 : i32
      scf.yield %add3A_199, %add3A_202 : i32, i32
    }
    %scan3A_19 = arith.constant 625 : i32
    %scan3A_20 = arith.constant 0 : i32
    %scan3A_21 = arith.constant 0 : i32
    %scan3A_22 = arith.constant 32 : i32
    %scan3A_23 = arith.addi %scan3A_21, %scan3A_22 : i32
    %scan3A_24 = arith.constant 1 : i32
    scf.for %scan3A_166 = %scan3A_21 to %scan3A_23 step %scan3A_24  : i32 {
      %mul3A_167 = arith.constant 16 : i32
      %mul3A_168 = arith.muli %scan3A_166, %mul3A_167 : i32
      %add3A_169 = vector.broadcast %mul3A_168 : i32 to vector<16xi32>
      %add3A_170 = arith.addi %add3A_169, %iota3A_11 : vector<16xi32>
      %and3A_171 = arith.constant 8191 : i32
      %and3A_172 = vector.broadcast %and3A_171 : i32 to vector<16xi32>
      %and3A_173 = arith.andi %add3A_170, %and3A_172 : vector<16xi32>
      %and3A_174 = arith.constant 63 : i32
      %and3A_175 = vector.broadcast %and3A_174 : i32 to vector<16xi32>
      %and3A_176 = arith.andi %add3A_170, %and3A_175 : vector<16xi32>
      %add3A_177 = arith.constant 5000 : i32
      %add3A_178 = vector.broadcast %add3A_177 : i32 to vector<16xi32>
      %add3A_179 = arith.addi %add3A_178, %and3A_176 : vector<16xi32>
      %add3A_180 = vector.broadcast %scan3A_18#0 : i32 to vector<16xi32>
      %add3A_181 = arith.addi %add3A_180, %add3A_170 : vector<16xi32>
      tpu.vector_store_idx %arg8[%add3A_181], %and3A_173 : memref<10768xi32, #tpu.memory_space<vmem>>[vector<16xi32>], vector<16xi32>,
      %add3A_182 = vector.broadcast %scan3A_18#0 : i32 to vector<16xi32>
      %add3A_183 = arith.addi %add3A_182, %add3A_170 : vector<16xi32>
      tpu.vector_store_idx %arg10[%add3A_183], %add3A_179 : memref<10768xi32, #tpu.memory_space<vmem>>[vector<16xi32>], vector<16xi32>,
      %add3A_184 = vector.broadcast %scan3A_18#1 : i32 to vector<16xi32>
      %add3A_185 = arith.addi %add3A_184, %add3A_170 : vector<16xi32>
      tpu.vector_store_idx %arg9[%add3A_185], %and3A_173 : memref<10768xi32, #tpu.memory_space<vmem>>[vector<16xi32>], vector<16xi32>,
      %add3A_186 = vector.broadcast %scan3A_18#1 : i32 to vector<16xi32>
      %add3A_187 = arith.addi %add3A_186, %add3A_170 : vector<16xi32>
      tpu.vector_store_idx %arg11[%add3A_187], %add3A_179 : memref<10768xi32, #tpu.memory_space<vmem>>[vector<16xi32>], vector<16xi32>,
    }
    %scan3A_25 = arith.constant 32 : i32
    %dma_start3A = arith.constant 0 : i32
    %dma_start3A_26 = arith.constant 0 : i32
    %dma_start3A_27 = tpu.memref_slice %arg8[%dma_start3A_26] : memref<10768xi32, #tpu.memory_space<vmem>> -> memref<10240xi32, #tpu.memory_space<vmem>>
    %dma_start3A_28 = arith.constant 0 : i32
    %dma_start3A_29 = tpu.memref_slice %arg3[%dma_start3A, %add3A, %dma_start3A_28] : memref<2x32x10240xi32, #tpu.memory_space<hbm>> -> memref<1x1x10240xi32, #tpu.memory_space<hbm>>
    %dma_start3A_30 = tpu.memref_squeeze %dma_start3A_29 : memref<1x1x10240xi32, #tpu.memory_space<hbm>> -> memref<10240xi32, #tpu.memory_space<hbm>>
    %dma_start3A_31 = arith.constant 0 : i32
    %dma_start3A_32 = tpu.memref_slice %arg3[%dma_start3A, %add3A, %dma_start3A_31] : memref<2x32x10240xi32, #tpu.memory_space<hbm>> -> memref<1x1x10240xi32, #tpu.memory_space<hbm>>
    %dma_start3A_33 = tpu.memref_squeeze %dma_start3A_32 : memref<1x1x10240xi32, #tpu.memory_space<hbm>> -> memref<10240xi32, #tpu.memory_space<hbm>>
    %dma_start3A_34 = arith.constant 0 : i32
    %dma_start3A_35 = tpu.memref_slice %arg8[%dma_start3A_34] : memref<10768xi32, #tpu.memory_space<vmem>> -> memref<10240xi32, #tpu.memory_space<vmem>>
    tpu.enqueue_dma source(%dma_start3A_35 : memref<10240xi32, #tpu.memory_space<vmem>>) target(%dma_start3A_33 : memref<10240xi32, #tpu.memory_space<hbm>>) target_semaphore(%arg13 : memref<!tpu.dma_semaphore, #tpu.memory_space<semaphore_mem>>)
    %dma_start3A_36 = arith.constant 0 : i32
    %dma_start3A_37 = arith.constant 0 : i32
    %dma_start3A_38 = tpu.memref_slice %arg10[%dma_start3A_37] : memref<10768xi32, #tpu.memory_space<vmem>> -> memref<10240xi32, #tpu.memory_space<vmem>>
    %dma_start3A_39 = arith.constant 0 : i32
    %dma_start3A_40 = tpu.memref_slice %arg4[%dma_start3A_36, %add3A, %dma_start3A_39] : memref<2x32x10240xi32, #tpu.memory_space<hbm>> -> memref<1x1x10240xi32, #tpu.memory_space<hbm>>
    %dma_start3A_41 = tpu.memref_squeeze %dma_start3A_40 : memref<1x1x10240xi32, #tpu.memory_space<hbm>> -> memref<10240xi32, #tpu.memory_space<hbm>>
    %dma_start3A_42 = arith.constant 0 : i32
    %dma_start3A_43 = tpu.memref_slice %arg4[%dma_start3A_36, %add3A, %dma_start3A_42] : memref<2x32x10240xi32, #tpu.memory_space<hbm>> -> memref<1x1x10240xi32, #tpu.memory_space<hbm>>
    %dma_start3A_44 = tpu.memref_squeeze %dma_start3A_43 : memref<1x1x10240xi32, #tpu.memory_space<hbm>> -> memref<10240xi32, #tpu.memory_space<hbm>>
    %dma_start3A_45 = arith.constant 0 : i32
    %dma_start3A_46 = tpu.memref_slice %arg10[%dma_start3A_45] : memref<10768xi32, #tpu.memory_space<vmem>> -> memref<10240xi32, #tpu.memory_space<vmem>>
    tpu.enqueue_dma source(%dma_start3A_46 : memref<10240xi32, #tpu.memory_space<vmem>>) target(%dma_start3A_44 : memref<10240xi32, #tpu.memory_space<hbm>>) target_semaphore(%arg13 : memref<!tpu.dma_semaphore, #tpu.memory_space<semaphore_mem>>)
    %dma_start3A_47 = arith.constant 1 : i32
    %dma_start3A_48 = arith.constant 0 : i32
    %dma_start3A_49 = tpu.memref_slice %arg9[%dma_start3A_48] : memref<10768xi32, #tpu.memory_space<vmem>> -> memref<10240xi32, #tpu.memory_space<vmem>>
    %dma_start3A_50 = arith.constant 0 : i32
    %dma_start3A_51 = tpu.memref_slice %arg3[%dma_start3A_47, %add3A, %dma_start3A_50] : memref<2x32x10240xi32, #tpu.memory_space<hbm>> -> memref<1x1x10240xi32, #tpu.memory_space<hbm>>
    %dma_start3A_52 = tpu.memref_squeeze %dma_start3A_51 : memref<1x1x10240xi32, #tpu.memory_space<hbm>> -> memref<10240xi32, #tpu.memory_space<hbm>>
    %dma_start3A_53 = arith.constant 0 : i32
    %dma_start3A_54 = tpu.memref_slice %arg3[%dma_start3A_47, %add3A, %dma_start3A_53] : memref<2x32x10240xi32, #tpu.memory_space<hbm>> -> memref<1x1x10240xi32, #tpu.memory_space<hbm>>
    %dma_start3A_55 = tpu.memref_squeeze %dma_start3A_54 : memref<1x1x10240xi32, #tpu.memory_space<hbm>> -> memref<10240xi32, #tpu.memory_space<hbm>>
    %dma_start3A_56 = arith.constant 0 : i32
    %dma_start3A_57 = tpu.memref_slice %arg9[%dma_start3A_56] : memref<10768xi32, #tpu.memory_space<vmem>> -> memref<10240xi32, #tpu.memory_space<vmem>>
    tpu.enqueue_dma source(%dma_start3A_57 : memref<10240xi32, #tpu.memory_space<vmem>>) target(%dma_start3A_55 : memref<10240xi32, #tpu.memory_space<hbm>>) target_semaphore(%arg13 : memref<!tpu.dma_semaphore, #tpu.memory_space<semaphore_mem>>)
    %dma_start3A_58 = arith.constant 1 : i32
    %dma_start3A_59 = arith.constant 0 : i32
    %dma_start3A_60 = tpu.memref_slice %arg11[%dma_start3A_59] : memref<10768xi32, #tpu.memory_space<vmem>> -> memref<10240xi32, #tpu.memory_space<vmem>>
    %dma_start3A_61 = arith.constant 0 : i32
    %dma_start3A_62 = tpu.memref_slice %arg4[%dma_start3A_58, %add3A, %dma_start3A_61] : memref<2x32x10240xi32, #tpu.memory_space<hbm>> -> memref<1x1x10240xi32, #tpu.memory_space<hbm>>
    %dma_start3A_63 = tpu.memref_squeeze %dma_start3A_62 : memref<1x1x10240xi32, #tpu.memory_space<hbm>> -> memref<10240xi32, #tpu.memory_space<hbm>>
    %dma_start3A_64 = arith.constant 0 : i32
    %dma_start3A_65 = tpu.memref_slice %arg4[%dma_start3A_58, %add3A, %dma_start3A_64] : memref<2x32x10240xi32, #tpu.memory_space<hbm>> -> memref<1x1x10240xi32, #tpu.memory_space<hbm>>
    %dma_start3A_66 = tpu.memref_squeeze %dma_start3A_65 : memref<1x1x10240xi32, #tpu.memory_space<hbm>> -> memref<10240xi32, #tpu.memory_space<hbm>>
    %dma_start3A_67 = arith.constant 0 : i32
    %dma_start3A_68 = tpu.memref_slice %arg11[%dma_start3A_67] : memref<10768xi32, #tpu.memory_space<vmem>> -> memref<10240xi32, #tpu.memory_space<vmem>>
    tpu.enqueue_dma source(%dma_start3A_68 : memref<10240xi32, #tpu.memory_space<vmem>>) target(%dma_start3A_66 : memref<10240xi32, #tpu.memory_space<hbm>>) target_semaphore(%arg13 : memref<!tpu.dma_semaphore, #tpu.memory_space<semaphore_mem>>)
    %add3A_69 = arith.constant 512 : i32
    %add3A_70 = arith.addi %scan3A_18#0, %add3A_69 : i32
    %sub3A = arith.constant 1 : i32
    %sub3A_71 = arith.subi %add3A_70, %sub3A : i32
    %jit3A = arith.constant 512 : i32
    %div3A = arith.divsi %sub3A_71, %jit3A : i32
    %sign3A = arith.constant 0 : i32
    %sign3A_72 = arith.cmpi sgt, %sub3A_71, %sign3A : i32
    %sign3A_73 = arith.extui %sign3A_72 : i1 to i32
    %sign3A_74 = arith.constant 0 : i32
    %sign3A_75 = arith.cmpi slt, %sub3A_71, %sign3A_74 : i32
    %sign3A_76 = arith.extui %sign3A_75 : i1 to i32
    %sign3A_77 = arith.subi %sign3A_73, %sign3A_76 : i32
    %sign3A_78 = arith.constant 0 : i32
    %sign3A_79 = arith.cmpi sgt, %jit3A, %sign3A_78 : i32
    %sign3A_80 = arith.extui %sign3A_79 : i1 to i32
    %sign3A_81 = arith.constant 0 : i32
    %sign3A_82 = arith.cmpi slt, %jit3A, %sign3A_81 : i32
    %sign3A_83 = arith.extui %sign3A_82 : i1 to i32
    %sign3A_84 = arith.subi %sign3A_80, %sign3A_83 : i32
    %ne3A = arith.cmpi ne, %sign3A_77, %sign3A_84 : i32
    %rem3A = arith.remsi %sub3A_71, %jit3A : i32
    %ne3A_85 = arith.constant 0 : i32
    %ne3A_86 = arith.cmpi ne, %rem3A, %ne3A_85 : i32
    %and3A = arith.andi %ne3A, %ne3A_86 : i1
    %sub3A_87 = arith.constant 1 : i32
    %sub3A_88 = arith.subi %div3A, %sub3A_87 : i32
    %select_n3A = arith.select %and3A, %sub3A_88, %div3A : i32
    %broadcast_in_dim3A = vector.broadcast %select_n3A : i32 to vector<16xi32>
    %swap3A = arith.constant 0 : index
    %swap3A_89 = tpu.vector_load %arg12[%swap3A] {strides = array<i32>} : memref<16xi32, #tpu.memory_space<vmem>>, vector<16xi32>,
    tpu.vector_store %arg12[%swap3A], %broadcast_in_dim3A {strides = array<i32>} : memref<16xi32, #tpu.memory_space<vmem>>, vector<16xi32>,
    %run_scoped3A_90 = arith.constant 0 : i32
    "tpu.region"() ({
      %run_scoped3A_166 = tpu.sem_alloc : memref<!tpu.dma_semaphore, #tpu.memory_space<semaphore_mem>>
      %dma_start3A_167 = arith.constant 0 : i32
      %dma_start3A_168 = tpu.memref_slice %arg5[%run_scoped3A_90, %add3A, %dma_start3A_167] : memref<2x32x16xi32, #tpu.memory_space<hbm>> -> memref<1x1x16xi32, #tpu.memory_space<hbm>>
      %dma_start3A_169 = tpu.memref_squeeze %dma_start3A_168 : memref<1x1x16xi32, #tpu.memory_space<hbm>> -> memref<16xi32, #tpu.memory_space<hbm>>
      %dma_start3A_170 = arith.constant 0 : i32
      %dma_start3A_171 = tpu.memref_slice %arg5[%run_scoped3A_90, %add3A, %dma_start3A_170] : memref<2x32x16xi32, #tpu.memory_space<hbm>> -> memref<1x1x16xi32, #tpu.memory_space<hbm>>
      %dma_start3A_172 = tpu.memref_squeeze %dma_start3A_171 : memref<1x1x16xi32, #tpu.memory_space<hbm>> -> memref<16xi32, #tpu.memory_space<hbm>>
      tpu.enqueue_dma source(%arg12 : memref<16xi32, #tpu.memory_space<vmem>>) target(%dma_start3A_172 : memref<16xi32, #tpu.memory_space<hbm>>) target_semaphore(%run_scoped3A_166 : memref<!tpu.dma_semaphore, #tpu.memory_space<semaphore_mem>>)
      %dma_wait3A_173 = arith.constant 0 : i32
      %dma_wait3A_174 = tpu.memref_slice %arg5[%run_scoped3A_90, %add3A, %dma_wait3A_173] : memref<2x32x16xi32, #tpu.memory_space<hbm>> -> memref<1x1x16xi32, #tpu.memory_space<hbm>>
      %dma_wait3A_175 = tpu.memref_squeeze %dma_wait3A_174 : memref<1x1x16xi32, #tpu.memory_space<hbm>> -> memref<16xi32, #tpu.memory_space<hbm>>
      %dma_wait3A_176 = arith.constant 0 : i32
      %dma_wait3A_177 = tpu.memref_slice %arg5[%run_scoped3A_90, %add3A, %dma_wait3A_176] : memref<2x32x16xi32, #tpu.memory_space<hbm>> -> memref<1x1x16xi32, #tpu.memory_space<hbm>>
      %dma_wait3A_178 = tpu.memref_squeeze %dma_wait3A_177 : memref<1x1x16xi32, #tpu.memory_space<hbm>> -> memref<16xi32, #tpu.memory_space<hbm>>
      tpu.wait_dma2 semaphore(%run_scoped3A_166 : memref<!tpu.dma_semaphore, #tpu.memory_space<semaphore_mem>>) src(%arg12 : memref<16xi32, #tpu.memory_space<vmem>>) dst(%dma_wait3A_178 : memref<16xi32, #tpu.memory_space<hbm>>)
      tpu.yield
    }) : () -> ()
    %add3A_91 = arith.constant 512 : i32
    %add3A_92 = arith.addi %scan3A_18#1, %add3A_91 : i32
    %sub3A_93 = arith.constant 1 : i32
    %sub3A_94 = arith.subi %add3A_92, %sub3A_93 : i32
    %jit3A_95 = arith.constant 512 : i32
    %div3A_96 = arith.divsi %sub3A_94, %jit3A_95 : i32
    %sign3A_97 = arith.constant 0 : i32
    %sign3A_98 = arith.cmpi sgt, %sub3A_94, %sign3A_97 : i32
    %sign3A_99 = arith.extui %sign3A_98 : i1 to i32
    %sign3A_100 = arith.constant 0 : i32
    %sign3A_101 = arith.cmpi slt, %sub3A_94, %sign3A_100 : i32
    %sign3A_102 = arith.extui %sign3A_101 : i1 to i32
    %sign3A_103 = arith.subi %sign3A_99, %sign3A_102 : i32
    %sign3A_104 = arith.constant 0 : i32
    %sign3A_105 = arith.cmpi sgt, %jit3A_95, %sign3A_104 : i32
    %sign3A_106 = arith.extui %sign3A_105 : i1 to i32
    %sign3A_107 = arith.constant 0 : i32
    %sign3A_108 = arith.cmpi slt, %jit3A_95, %sign3A_107 : i32
    %sign3A_109 = arith.extui %sign3A_108 : i1 to i32
    %sign3A_110 = arith.subi %sign3A_106, %sign3A_109 : i32
    %ne3A_111 = arith.cmpi ne, %sign3A_103, %sign3A_110 : i32
    %rem3A_112 = arith.remsi %sub3A_94, %jit3A_95 : i32
    %ne3A_113 = arith.constant 0 : i32
    %ne3A_114 = arith.cmpi ne, %rem3A_112, %ne3A_113 : i32
    %and3A_115 = arith.andi %ne3A_111, %ne3A_114 : i1
    %sub3A_116 = arith.constant 1 : i32
    %sub3A_117 = arith.subi %div3A_96, %sub3A_116 : i32
    %select_n3A_118 = arith.select %and3A_115, %sub3A_117, %div3A_96 : i32
    %broadcast_in_dim3A_119 = vector.broadcast %select_n3A_118 : i32 to vector<16xi32>
    %swap3A_120 = arith.constant 0 : index
    %swap3A_121 = tpu.vector_load %arg12[%swap3A_120] {strides = array<i32>} : memref<16xi32, #tpu.memory_space<vmem>>, vector<16xi32>,
    tpu.vector_store %arg12[%swap3A_120], %broadcast_in_dim3A_119 {strides = array<i32>} : memref<16xi32, #tpu.memory_space<vmem>>, vector<16xi32>,
    %run_scoped3A_122 = arith.constant 1 : i32
    "tpu.region"() ({
      %run_scoped3A_166 = tpu.sem_alloc : memref<!tpu.dma_semaphore, #tpu.memory_space<semaphore_mem>>
      %dma_start3A_167 = arith.constant 0 : i32
      %dma_start3A_168 = tpu.memref_slice %arg5[%run_scoped3A_122, %add3A, %dma_start3A_167] : memref<2x32x16xi32, #tpu.memory_space<hbm>> -> memref<1x1x16xi32, #tpu.memory_space<hbm>>
      %dma_start3A_169 = tpu.memref_squeeze %dma_start3A_168 : memref<1x1x16xi32, #tpu.memory_space<hbm>> -> memref<16xi32, #tpu.memory_space<hbm>>
      %dma_start3A_170 = arith.constant 0 : i32
      %dma_start3A_171 = tpu.memref_slice %arg5[%run_scoped3A_122, %add3A, %dma_start3A_170] : memref<2x32x16xi32, #tpu.memory_space<hbm>> -> memref<1x1x16xi32, #tpu.memory_space<hbm>>
      %dma_start3A_172 = tpu.memref_squeeze %dma_start3A_171 : memref<1x1x16xi32, #tpu.memory_space<hbm>> -> memref<16xi32, #tpu.memory_space<hbm>>
      tpu.enqueue_dma source(%arg12 : memref<16xi32, #tpu.memory_space<vmem>>) target(%dma_start3A_172 : memref<16xi32, #tpu.memory_space<hbm>>) target_semaphore(%run_scoped3A_166 : memref<!tpu.dma_semaphore, #tpu.memory_space<semaphore_mem>>)
      %dma_wait3A_173 = arith.constant 0 : i32
      %dma_wait3A_174 = tpu.memref_slice %arg5[%run_scoped3A_122, %add3A, %dma_wait3A_173] : memref<2x32x16xi32, #tpu.memory_space<hbm>> -> memref<1x1x16xi32, #tpu.memory_space<hbm>>
      %dma_wait3A_175 = tpu.memref_squeeze %dma_wait3A_174 : memref<1x1x16xi32, #tpu.memory_space<hbm>> -> memref<16xi32, #tpu.memory_space<hbm>>
      %dma_wait3A_176 = arith.constant 0 : i32
      %dma_wait3A_177 = tpu.memref_slice %arg5[%run_scoped3A_122, %add3A, %dma_wait3A_176] : memref<2x32x16xi32, #tpu.memory_space<hbm>> -> memref<1x1x16xi32, #tpu.memory_space<hbm>>
      %dma_wait3A_178 = tpu.memref_squeeze %dma_wait3A_177 : memref<1x1x16xi32, #tpu.memory_space<hbm>> -> memref<16xi32, #tpu.memory_space<hbm>>
      tpu.wait_dma2 semaphore(%run_scoped3A_166 : memref<!tpu.dma_semaphore, #tpu.memory_space<semaphore_mem>>) src(%arg12 : memref<16xi32, #tpu.memory_space<vmem>>) dst(%dma_wait3A_178 : memref<16xi32, #tpu.memory_space<hbm>>)
      tpu.yield
    }) : () -> ()
    %dma_wait3A = arith.constant 0 : i32
    %dma_wait3A_123 = arith.constant 0 : i32
    %dma_wait3A_124 = tpu.memref_slice %arg8[%dma_wait3A_123] : memref<10768xi32, #tpu.memory_space<vmem>> -> memref<10240xi32, #tpu.memory_space<vmem>>
    %dma_wait3A_125 = arith.constant 0 : i32
    %dma_wait3A_126 = tpu.memref_slice %arg3[%dma_wait3A, %add3A, %dma_wait3A_125] : memref<2x32x10240xi32, #tpu.memory_space<hbm>> -> memref<1x1x10240xi32, #tpu.memory_space<hbm>>
    %dma_wait3A_127 = tpu.memref_squeeze %dma_wait3A_126 : memref<1x1x10240xi32, #tpu.memory_space<hbm>> -> memref<10240xi32, #tpu.memory_space<hbm>>
    %dma_wait3A_128 = arith.constant 0 : i32
    %dma_wait3A_129 = tpu.memref_slice %arg3[%dma_wait3A, %add3A, %dma_wait3A_128] : memref<2x32x10240xi32, #tpu.memory_space<hbm>> -> memref<1x1x10240xi32, #tpu.memory_space<hbm>>
    %dma_wait3A_130 = tpu.memref_squeeze %dma_wait3A_129 : memref<1x1x10240xi32, #tpu.memory_space<hbm>> -> memref<10240xi32, #tpu.memory_space<hbm>>
    %dma_wait3A_131 = arith.constant 0 : i32
    %dma_wait3A_132 = tpu.memref_slice %arg8[%dma_wait3A_131] : memref<10768xi32, #tpu.memory_space<vmem>> -> memref<10240xi32, #tpu.memory_space<vmem>>
    tpu.wait_dma2 semaphore(%arg13 : memref<!tpu.dma_semaphore, #tpu.memory_space<semaphore_mem>>) src(%dma_wait3A_132 : memref<10240xi32, #tpu.memory_space<vmem>>) dst(%dma_wait3A_130 : memref<10240xi32, #tpu.memory_space<hbm>>)
    %dma_wait3A_133 = arith.constant 0 : i32
    %dma_wait3A_134 = arith.constant 0 : i32
    %dma_wait3A_135 = tpu.memref_slice %arg10[%dma_wait3A_134] : memref<10768xi32, #tpu.memory_space<vmem>> -> memref<10240xi32, #tpu.memory_space<vmem>>
    %dma_wait3A_136 = arith.constant 0 : i32
    %dma_wait3A_137 = tpu.memref_slice %arg4[%dma_wait3A_133, %add3A, %dma_wait3A_136] : memref<2x32x10240xi32, #tpu.memory_space<hbm>> -> memref<1x1x10240xi32, #tpu.memory_space<hbm>>
    %dma_wait3A_138 = tpu.memref_squeeze %dma_wait3A_137 : memref<1x1x10240xi32, #tpu.memory_space<hbm>> -> memref<10240xi32, #tpu.memory_space<hbm>>
    %dma_wait3A_139 = arith.constant 0 : i32
    %dma_wait3A_140 = tpu.memref_slice %arg4[%dma_wait3A_133, %add3A, %dma_wait3A_139] : memref<2x32x10240xi32, #tpu.memory_space<hbm>> -> memref<1x1x10240xi32, #tpu.memory_space<hbm>>
    %dma_wait3A_141 = tpu.memref_squeeze %dma_wait3A_140 : memref<1x1x10240xi32, #tpu.memory_space<hbm>> -> memref<10240xi32, #tpu.memory_space<hbm>>
    %dma_wait3A_142 = arith.constant 0 : i32
    %dma_wait3A_143 = tpu.memref_slice %arg10[%dma_wait3A_142] : memref<10768xi32, #tpu.memory_space<vmem>> -> memref<10240xi32, #tpu.memory_space<vmem>>
    tpu.wait_dma2 semaphore(%arg13 : memref<!tpu.dma_semaphore, #tpu.memory_space<semaphore_mem>>) src(%dma_wait3A_143 : memref<10240xi32, #tpu.memory_space<vmem>>) dst(%dma_wait3A_141 : memref<10240xi32, #tpu.memory_space<hbm>>)
    %dma_wait3A_144 = arith.constant 1 : i32
    %dma_wait3A_145 = arith.constant 0 : i32
    %dma_wait3A_146 = tpu.memref_slice %arg9[%dma_wait3A_145] : memref<10768xi32, #tpu.memory_space<vmem>> -> memref<10240xi32, #tpu.memory_space<vmem>>
    %dma_wait3A_147 = arith.constant 0 : i32
    %dma_wait3A_148 = tpu.memref_slice %arg3[%dma_wait3A_144, %add3A, %dma_wait3A_147] : memref<2x32x10240xi32, #tpu.memory_space<hbm>> -> memref<1x1x10240xi32, #tpu.memory_space<hbm>>
    %dma_wait3A_149 = tpu.memref_squeeze %dma_wait3A_148 : memref<1x1x10240xi32, #tpu.memory_space<hbm>> -> memref<10240xi32, #tpu.memory_space<hbm>>
    %dma_wait3A_150 = arith.constant 0 : i32
    %dma_wait3A_151 = tpu.memref_slice %arg3[%dma_wait3A_144, %add3A, %dma_wait3A_150] : memref<2x32x10240xi32, #tpu.memory_space<hbm>> -> memref<1x1x10240xi32, #tpu.memory_space<hbm>>
    %dma_wait3A_152 = tpu.memref_squeeze %dma_wait3A_151 : memref<1x1x10240xi32, #tpu.memory_space<hbm>> -> memref<10240xi32, #tpu.memory_space<hbm>>
    %dma_wait3A_153 = arith.constant 0 : i32
    %dma_wait3A_154 = tpu.memref_slice %arg9[%dma_wait3A_153] : memref<10768xi32, #tpu.memory_space<vmem>> -> memref<10240xi32, #tpu.memory_space<vmem>>
    tpu.wait_dma2 semaphore(%arg13 : memref<!tpu.dma_semaphore, #tpu.memory_space<semaphore_mem>>) src(%dma_wait3A_154 : memref<10240xi32, #tpu.memory_space<vmem>>) dst(%dma_wait3A_152 : memref<10240xi32, #tpu.memory_space<hbm>>)
    %dma_wait3A_155 = arith.constant 1 : i32
    %dma_wait3A_156 = arith.constant 0 : i32
    %dma_wait3A_157 = tpu.memref_slice %arg11[%dma_wait3A_156] : memref<10768xi32, #tpu.memory_space<vmem>> -> memref<10240xi32, #tpu.memory_space<vmem>>
    %dma_wait3A_158 = arith.constant 0 : i32
    %dma_wait3A_159 = tpu.memref_slice %arg4[%dma_wait3A_155, %add3A, %dma_wait3A_158] : memref<2x32x10240xi32, #tpu.memory_space<hbm>> -> memref<1x1x10240xi32, #tpu.memory_space<hbm>>
    %dma_wait3A_160 = tpu.memref_squeeze %dma_wait3A_159 : memref<1x1x10240xi32, #tpu.memory_space<hbm>> -> memref<10240xi32, #tpu.memory_space<hbm>>
    %dma_wait3A_161 = arith.constant 0 : i32
    %dma_wait3A_162 = tpu.memref_slice %arg4[%dma_wait3A_155, %add3A, %dma_wait3A_161] : memref<2x32x10240xi32, #tpu.memory_space<hbm>> -> memref<1x1x10240xi32, #tpu.memory_space<hbm>>
    %dma_wait3A_163 = tpu.memref_squeeze %dma_wait3A_162 : memref<1x1x10240xi32, #tpu.memory_space<hbm>> -> memref<10240xi32, #tpu.memory_space<hbm>>
    %dma_wait3A_164 = arith.constant 0 : i32
    %dma_wait3A_165 = tpu.memref_slice %arg11[%dma_wait3A_164] : memref<10768xi32, #tpu.memory_space<vmem>> -> memref<10240xi32, #tpu.memory_space<vmem>>
    tpu.wait_dma2 semaphore(%arg13 : memref<!tpu.dma_semaphore, #tpu.memory_space<semaphore_mem>>) src(%dma_wait3A_165 : memref<10240xi32, #tpu.memory_space<vmem>>) dst(%dma_wait3A_163 : memref<10240xi32, #tpu.memory_space<hbm>>)
    return
  }
}

module attributes {stable_mosaic.version = 14 : i64} {
  func.func @_tc1_body(%arg0: i32, %arg1: memref<2000x128xf32, #tpu.memory_space<vmem>>, %arg2: memref<2000x128xf32, #tpu.memory_space<vmem>>, %arg3: memref<128x128xf32, #tpu.memory_space<vmem>>, %arg4: memref<128x128xf32, #tpu.memory_space<vmem>>, %arg5: memref<2000x128xf32, #tpu.memory_space<vmem>>) attributes {dimension_semantics = [#tpu.dimension_semantics<arbitrary>], iteration_bounds = array<i64: 5>, scalar_prefetch = 0 : i64, scratch_operands = 0 : i64, tpu.core_type = #tpu.core_type<tc>, window_params = [{transform_indices = @transform_0, window_bounds = array<i64: 2000, 128>}, {transform_indices = @transform_1, window_bounds = array<i64: 2000, 128>}, {pipeline_mode = #tpu.pipeline_mode<synchronous>, transform_indices = @transform_2, window_bounds = array<i64: 128, 128>}, {pipeline_mode = #tpu.pipeline_mode<synchronous>, transform_indices = @transform_3, window_bounds = array<i64: 128, 128>}, {transform_indices = @transform_4, window_bounds = array<i64: 2000, 128>}]} {
    %get3A = arith.constant 0 : index
    %get3A_0 = arith.constant 0 : index
    %get3A_1 = vector.load %arg1[%get3A, %get3A_0] : memref<2000x128xf32, #tpu.memory_space<vmem>>, vector<2000x128xf32>
    %get3A_2 = arith.constant 0 : index
    %get3A_3 = arith.constant 0 : index
    %get3A_4 = vector.load %arg3[%get3A_2, %get3A_3] : memref<128x128xf32, #tpu.memory_space<vmem>>, vector<128x128xf32>
    %dot_general3A = arith.constant dense<0.000000e+00> : vector<2000x128xf32>
    %dot_general3A_5 = tpu.matmul %get3A_1, %get3A_4, %dot_general3A {dimension_numbers = #tpu.dot_dimension_numbers<[1], [0], [0], [1], [0, 0, 1, 1], [], []>, transpose_lhs_hint = false} : vector<2000x128xf32>, vector<128x128xf32>, vector<2000x128xf32> -> vector<2000x128xf32>
    %get3A_6 = arith.constant 0 : index
    %get3A_7 = arith.constant 0 : index
    %get3A_8 = vector.load %arg2[%get3A_6, %get3A_7] : memref<2000x128xf32, #tpu.memory_space<vmem>>, vector<2000x128xf32>
    %get3A_9 = arith.constant 0 : index
    %get3A_10 = arith.constant 0 : index
    %get3A_11 = vector.load %arg4[%get3A_9, %get3A_10] : memref<128x128xf32, #tpu.memory_space<vmem>>, vector<128x128xf32>
    %dot_general3A_12 = arith.constant dense<0.000000e+00> : vector<2000x128xf32>
    %dot_general3A_13 = tpu.matmul %get3A_8, %get3A_11, %dot_general3A_12 {dimension_numbers = #tpu.dot_dimension_numbers<[1], [0], [0], [1], [0, 0, 1, 1], [], []>, transpose_lhs_hint = false} : vector<2000x128xf32>, vector<128x128xf32>, vector<2000x128xf32> -> vector<2000x128xf32>
    %add3A = arith.addf %dot_general3A_5, %dot_general3A_13 : vector<2000x128xf32>
    %swap3A = arith.constant 0 : index
    %swap3A_14 = arith.constant 0 : index
    %swap3A_15 = vector.load %arg5[%swap3A, %swap3A_14] : memref<2000x128xf32, #tpu.memory_space<vmem>>, vector<2000x128xf32>
    tpu.vector_store %arg5[%swap3A, %swap3A_14], %add3A {strides = array<i32>} : memref<2000x128xf32, #tpu.memory_space<vmem>>, vector<2000x128xf32>,
    return
  }
  func.func @transform_0(%arg0: i32) -> (i32, i32) {
    %c0_i32 = arith.constant 0 : i32
    %c0_i32_0 = arith.constant 0 : i32
    return %arg0, %c0_i32 : i32, i32
  }
  func.func @transform_1(%arg0: i32) -> (i32, i32) {
    %c0_i32 = arith.constant 0 : i32
    %c0_i32_0 = arith.constant 0 : i32
    return %arg0, %c0_i32 : i32, i32
  }
  func.func @transform_2(%arg0: i32) -> (i32, i32) {
    %c0_i32 = arith.constant 0 : i32
    %c0_i32_0 = arith.constant 0 : i32
    %c0_i32_1 = arith.constant 0 : i32
    return %c0_i32, %c0_i32_0 : i32, i32
  }
  func.func @transform_3(%arg0: i32) -> (i32, i32) {
    %c0_i32 = arith.constant 0 : i32
    %c0_i32_0 = arith.constant 0 : i32
    %c0_i32_1 = arith.constant 0 : i32
    return %c0_i32, %c0_i32_0 : i32, i32
  }
  func.func @transform_4(%arg0: i32) -> (i32, i32) {
    %c0_i32 = arith.constant 0 : i32
    %c0_i32_0 = arith.constant 0 : i32
    return %arg0, %c0_i32 : i32, i32
  }
}

module attributes {stable_mosaic.version = 14 : i64} {
  func.func @_tc2_body(%arg0: i32, %arg1: memref<2000x128xf32, #tpu.memory_space<vmem>>, %arg2: memref<2000x128xf32, #tpu.memory_space<vmem>>, %arg3: memref<128x128xf32, #tpu.memory_space<vmem>>, %arg4: memref<1x128xf32, #tpu.memory_space<vmem>>, %arg5: memref<128x128xf32, #tpu.memory_space<vmem>>, %arg6: memref<1x128xf32, #tpu.memory_space<vmem>>, %arg7: memref<2000x128xf32, #tpu.memory_space<vmem>>) attributes {dimension_semantics = [#tpu.dimension_semantics<arbitrary>], iteration_bounds = array<i64: 5>, scalar_prefetch = 0 : i64, scratch_operands = 0 : i64, tpu.core_type = #tpu.core_type<tc>, window_params = [{transform_indices = @transform_0, window_bounds = array<i64: 2000, 128>}, {transform_indices = @transform_1, window_bounds = array<i64: 2000, 128>}, {pipeline_mode = #tpu.pipeline_mode<synchronous>, transform_indices = @transform_2, window_bounds = array<i64: 128, 128>}, {pipeline_mode = #tpu.pipeline_mode<synchronous>, transform_indices = @transform_3, window_bounds = array<i64: 1, 128>}, {pipeline_mode = #tpu.pipeline_mode<synchronous>, transform_indices = @transform_4, window_bounds = array<i64: 128, 128>}, {pipeline_mode = #tpu.pipeline_mode<synchronous>, transform_indices = @transform_5, window_bounds = array<i64: 1, 128>}, {transform_indices = @transform_6, window_bounds = array<i64: 2000, 128>}]} {
    %get3A = arith.constant 0 : index
    %get3A_0 = arith.constant 0 : index
    %get3A_1 = vector.load %arg1[%get3A, %get3A_0] : memref<2000x128xf32, #tpu.memory_space<vmem>>, vector<2000x128xf32>
    %get3A_2 = arith.constant 0 : index
    %get3A_3 = arith.constant 0 : index
    %get3A_4 = vector.load %arg3[%get3A_2, %get3A_3] : memref<128x128xf32, #tpu.memory_space<vmem>>, vector<128x128xf32>
    %dot_general3A = arith.constant dense<0.000000e+00> : vector<2000x128xf32>
    %dot_general3A_5 = tpu.matmul %get3A_1, %get3A_4, %dot_general3A {dimension_numbers = #tpu.dot_dimension_numbers<[1], [0], [0], [1], [0, 0, 1, 1], [], []>, transpose_lhs_hint = false} : vector<2000x128xf32>, vector<128x128xf32>, vector<2000x128xf32> -> vector<2000x128xf32>
    %get3A_6 = arith.constant 0 : index
    %get3A_7 = arith.constant 0 : index
    %get3A_8 = vector.load %arg2[%get3A_6, %get3A_7] : memref<2000x128xf32, #tpu.memory_space<vmem>>, vector<2000x128xf32>
    %add3A = arith.addf %dot_general3A_5, %get3A_8 : vector<2000x128xf32>
    %get3A_9 = arith.constant 0 : index
    %get3A_10 = arith.constant 0 : index
    %get3A_11 = vector.load %arg4[%get3A_9, %get3A_10] : memref<1x128xf32, #tpu.memory_space<vmem>>, vector<1x128xf32>
    %add3A_12 = vector.broadcast %get3A_11 : vector<1x128xf32> to vector<2000x128xf32>
    %add3A_13 = arith.addf %add3A, %add3A_12 : vector<2000x128xf32>
    %max3A = arith.constant 0.000000e+00 : f32
    %max3A_14 = vector.broadcast %max3A : f32 to vector<2000x128xf32>
    %max3A_15 = arith.maximumf %add3A_13, %max3A_14 : vector<2000x128xf32>
    %get3A_16 = arith.constant 0 : index
    %get3A_17 = arith.constant 0 : index
    %get3A_18 = vector.load %arg5[%get3A_16, %get3A_17] : memref<128x128xf32, #tpu.memory_space<vmem>>, vector<128x128xf32>
    %dot_general3A_19 = arith.constant dense<0.000000e+00> : vector<2000x128xf32>
    %dot_general3A_20 = tpu.matmul %max3A_15, %get3A_18, %dot_general3A_19 {dimension_numbers = #tpu.dot_dimension_numbers<[1], [0], [0], [1], [0, 0, 1, 1], [], []>, transpose_lhs_hint = false} : vector<2000x128xf32>, vector<128x128xf32>, vector<2000x128xf32> -> vector<2000x128xf32>
    %get3A_21 = arith.constant 0 : index
    %get3A_22 = arith.constant 0 : index
    %get3A_23 = vector.load %arg6[%get3A_21, %get3A_22] : memref<1x128xf32, #tpu.memory_space<vmem>>, vector<1x128xf32>
    %add3A_24 = vector.broadcast %get3A_23 : vector<1x128xf32> to vector<2000x128xf32>
    %add3A_25 = arith.addf %dot_general3A_20, %add3A_24 : vector<2000x128xf32>
    %swap3A = arith.constant 0 : index
    %swap3A_26 = arith.constant 0 : index
    %swap3A_27 = vector.load %arg7[%swap3A, %swap3A_26] : memref<2000x128xf32, #tpu.memory_space<vmem>>, vector<2000x128xf32>
    tpu.vector_store %arg7[%swap3A, %swap3A_26], %add3A_25 {strides = array<i32>} : memref<2000x128xf32, #tpu.memory_space<vmem>>, vector<2000x128xf32>,
    return
  }
  func.func @transform_0(%arg0: i32) -> (i32, i32) {
    %c0_i32 = arith.constant 0 : i32
    %c0_i32_0 = arith.constant 0 : i32
    return %arg0, %c0_i32 : i32, i32
  }
  func.func @transform_1(%arg0: i32) -> (i32, i32) {
    %c0_i32 = arith.constant 0 : i32
    %c0_i32_0 = arith.constant 0 : i32
    return %arg0, %c0_i32 : i32, i32
  }
  func.func @transform_2(%arg0: i32) -> (i32, i32) {
    %c0_i32 = arith.constant 0 : i32
    %c0_i32_0 = arith.constant 0 : i32
    %c0_i32_1 = arith.constant 0 : i32
    return %c0_i32, %c0_i32_0 : i32, i32
  }
  func.func @transform_3(%arg0: i32) -> (i32, i32) {
    %c0_i32 = arith.constant 0 : i32
    %c0_i32_0 = arith.constant 0 : i32
    %c0_i32_1 = arith.constant 0 : i32
    return %c0_i32, %c0_i32_0 : i32, i32
  }
  func.func @transform_4(%arg0: i32) -> (i32, i32) {
    %c0_i32 = arith.constant 0 : i32
    %c0_i32_0 = arith.constant 0 : i32
    %c0_i32_1 = arith.constant 0 : i32
    return %c0_i32, %c0_i32_0 : i32, i32
  }
  func.func @transform_5(%arg0: i32) -> (i32, i32) {
    %c0_i32 = arith.constant 0 : i32
    %c0_i32_0 = arith.constant 0 : i32
    %c0_i32_1 = arith.constant 0 : i32
    return %c0_i32, %c0_i32_0 : i32, i32
  }
  func.func @transform_6(%arg0: i32) -> (i32, i32) {
    %c0_i32 = arith.constant 0 : i32
    %c0_i32_0 = arith.constant 0 : i32
    return %arg0, %c0_i32 : i32, i32
  }
}

</mosaic_0001>

<sc_bundles>
// kernel: kernel.6.cloned.1.call-start
scs
__scs_entry_jumppad:
0x0: {  	(pc) =	sbr.rel $0x88, $3  }
0x1: {  	(tag) =	ssettag $0x0;
	lr =	simm.s32 $0x1  }
0x2: {  	[smem:$0x3F9A] =	sst lr;
	_ =	strace $0xD0000000  }
0x3: {  	_ = 	snop  }
0x4: {  	_ = 	snop  }
0x5: {  	_ = 	snop  }
0x6: {  	_ = 	snop  }
0x7: {  	_ = 	snop  }
__scs_overlays_trampoline_lowered:
0x8: {  	[smem:$0x3FA9] =	sst s0  }
0x9: {  	[smem:$0x3FAA] =	sst s1  }
0xa: {  	[smem:$0x3FAB] =	sst s2  }
0xb: {  	[smem:$0x3FAC] =	sst s3  }
0xc: {  	[smem:$0x3FAD] =	sst s4  }
0xd: {  	[smem:$0x3FAE] =	sst s5  }
0xe: {  	[smem:$0x3FAF] =	sst s6  }
0xf: {  	[smem:$0x3FB0] =	sst s7  }
0x10: {  	[smem:$0x3FB1] =	sst s8  }
0x11: {  	[smem:$0x3FB2] =	sst s9;
	s0 =	simm.s32 @!p0 $0x0  }
0x12: {  	s1 =	sld [smem:$0x3F98];
	s0 =	simm.s32 @p0 $0x1  }
0x13: {  	[smem:$0x3FB3] =	sst s0;
	s0 =	simm.s32 @!p1 $0x0  }
0x14: {  	s2 =	sld [smem:$0x3F97];
	s0 =	simm.s32 @p1 $0x1  }
0x15: {  	[smem:$0x3FB4] =	sst s0;
	s0 =	simm.s32 @!p2 $0x0  }
0x16: {  	s3 =	sld [smem:$0x3FDB];
	s0 =	simm.s32 @p2 $0x1  }
0x17: {  	s4 =	simm.s32 $0x1BF5;
	[smem:$0x3FB6] =	sst s0  }
0x18: {  	s0 =	sld [smem:$0x3F99];
	_ =	swait.ge [sflag:s4], $0x0  }
0x19: {  	s7 =	sld [smem:$0x3F9A]  }
0x1a: {  	s8 =	sadd.s32 $0xFFFFE003, lr  }
0x1b: {  	s9 =	sadd.s32 $0xFFFFFEF7, lr;
	s5 =	simm.s32 $0xFFFFFFFF;
	p2 =	slt.u32 s8, $0xFFFFF086  }
0x1c: {  	p1 =	slt.u32 s9, $0xF7A;
	s5 =	simm.s32 @!p2 $0x0  }
0x1d: {  	s5 =	simm.s32 @p1 $0x1;
	p0 =	seq.s32 s7, s2  }
0x1e: {  	s7 =	smul.u32 @!p0 $0xF7A, s2;
	p2 =	seq.s32 @!p0 s5, $0x0  }
0x1f: {  	s9 =	smul.u32 $0xF7A, s1;
	s8 =	simm.s32 @!p0 $0x1BF5;
	p2 =	por !p2, p0  }
0x20: {  	[sflag:s8] =	ssyncset.s32 @!p0 $0xFFFFF086;
	s6 =	sadd.s32 @!p0 s3, s7;
	s7 =	simm.s32 @!p0 $0x108  }
0x21: {  	s3 =	sadd.s32 s3, s9;
	s6 =	sadd.s32 @!p0 $0x88, s6;
	s7 =	simm.s32 @p2 $0x1082  }
0x22: {  	[simem:s7], [sflag:s8] =	dma.local @!p0 [hbm:s6], $0xF7A  }
0x23: {  	s9 =	sor.u32 $0xD0000000, s2;
	s6 =	simm.s32 $0x108;
	_ =	swait.ge @!p0 [sflag:s8], $0x0  }
0x24: {  	s3 =	sadd.s32 $0x88, s3;
	s6 =	simm.s32 @!p1 $0x1082;
	[sflag:s4] =	ssyncset.s32 $0xFFFFF086  }
0x25: {  	[simem:s6], [sflag:s4] =	dma.local [hbm:s3], $0xF7A  }
0x26: {  	[smem:$0x3F9A] =	sst s1;
	(tag) =	ssettag s2;
	_ =	strace s9  }
0x27: {  	s1 =	sld [smem:$0x3FAA]  }
0x28: {  	s2 =	sld [smem:$0x3FAB]  }
0x29: {  	s4 =	sld [smem:$0x3FAD]  }
0x2a: {  	p0 =	seq.s32 s5, $0x0;
	s5 =	sld [smem:$0x3FAE]  }
0x2b: {  	s6 =	sld [smem:$0x3FAF]  }
0x2c: {  	s7 =	sld [smem:$0x3FB0]  }
0x2d: {  	s3 =	simm.s32 $0x108;
	s8 =	sld [smem:$0x3FB1]  }
0x2e: {  	s3 =	simm.s32 @!p0 $0x1082;
	s9 =	sld [smem:$0x3FB2]  }
0x2f: {  	lr =	sadd.s32 s0, s3;
	s0 =	sld [smem:$0x3FA9]  }
0x30: {  	s3 =	sld [smem:$0x3FAC]  }
0x31: {  	[smem:$0x3FB5] =	sst s10  }
0x32: {  	s10 =	sld [smem:$0x3FB3];
	_ =	sdelay $0x3  }
0x33: {  	p0 =	seq.s32 s10, $0x1;
	s10 =	sld [smem:$0x3FB5];
	_ =	sdelay $0x3  }
0x34: {  	[smem:$0x3FB5] =	sst s10  }
0x35: {  	s10 =	sld [smem:$0x3FB4];
	_ =	sdelay $0x3  }
0x36: {  	p1 =	seq.s32 s10, $0x1;
	s10 =	sld [smem:$0x3FB5];
	_ =	sdelay $0x3  }
0x37: {  	[smem:$0x3FB5] =	sst s10  }
0x38: {  	s10 =	sld [smem:$0x3FB6]  }
0x39: {  	_ = 	snop;
	(pc) =	sbr.ind lr, $3  }
0x3a: {  	_ = 	snop  }
0x3b: {  	_ = 	snop  }
0x3c: {  	p2 =	seq.s32 s10, $0x1;
	s10 =	sld [smem:$0x3FB5]  }
0x3d: {  	_ =	shalt  }
0x3e: {  	_ =	shalt  }
0x3f: {  	_ =	shalt  }
0x40: {  	_ =	shalt  }
0x41: {  	_ =	shalt  }
0x42: {  	_ =	shalt  }
0x43: {  	_ =	shalt  }
0x44: {  	_ =	shalt  }
0x45: {  	_ =	shalt  }
0x46: {  	_ =	shalt  }
0x47: {  	_ =	shalt  }
0x48: {  	_ =	shalt  }
0x49: {  	_ =	shalt  }
0x4a: {  	_ =	shalt  }
0x4b: {  	_ =	shalt  }
0x4c: {  	_ =	shalt  }
0x4d: {  	_ =	shalt  }
0x4e: {  	_ =	shalt  }
0x4f: {  	_ =	shalt  }
0x50: {  	_ =	shalt  }
0x51: {  	_ =	shalt  }
0x52: {  	_ =	shalt  }
0x53: {  	_ =	shalt  }
0x54: {  	_ =	shalt  }
0x55: {  	_ =	shalt  }
0x56: {  	_ =	shalt  }
0x57: {  	_ =	shalt  }
0x58: {  	_ =	shalt  }
0x59: {  	_ =	shalt  }
0x5a: {  	_ =	shalt  }
0x5b: {  	_ =	shalt  }
0x5c: {  	_ =	shalt  }
0x5d: {  	_ =	shalt  }
0x5e: {  	_ =	shalt  }
0x5f: {  	_ =	shalt  }
0x60: {  	_ =	shalt  }
0x61: {  	_ =	shalt  }
0x62: {  	_ =	shalt  }
0x63: {  	_ =	shalt  }
0x64: {  	_ =	shalt  }
0x65: {  	_ =	shalt  }
0x66: {  	_ =	shalt  }
0x67: {  	_ =	shalt  }
0x68: {  	_ =	shalt  }
0x69: {  	_ =	shalt  }
0x6a: {  	_ =	shalt  }
0x6b: {  	_ =	shalt  }
0x6c: {  	_ =	shalt  }
0x6d: {  	_ =	shalt  }
0x6e: {  	_ =	shalt  }
0x6f: {  	_ =	shalt  }
0x70: {  	_ =	shalt  }
0x71: {  	_ =	shalt  }
0x72: {  	_ =	shalt  }
0x73: {  	_ =	shalt  }
0x74: {  	_ =	shalt  }
0x75: {  	_ =	shalt  }
0x76: {  	_ =	shalt  }
0x77: {  	_ =	shalt  }
0x78: {  	_ =	shalt  }
0x79: {  	_ =	shalt  }
0x7a: {  	_ =	shalt  }
0x7b: {  	_ =	shalt  }
0x7c: {  	_ =	shalt  }
0x7d: {  	_ =	shalt  }
0x7e: {  	_ =	shalt  }
0x7f: {  	_ =	shalt  }
0x80: {  	_ =	shalt  }
0x81: {  	_ =	shalt  }
0x82: {  	_ =	shalt  }
0x83: {  	_ =	shalt  }
0x84: {  	_ =	shalt  }
0x85: {  	_ =	shalt  }
0x86: {  	_ =	shalt  }
0x87: {  	_ =	shalt  }
.Lfunc_end0:
.L_simem_size_0:
called_computation_lowered:
.L_overlay_start_0:
0x88: {  	s2 =	sld [smem:$0x3FD9]  }
0x89: {  	s3 =	sld [smem:$0x3FFE];
	_ =	sdelay $0x1  }
0x8a: {  	s1 =	srdreg.scid  }
0x8b: {  	s0 =	sand.u32 $0x1, s1  }
0x8c: {  	s16 =	sshll.u32 s0, $0xA;
	s2 =	sadd.s32 s3, s2  }
0x8d: {  	s2 =	sadd.s32 s2, s16  }
0x8e: {  	[smem:$0x3FC1] =	sst s2  }
0x8f: {  	_ = 	snop  }
0x90: {  	(tm) =	ssettm $0x1  }
0x91: {  	s17 =	sld [smem:$0x3FFB];
	_ =	sdelay $0x3  }
0x92: {  	_ =	strace s17  }
0x93: {  	s2 =	sld [smem:$0x3FFC];
	_ =	sdelay $0x3  }
0x94: {  	_ =	strace s2  }
0x95: {  	s2 =	sld [smem:$0x3FFD];
	_ =	sdelay $0x3  }
0x96: {  	_ =	strace s2  }
0x97: {  	_ =	strace $0x8FFFFFFF  }
0x98: {  	s18 =	sld [smem:$0x3FDB];
	_ =	sdelay $0x1  }
0x99: {  	s19 =	simm.s32 $_scs_section_size  }
0x9a: {  	s4 =	simm.s32 $_size__tile_overlayer_lowered;
	s5 =	simm.s32 $_tile_overlayer_lowered  }
0x9b: {  	s22 =	simm.s32 $0x1BFF;
	s21 =	sshll.u32 s5, $0x1;
	s2 =	sadd.s32 s19, s18  }
0x9c: {  	s6 =	simm.s32 $0x0;
	s20 =	sshll.u32 s4, $0x1;
	s4 =	sadd.s32 s21, s2  }
0x9d: {  	[timem:s6], [sflag:s22] =	dma.local [hbm:s4], s20  }
0x9e: {  	_ =	swait.ge [sflag:s22], s20  }
0x9f: {  	s3 =	ssub.s32 $0x0, s20;
	[sflag:s22] =	ssyncset.done $0x0  }
0xa0: {  	[sflag:s22] =	ssyncadd.s32 s3;
	_ =	sdelay $0x1  }
0xa1: {  	s23 =	simm.s32 $0x1B8B  }
0xa2: {  	_ =	swait.ge [sflag:s23], $0x1  }
0xa3: {  	[sflag:s23] =	ssyncset.done $0x0  }
0xa4: {  	s25 =	simm.s32 $0x1B8E;
	s24 =	sld [smem:$0x3FFE];
	[sflag:s23] =	ssyncadd.s32 $0xFFFFFFFF  }
0xa5: {  	s26 =	simm.s32 $execute0_lowered;
	[smem:$0x3FD2] =	sst s25  }
0xa6: {  	s4 =	sshll.u32 s26, $0x1;
	_ =	strace $0x80000046;
	[dreg:$0x1] =	wrdreg $0xFFFFFFFF  }
0xa7: {  	s28 =	simm.s32 $_size_execute0_lowered;
	s2 =	sadd.s32 s2, s4;
	[dreg:$0x0] =	wrdreg $0x0  }
0xa8: {  	s4 =	sshll.u32 s28, $0x1;
	[dreg:$0x2] =	wrdreg s2  }
0xa9: {  	[dreg:$0x3] =	wrdreg s4  }
0xaa: {  	[dreg:$0x4] =	wrdreg $0xC0  }
0xab: {  	_ =	task [dreg:s6], $0x5FFFF  }
0xac: {  	[dreg:$0x1] =	wrdreg $0xFFFFFFFF  }
0xad: {  	[dreg:$0x0] =	wrdreg $0x60  }
0xae: {  	[dreg:$0x2] =	wrdreg s24  }
0xaf: {  	[dreg:$0x3] =	wrdreg $0x9  }
0xb0: {  	_ =	task.clear_ibuf [dreg:s6], $0x4FFFF;
	_ =	strace $0x90000046  }
0xb1: {  	s29 =	simm.s32 $0x9;
	_ =	strace $0x80000048  }
0xb2: {  	_ =	swait.ge [sflag:s29], $0x1  }
0xb3: {  	[sflag:s29] =	ssyncadd.s32 $0xFFFFFFFF  }
0xb4: {  	_ =	strace $0x90000048  }
0xb5: {  	_ =	sfence  }
0xb6: {  	s30 =	sld [smem:$0x0];
	_ =	sdelay $0x2  }
0xb7: {  	s31 =	sshll.u32 s1, $0xD;
	s1 =	sshrl.u32 s1, $0x2  }
0xb8: {  	s3 =	sand.u32 $0x4000, s31;
	s1 =	sadd.s32 s1, s30  }
0xb9: {  	s0 =	sor.u32 s3, s0;
	s1 =	sshll.u32 s1, $0x11  }
0xba: {  	s0 =	sor.u32 s1, s0  }
0xbb: {  	s0 =	sadd.s32 $0x8F2B, s0  }
0xbc: {  	[sflag:s0] =	ssyncadd.remote.s32 $0x1  }
0xbd: {  	_ =	sfence.sel $0xFFFF  }
0xbe: {  	[dreg:$0x0] =	wrdreg $0xFFFFFFFF;
	(pc) =	sbr.abs _section_cstart, $3  }
0xbf: {  	[dreg:$0x1] =	wrdreg $0xFFFFFFFF  }
0xc0: {  	_ =	task.clear_ibuf [dreg:s6], $0x2FFFF;
	_ =	strace $0x9FFFFFFF  }
0xc1: {  	(tm) =	ssettm $0x7FFFFFFF  }
tec
execute0_lowered:
.L_overlay_start_1:
0x0: {  	(tag) =	ssettag $0x1  }
0x1: {  	s1 =	srdreg.scid;
	s0 =	stileid.u32  }
0x2: {  	s5 =	rddreg [dreg:$0x0];
	s2 =	simm.s32 $0x0;
	s13 =	simm.s32 $0x2710  }
0x3: {  	s14 =	simm.s32 $0x4E20;
	s15 =	simm.s32 $0xA240;
	s16 =	simm.s32 $0x7830  }
0x4: {  	s17 =	simm.s32 $0xCC50;
	s18 =	simm.s32 $0x1;
	s19 =	simm.s32 $0xF660  }
0x5: {  	s3 =	sand.u32 $0x1, s1;
	s29 =	sshll.u32 s0, $0x1;
	s1 =	rddreg [dreg:$0x1]  }
0x6: {  	s20 =	simm.s32 $0x0;
	[smem:$0x7FF] =	sst s2;
	s4 =	sor.u32 s3, s29  }
0x7: {  	s7 =	sadd.s32 $0x15E00, s5;
	s9 =	sadd.s32 $0x29E00, s5;
	s6 =	smul.u32 $0x2710, s4  }
0x8: {  	s3 =	ssub.s32 $0x2, s3;
	s8 =	sshll.u32 s4, $0x1;
	s4 =	smul.u32 $0x2800, s4  }
0x9: {  	_ =	strace $0x80000047;
	s30 =	sshrl.u32 s3, $0x1;
	s10 =	sadd.s32 s8, s5  }
0xa: {  	s11 =	ssub.s32 s3, s30;
	s6 =	sshrl.u32 s6, $0x3;
	s31 =	sshrl.u32 s4, $0x3  }
0xb: {  	s11 =	smax.u32 s11, $0x1;
	s6 =	sadd.s32 s6, s5;
	s5 =	sadd.s32 s7, s31  }
0xc: {  	s12 =	sadd.s32 $0xA000, s31;
	s3 =	sadd.s32 $0x2400, s6;
	s4 =	sadd.s32 $0xC040, s6  }
0xd: {  	v0 =	vlaneseq.u32;
	s6 =	sadd.s32 s9, s31;
	s7 =	sadd.s32 s7, s12;
	s8 =	sadd.s32 s9, s12  }
0xe: {  	v1 =	vimm.s32 $0x0;
	v2 =	vor.u32 $0x2A00, v0;
	s9 =	sadd.s32 $0x3DE00, s10;
	s10 =	sadd.s32 $0x3DE40, s10;
	s12 =	simm.s32 $0x2  }
.LBB2_1:
0xf: {  	[tilespmem:s2], [sflag:$0x2] =	stream.linear.gather [hbm4b:s3+s2], $0x2710, $0x38;
	[tilespmem:$0xF670] =	vst v63  }
0x10: {  	_ =	swait.ge [sflag:s12], $0x2710  }
0x11: {  	[sflag:s12] =	ssyncset.done $0x0  }
0x12: {  	p1 =	por $0x0, $0x0;
	[sflag:s12] =	ssyncadd.s32 $0xFFFFD8F0  }
0x13: {  	[tilespmem:s13], [sflag:$0x2] =	stream.linear.gather [hbm4b:s4+s2], $0x2710, $0x38;
	[tilespmem:$0xF670] =	vst v63  }
.Ltmp0:
0x14: {  	_ =	swait.ge [sflag:s12], $0x2710;
	(pc) =	sbr.rel @p1 .LBB2_2-.Ltmp0, $4  }
0x15: {  	v3 =	vor.u32 s2, v0;
	[sflag:s12] =	ssyncset.done $0x0  }
0x16: {  	v4 =	vand.u32 $0x1FFF, v3;
	[sflag:s12] =	ssyncadd.s32 $0xFFFFD8F0  }
0x17: {  	v3 =	vand.u32 $0x3F, v3;
	[tilespmem:s14+$0x0] =	vst v4  }
0x18: {  	s21 =	simm.s32 $0x10;
	p0 =	por $0x0, $0x0;
	v3 =	vadd.s32 $0x1388, v3;
	[tilespmem:s16+$0x0] =	vst v4  }
0x19: {  	p1 =	por $0x0, $0x0  }
.Ltmp1:
0x1a: {  	_ = 	snop;
	(pc) =	sbr.rel @p1 .LBB2_4-.Ltmp1, $4  }
0x1b: {  	v4 =	vor.u32 s21, v0;
	[tilespmem:s15+$0x0] =	vst v3  }
0x1c: {  	s22 =	simm.s32 $0x4E30;
	v5 =	vand.u32 $0x1FFF, v4;
	[tilespmem:s17+$0x0] =	vst v3  }
0x1d: {  	s23 =	simm.s32 $0x20;
	s25 =	simm.s32 $0x7840;
	v3 =	vand.u32 $0x3F, v4;
	[tilespmem:s22+$0x0] =	vst v5  }
0x1e: {  	s21 =	simm.s32 $0xA250;
	p0 =	por $0x1, $0x1;
	s24 =	simm.s32 $0xCC50;
	v3 =	vadd.s32 $0x1388, v3;
	[tilespmem:s25+$0x0] =	vst v5  }
.LBB2_5:
0x1f: {  	v4 =	vor.u32 s23, v0;
	[tilespmem:s21+$0x0] =	vst v3;
	s24 =	sadd.s32 $0x10, s24;
	p1 =	seq.s32 s23, $0x27F0  }
.Ltmp2:
0x20: {  	s22 =	sadd.s32 $0x10, s22;
	v5 =	vand.u32 $0x1FFF, v4;
	[tilespmem:s24+$0x0] =	vst v3;
	(pc) =	sbr.rel @!p1 .LBB2_5-.Ltmp2, $3  }
0x21: {  	[tilespmem:s22+$0x0] =	vst v5;
	_ =	sdelay $0x1  }
0x22: {  	s23 =	sadd.s32 $0x10, s23;
	s25 =	sadd.s32 $0x10, s25;
	v3 =	vand.u32 $0x3F, v4  }
0x23: {  	s21 =	sadd.s32 $0x10, s21;
	v3 =	vadd.s32 $0x1388, v3;
	[tilespmem:s25+$0x0] =	vst v5  }
.LBB2_6:
0x24: {  	s22 =	sadd.s32 @p0 $0x10, s24;
	s23 =	simm.s32 $0xCC50  }
0x25: {  	[tilespmem:s21+$0x0] =	vst v3;
	s23 =	smov.u32 @p0 s22  }
0x26: {  	s31 =	simm.s32 $0x0;
	[tilespmem:s23+$0x0] =	vst v3  }
0x27: {  	v3 =	vld [tilespmem:s31+$0x2710];
	_ =	sdelay $0x4  }
0x28: {  	vm0 =	vlt.s32 v3, $0x1388  }
0x29: {  	v4 =	vsel vm0, $0x1, v1  }
0x2a: {  	(xrf0) =	vadd.scan.msk.s32 $0xffff, v4;
	_ =	sdelay $0x5  }
0x2b: {  	v5, _, _ =	vpop (xrf0)  }
0x2c: {  	s21 =	simm.s32 $0x0;
	v4 =	vsub.s32 v5, v4;
	(v2sf) =	vpush v5, $0xF  }
0x2d: {  	v6 =	vadd.s32 s21, v4  }
0x2e: {  	v7 =	vsub.s32 s21, v4;
	v4 =	vld [tilespmem:s31+$0x0];
	v5 =	vsel vm0, v6, v2  }
0x2f: {  	s24 =	simm.s32 $0x80;
	s22 =	simm.s32 $0x0;
	s23 =	simm.s32 $0x40;
	v6 =	vadd.s32 v0, v7  }
.LBB2_7:
0x30: {  	p0 =	seq.s32 s24, $0x9C00;
	v6 =	vsel vm0, v2, v6;
	_ =	sdelay $0x2  }
0x31: {  	[tilespmem:v5+s14+$0x0] =	vst.idx.msk $0xffff, v4  }
0x32: {  	[tilespmem:v5+s15+$0x0] =	vst.idx.msk $0xffff, v3  }
0x33: {  	v3 =	vadd.s32 $0xFFFFEC78, v3;
	[tilespmem:v6+s16+$0x0] =	vst.idx.msk $0xffff, v4  }
0x34: {  	s25 =	sshra.s32 s23, $0x2;
	s23 =	smov.u32 s24;
	[tilespmem:v6+s17+$0x0] =	vst.idx.msk $0xffff, v3  }
0x35: {  	v3 =	vld [tilespmem:s25+$0x2710]  }
0x36: {  	v4 =	vld [tilespmem:s25+$0x0];
	_ =	sdelay $0x2  }
0x37: {  	s25 =	spop (v2sf)  }
0x38: {  	vm0 =	vlt.s32 v3, $0x1388;
	s21 =	sadd.s32 s21, s25;
	s22 =	ssub.s32 s22, s25  }
0x39: {  	v5 =	vsel vm0, $0x1, v1;
	s22 =	sadd.s32 $0x10, s22  }
0x3a: {  	(xrf0) =	vadd.scan.msk.s32 $0xffff, v5;
	_ =	sdelay $0x5  }
.Ltmp3:
0x3b: {  	v6, _, _ =	vpop (xrf0);
	(pc) =	sbr.rel @!p0 .LBB2_7-.Ltmp3, $4  }
0x3c: {  	v7 =	vsub.s32 v6, v5;
	(v2sf) =	vpush v6, $0xF  }
0x3d: {  	v5 =	vadd.s32 s21, v7  }
0x3e: {  	v6 =	vsub.s32 s22, v7;
	v5 =	vsel vm0, v5, v2  }
0x3f: {  	s24 =	sadd.s32 $0x40, s24;
	v6 =	vadd.s32 v0, v6  }
0x40: {  	_ = 	snop  }
0x41: {  	v6 =	vsel vm0, v2, v6;
	_ =	sdelay $0x2  }
0x42: {  	[tilespmem:v5+s14+$0x0] =	vst.idx.msk $0xffff, v4  }
0x43: {  	[tilespmem:v5+s15+$0x0] =	vst.idx.msk $0xffff, v3  }
0x44: {  	v3 =	vadd.s32 $0xFFFFEC78, v3;
	[tilespmem:v6+s16+$0x0] =	vst.idx.msk $0xffff, v4  }
0x45: {  	s23 =	sshra.s32 s23, $0x2;
	[tilespmem:v6+s17+$0x0] =	vst.idx.msk $0xffff, v3  }
0x46: {  	v3 =	vld [tilespmem:s23+$0x2710];
	_ =	sdelay $0x4  }
0x47: {  	vm15 =	vlt.s32 v3, $0x1388  }
0x48: {  	v4 =	vsel vm15, $0x1, v1  }
0x49: {  	(xrf0) =	vadd.scan.msk.s32 $0xffff, v4;
	_ =	sdelay $0x5  }
0x4a: {  	v5, _, _ =	vpop (xrf0)  }
0x4b: {  	(v2sf) =	vpush v5, $0xF;
	_ =	sdelay $0x5  }
0x4c: {  	s24 =	spop (v2sf)  }
0x4d: {  	s21 =	sadd.s32 s21, s24;
	s22 =	ssub.s32 s22, s24;
	v4 =	vsub.s32 v5, v4  }
0x4e: {  	s22 =	sadd.s32 $0x10, s22;
	v5 =	vadd.s32 s21, v4  }
0x4f: {  	v6 =	vld [tilespmem:s23+$0x0];
	v4 =	vsub.s32 s22, v4;
	v5 =	vsel vm15, v5, v2  }
0x50: {  	v4 =	vadd.s32 v0, v4  }
0x51: {  	v4 =	vsel vm15, v2, v4;
	_ =	sdelay $0x2  }
0x52: {  	[tilespmem:v5+s14+$0x0] =	vst.idx.msk $0xffff, v6  }
0x53: {  	[tilespmem:v5+s15+$0x0] =	vst.idx.msk $0xffff, v3;
	s29 =	spop (v2sf)  }
0x54: {  	s31 =	simm.s32 $0x0;
	v3 =	vadd.s32 $0xFFFFEC78, v3;
	[tilespmem:v4+s16+$0x0] =	vst.idx.msk $0xffff, v6;
	s30 =	ssub.s32 s22, s29;
	s22 =	sadd.s32 s21, s29  }
0x55: {  	[tilespmem:v4+s17+$0x0] =	vst.idx.msk $0xffff, v3;
	v4 =	vor.u32 s31, v0;
	v3 =	vmov s22  }
0x56: {  	v8 =	vadd.s32 v3, v4;
	_ =	sdelay $0x1  }
0x57: {  	s21 =	sadd.s32 $0x10, s30  }
0x58: {  	v5 =	vmov s21;
	v7 =	vmov v8  }
0x59: {  	s23 =	simm.s32 $0x10;
	v6 =	vadd.s32 v5, v4  }
.LBB2_9:
0x5a: {  	v9 =	vor.u32 s23, v0;
	[tilespmem:v8+s14+$0x0] =	vst.idx.msk $0xffff, v4;
	p0 =	sne.s32 s23, $0x1F0  }
.Ltmp4:
0x5b: {  	v10 =	vand.u32 $0x3F, v4;
	v8 =	vadd.s32 v3, v9;
	(pc) =	sbr.rel @p0 .LBB2_9-.Ltmp4, $4  }
0x5c: {  	v10 =	vadd.s32 $0x1388, v10  }
0x5d: {  	[tilespmem:v7+s15+$0x0] =	vst.idx.msk $0xffff, v10;
	v7 =	vmov v8  }
0x5e: {  	[tilespmem:v6+s16+$0x0] =	vst.idx.msk $0xffff, v4;
	v4 =	vmov v9  }
0x5f: {  	s23 =	sadd.s32 $0x10, s23;
	[tilespmem:v6+s17+$0x0] =	vst.idx.msk $0xffff, v10;
	v6 =	vadd.s32 v5, v4  }
0x60: {  	_ =	sdelay $0x2  }
0x61: {  	v3 =	vand.u32 $0x3F, v4  }
0x62: {  	[tilespmem:v8+s14+$0x0] =	vst.idx.msk $0xffff, v4;
	s22 =	sadd.s32 $0x1FF, s22;
	s21 =	sadd.s32 $0x1FF, s21;
	v3 =	vadd.s32 $0x1388, v3  }
0x63: {  	s23 =	sand.u32 $0x1FF, s22;
	s28 =	sshra.s32 s22, $0x1F;
	p1 =	slt.s32 s22, $0x1;
	[tilespmem:v7+s15+$0x0] =	vst.idx.msk $0xffff, v3  }
0x64: {  	s29 =	sand.u32 $0x1FF, s21;
	s30 =	sshra.s32 s21, $0x1F;
	p0 =	sne.s32 s23, $0x0;
	[tilespmem:v6+s16+$0x0] =	vst.idx.msk $0xffff, v4  }
0x65: {  	p5 =	slt.s32 s21, $0x1;
	s23 =	sshrl.u32 s28, $0x17;
	p0 =	por !p1, !p0;
	[tilespmem:v6+s17+$0x0] =	vst.idx.msk $0xffff, v3  }
0x66: {  	[hbm4b:s5+s2] =	stream.linear.scatter [tilespmem:s14], [sflag:$0x1], $0x2800, $0x38;
	[tilespmem:$0xF670] =	vst v63  }
0x67: {  	s22 =	sadd.s32 s23, s22;
	s23 =	simm.s32 $0x1;
	p0 =	por !p0, !p0  }
0x68: {  	[hbm4b:s6+s2] =	stream.linear.scatter [tilespmem:s15], [sflag:$0x1], $0x2800, $0x38;
	[tilespmem:$0xF670] =	vst v63  }
0x69: {  	p6 =	sne.s32 s29, $0x0;
	s22 =	sshra.s32 s22, $0x9;
	s23 =	simm.s32 @!p0 $0x0  }
0x6a: {  	[hbm4b:s7+s2] =	stream.linear.scatter [tilespmem:s16], [sflag:$0x1], $0x2800, $0x38;
	[tilespmem:$0xF670] =	vst v63  }
0x6b: {  	s31 =	sshrl.u32 s30, $0x17;
	p0 =	por !p5, !p6;
	s22 =	ssub.s32 s22, s23  }
0x6c: {  	v3 =	vmov s22;
	[hbm4b:s8+s2] =	stream.linear.scatter [tilespmem:s17], [sflag:$0x1], $0x2800, $0x38;
	[tilespmem:$0xF670] =	vst v63  }
0x6d: {  	s21 =	sadd.s32 s31, s21;
	p0 =	por !p0, !p0;
	s22 =	simm.s32 $0x1;
	[tilespmem:$0xF660] =	vst v3  }
0x6e: {  	[hbm4b:s9+s2] =	stream.linear.scatter [tilespmem:s19], [sflag:$0x2], $0x10, $0x38;
	[tilespmem:$0xF670] =	vst v63  }
0x6f: {  	s21 =	sshra.s32 s21, $0x9;
	s22 =	simm.s32 @!p0 $0x0;
	_ =	swait.ge [sflag:s12], $0x10  }
0x70: {  	s21 =	ssub.s32 s21, s22;
	[sflag:s12] =	ssyncset.done $0x0  }
0x71: {  	v3 =	vmov s21;
	[sflag:s12] =	ssyncadd.s32 $0xFFFFFFF0  }
0x72: {  	[tilespmem:$0xF660] =	vst v3  }
0x73: {  	[hbm4b:s10+s2] =	stream.linear.scatter [tilespmem:s19], [sflag:$0x2], $0x10, $0x38;
	[tilespmem:$0xF670] =	vst v63  }
0x74: {  	_ =	swait.ge [sflag:s12], $0x10  }
0x75: {  	[sflag:s12] =	ssyncset.done $0x0  }
0x76: {  	[sflag:s12] =	ssyncadd.s32 $0xFFFFFFF0  }
0x77: {  	_ =	swait.ge [sflag:s18], $0x2800  }
0x78: {  	[sflag:s18] =	ssyncset.done $0x0  }
0x79: {  	[sflag:s18] =	ssyncadd.s32 $0xFFFFD800  }
0x7a: {  	_ =	swait.ge [sflag:s18], $0x2800  }
0x7b: {  	[sflag:s18] =	ssyncset.done $0x0  }
0x7c: {  	s20 =	sadd.s32 $0x1, s20;
	[sflag:s18] =	ssyncadd.s32 $0xFFFFD800  }
0x7d: {  	p0 =	sne.s32 s20, s11;
	_ =	swait.ge [sflag:s18], $0x2800  }
.Ltmp5:
0x7e: {  	[sflag:s18] =	ssyncset.done $0x0;
	(pc) =	sbr.rel @p0 .LBB2_1-.Ltmp5, $4  }
.Ltmp6:
0x7f: {  	[sflag:s18] =	ssyncadd.s32 $0xFFFFD800;
	(pc) =	sbr.rel @!p0 .LBB2_11-.Ltmp6, $4  }
0x80: {  	_ =	swait.ge [sflag:s18], $0x2800  }
0x81: {  	[sflag:s18] =	ssyncset.done $0x0  }
0x82: {  	[sflag:s18] =	ssyncadd.s32 $0xFFFFD800  }
0x83: {  	_ = 	snop  }
.LBB2_2:
.Ltmp7:
0x84: {  	(pc) =	sbr.rel .LBB2_6-.Ltmp7, $2  }
0x85: {  	_ =	sdelay $0x2  }
0x86: {  	s21 =	simm.s32 $0xA240;
	s24 =	simm.s32 $0xCC50  }
.LBB2_4:
.Ltmp8:
0x87: {  	(pc) =	sbr.rel .LBB2_6-.Ltmp8, $2  }
0x88: {  	_ =	sdelay $0x2  }
0x89: {  	s24 =	simm.s32 $0xCC50  }
.LBB2_11:
0x8a: {  	_ =	sfence.sel $0x180000  }
0x8b: {  	[bflag:$0x0] =	sbarrier.arrive $0xFFFF  }
0x8c: {  	p0 =	sne.s32 s0, $0x0;
	_ =	strace $0x90000047  }
0x8d: {  	s0 =	sadd.s32 @!p0 $0x100000, s1;
	[bflag:$0x2] =	sbarrier.arrive $0xFFFF  }
0x8e: {  	[sflag:s0] =	ssyncadd.tile.s32 @!p0 $0x1;
	_ =	shalt  }
.Lfunc_end2:
_tile_overlayer_lowered:
.L_overlay_start_2:
0x8f: {  	(tag) =	ssettag $0x2  }
0x90: {  	s0 =	rddreg [dreg:$0x0];
	s2 =	stileid.u32  }
0x91: {  	s1 =	rddreg [dreg:$0x1];
	p0 =	sne.s32 s2, $0x0  }
0x92: {  	s3 =	rddreg [dreg:$0x2];
	[bflag:$0x3] =	sbarrier.arrive $0xFFFF;
	s2 =	simm.s32 @!p0 $0x1C02  }
0x93: {  	[timem:s3], [sflag:s2] =	dma.local @!p0 [hbm:s0], s1  }
0x94: {  	s0 =	simm.s32 @!p0 $0x2  }
0x95: {  	_ =	swait.ge @!p0 [sflag:s0], s1  }
0x96: {  	s1 =	ssub.s32 @!p0 $0x0, s1;
	[sflag:s0] =	ssyncset.done @!p0 $0x0  }
0x97: {  	[sflag:s0] =	ssyncadd.s32 @!p0 s1  }
0x98: {  	[bflag:$0x3] =	sbarrier.arrive $0xFFFF  }
0x99: {  	_ =	shalt  }

// kernel: kernel.9.cloned.1.call-start
scs
__scs_entry_jumppad:
0x0: {  	(pc) =	sbr.rel $0x88, $3  }
0x1: {  	(tag) =	ssettag $0x0;
	lr =	simm.s32 $0x1  }
0x2: {  	[smem:$0x3F9A] =	sst lr;
	_ =	strace $0xD0000000  }
0x3: {  	_ = 	snop  }
0x4: {  	_ = 	snop  }
0x5: {  	_ = 	snop  }
0x6: {  	_ = 	snop  }
0x7: {  	_ = 	snop  }
__scs_overlays_trampoline_lowered:
0x8: {  	[smem:$0x3FA9] =	sst s0  }
0x9: {  	[smem:$0x3FAA] =	sst s1  }
0xa: {  	[smem:$0x3FAB] =	sst s2  }
0xb: {  	[smem:$0x3FAC] =	sst s3  }
0xc: {  	[smem:$0x3FAD] =	sst s4  }
0xd: {  	[smem:$0x3FAE] =	sst s5  }
0xe: {  	[smem:$0x3FAF] =	sst s6  }
0xf: {  	[smem:$0x3FB0] =	sst s7  }
0x10: {  	[smem:$0x3FB1] =	sst s8  }
0x11: {  	[smem:$0x3FB2] =	sst s9;
	s0 =	simm.s32 @!p0 $0x0  }
0x12: {  	s1 =	sld [smem:$0x3F98];
	s0 =	simm.s32 @p0 $0x1  }
0x13: {  	[smem:$0x3FB3] =	sst s0;
	s0 =	simm.s32 @!p1 $0x0  }
0x14: {  	s2 =	sld [smem:$0x3F97];
	s0 =	simm.s32 @p1 $0x1  }
0x15: {  	[smem:$0x3FB4] =	sst s0;
	s0 =	simm.s32 @!p2 $0x0  }
0x16: {  	s3 =	sld [smem:$0x3FDB];
	s0 =	simm.s32 @p2 $0x1  }
0x17: {  	s4 =	simm.s32 $0x1BF5;
	[smem:$0x3FB6] =	sst s0  }
0x18: {  	s0 =	sld [smem:$0x3F99];
	_ =	swait.ge [sflag:s4], $0x0  }
0x19: {  	s7 =	sld [smem:$0x3F9A]  }
0x1a: {  	s8 =	sadd.s32 $0xFFFFE003, lr  }
0x1b: {  	s9 =	sadd.s32 $0xFFFFFEF7, lr;
	s5 =	simm.s32 $0xFFFFFFFF;
	p2 =	slt.u32 s8, $0xFFFFF086  }
0x1c: {  	p1 =	slt.u32 s9, $0xF7A;
	s5 =	simm.s32 @!p2 $0x0  }
0x1d: {  	s5 =	simm.s32 @p1 $0x1;
	p0 =	seq.s32 s7, s2  }
0x1e: {  	s7 =	smul.u32 @!p0 $0xF7A, s2;
	p2 =	seq.s32 @!p0 s5, $0x0  }
0x1f: {  	s9 =	smul.u32 $0xF7A, s1;
	s8 =	simm.s32 @!p0 $0x1BF5;
	p2 =	por !p2, p0  }
0x20: {  	[sflag:s8] =	ssyncset.s32 @!p0 $0xFFFFF086;
	s6 =	sadd.s32 @!p0 s3, s7;
	s7 =	simm.s32 @!p0 $0x108  }
0x21: {  	s3 =	sadd.s32 s3, s9;
	s6 =	sadd.s32 @!p0 $0x88, s6;
	s7 =	simm.s32 @p2 $0x1082  }
0x22: {  	[simem:s7], [sflag:s8] =	dma.local @!p0 [hbm:s6], $0xF7A  }
0x23: {  	s9 =	sor.u32 $0xD0000000, s2;
	s6 =	simm.s32 $0x108;
	_ =	swait.ge @!p0 [sflag:s8], $0x0  }
0x24: {  	s3 =	sadd.s32 $0x88, s3;
	s6 =	simm.s32 @!p1 $0x1082;
	[sflag:s4] =	ssyncset.s32 $0xFFFFF086  }
0x25: {  	[simem:s6], [sflag:s4] =	dma.local [hbm:s3], $0xF7A  }
0x26: {  	[smem:$0x3F9A] =	sst s1;
	(tag) =	ssettag s2;
	_ =	strace s9  }
0x27: {  	s1 =	sld [smem:$0x3FAA]  }
0x28: {  	s2 =	sld [smem:$0x3FAB]  }
0x29: {  	s4 =	sld [smem:$0x3FAD]  }
0x2a: {  	p0 =	seq.s32 s5, $0x0;
	s5 =	sld [smem:$0x3FAE]  }
0x2b: {  	s6 =	sld [smem:$0x3FAF]  }
0x2c: {  	s7 =	sld [smem:$0x3FB0]  }
0x2d: {  	s3 =	simm.s32 $0x108;
	s8 =	sld [smem:$0x3FB1]  }
0x2e: {  	s3 =	simm.s32 @!p0 $0x1082;
	s9 =	sld [smem:$0x3FB2]  }
0x2f: {  	lr =	sadd.s32 s0, s3;
	s0 =	sld [smem:$0x3FA9]  }
0x30: {  	s3 =	sld [smem:$0x3FAC]  }
0x31: {  	[smem:$0x3FB5] =	sst s10  }
0x32: {  	s10 =	sld [smem:$0x3FB3];
	_ =	sdelay $0x3  }
0x33: {  	p0 =	seq.s32 s10, $0x1;
	s10 =	sld [smem:$0x3FB5];
	_ =	sdelay $0x3  }
0x34: {  	[smem:$0x3FB5] =	sst s10  }
0x35: {  	s10 =	sld [smem:$0x3FB4];
	_ =	sdelay $0x3  }
0x36: {  	p1 =	seq.s32 s10, $0x1;
	s10 =	sld [smem:$0x3FB5];
	_ =	sdelay $0x3  }
0x37: {  	[smem:$0x3FB5] =	sst s10  }
0x38: {  	s10 =	sld [smem:$0x3FB6]  }
0x39: {  	_ = 	snop;
	(pc) =	sbr.ind lr, $3  }
0x3a: {  	_ = 	snop  }
0x3b: {  	_ = 	snop  }
0x3c: {  	p2 =	seq.s32 s10, $0x1;
	s10 =	sld [smem:$0x3FB5]  }
0x3d: {  	_ =	shalt  }
0x3e: {  	_ =	shalt  }
0x3f: {  	_ =	shalt  }
0x40: {  	_ =	shalt  }
0x41: {  	_ =	shalt  }
0x42: {  	_ =	shalt  }
0x43: {  	_ =	shalt  }
0x44: {  	_ =	shalt  }
0x45: {  	_ =	shalt  }
0x46: {  	_ =	shalt  }
0x47: {  	_ =	shalt  }
0x48: {  	_ =	shalt  }
0x49: {  	_ =	shalt  }
0x4a: {  	_ =	shalt  }
0x4b: {  	_ =	shalt  }
0x4c: {  	_ =	shalt  }
0x4d: {  	_ =	shalt  }
0x4e: {  	_ =	shalt  }
0x4f: {  	_ =	shalt  }
0x50: {  	_ =	shalt  }
0x51: {  	_ =	shalt  }
0x52: {  	_ =	shalt  }
0x53: {  	_ =	shalt  }
0x54: {  	_ =	shalt  }
0x55: {  	_ =	shalt  }
0x56: {  	_ =	shalt  }
0x57: {  	_ =	shalt  }
0x58: {  	_ =	shalt  }
0x59: {  	_ =	shalt  }
0x5a: {  	_ =	shalt  }
0x5b: {  	_ =	shalt  }
0x5c: {  	_ =	shalt  }
0x5d: {  	_ =	shalt  }
0x5e: {  	_ =	shalt  }
0x5f: {  	_ =	shalt  }
0x60: {  	_ =	shalt  }
0x61: {  	_ =	shalt  }
0x62: {  	_ =	shalt  }
0x63: {  	_ =	shalt  }
0x64: {  	_ =	shalt  }
0x65: {  	_ =	shalt  }
0x66: {  	_ =	shalt  }
0x67: {  	_ =	shalt  }
0x68: {  	_ =	shalt  }
0x69: {  	_ =	shalt  }
0x6a: {  	_ =	shalt  }
0x6b: {  	_ =	shalt  }
0x6c: {  	_ =	shalt  }
0x6d: {  	_ =	shalt  }
0x6e: {  	_ =	shalt  }
0x6f: {  	_ =	shalt  }
0x70: {  	_ =	shalt  }
0x71: {  	_ =	shalt  }
0x72: {  	_ =	shalt  }
0x73: {  	_ =	shalt  }
0x74: {  	_ =	shalt  }
0x75: {  	_ =	shalt  }
0x76: {  	_ =	shalt  }
0x77: {  	_ =	shalt  }
0x78: {  	_ =	shalt  }
0x79: {  	_ =	shalt  }
0x7a: {  	_ =	shalt  }
0x7b: {  	_ =	shalt  }
0x7c: {  	_ =	shalt  }
0x7d: {  	_ =	shalt  }
0x7e: {  	_ =	shalt  }
0x7f: {  	_ =	shalt  }
0x80: {  	_ =	shalt  }
0x81: {  	_ =	shalt  }
0x82: {  	_ =	shalt  }
0x83: {  	_ =	shalt  }
0x84: {  	_ =	shalt  }
0x85: {  	_ =	shalt  }
0x86: {  	_ =	shalt  }
0x87: {  	_ =	shalt  }
.Lfunc_end0:
.L_simem_size_0:
called_computation.1_lowered:
.L_overlay_start_0:
0x88: {  	s2 =	sld [smem:$0x3FD9]  }
0x89: {  	s3 =	sld [smem:$0x3FFE];
	_ =	sdelay $0x1  }
0x8a: {  	s1 =	srdreg.scid  }
0x8b: {  	s0 =	sand.u32 $0x1, s1  }
0x8c: {  	s17 =	sshll.u32 s0, $0xA;
	s2 =	sadd.s32 s3, s2  }
0x8d: {  	s2 =	sadd.s32 s2, s17  }
0x8e: {  	[smem:$0x3FC1] =	sst s2  }
0x8f: {  	_ = 	snop  }
0x90: {  	s2 =	sld [smem:$0x3FD0];
	(tm) =	ssettm $0x1  }
0x91: {  	s18 =	sld [smem:$0x3FFB];
	_ =	sdelay $0x3  }
0x92: {  	_ =	strace s18  }
0x93: {  	s3 =	sld [smem:$0x3FFC];
	_ =	sdelay $0x3  }
0x94: {  	_ =	strace s3  }
0x95: {  	s3 =	sld [smem:$0x3FFD];
	_ =	sdelay $0x3  }
0x96: {  	_ =	strace s3  }
0x97: {  	_ =	strace $0x8FFFFFFF  }
0x98: {  	s19 =	sld [smem:$0x3FDB];
	_ =	sdelay $0x1  }
0x99: {  	s4 =	simm.s32 $_scs_section_size  }
0x9a: {  	s5 =	simm.s32 $_size__tile_overlayer_lowered;
	s6 =	simm.s32 $_tile_overlayer_lowered  }
0x9b: {  	s22 =	simm.s32 $0x1BFF;
	s21 =	sshll.u32 s6, $0x1;
	s3 =	sadd.s32 s4, s19  }
0x9c: {  	s7 =	simm.s32 $0x0;
	s20 =	sshll.u32 s5, $0x1;
	s5 =	sadd.s32 s21, s3  }
0x9d: {  	[timem:s7], [sflag:s22] =	dma.local [hbm:s5], s20  }
0x9e: {  	_ =	swait.ge [sflag:s22], s20  }
0x9f: {  	s4 =	ssub.s32 $0x0, s20;
	[sflag:s22] =	ssyncset.done $0x0  }
0xa0: {  	[sflag:s22] =	ssyncadd.s32 s4;
	_ =	sdelay $0x1  }
0xa1: {  	s23 =	simm.s32 $0x1B8B  }
0xa2: {  	_ =	swait.ge [sflag:s23], $0x1  }
0xa3: {  	[sflag:s23] =	ssyncset.done $0x0  }
0xa4: {  	s25 =	simm.s32 $0x1B8E;
	s24 =	sld [smem:$0x3FFE];
	[sflag:s23] =	ssyncadd.s32 $0xFFFFFFFF  }
0xa5: {  	s26 =	simm.s32 $execute0_lowered;
	[smem:$0x3FD2] =	sst s25  }
0xa6: {  	s5 =	sshll.u32 s26, $0x1;
	_ =	strace $0x80000049;
	[dreg:$0x1] =	wrdreg $0xFFFFFFFF  }
0xa7: {  	s28 =	simm.s32 $_size_execute0_lowered;
	s3 =	sadd.s32 s3, s5;
	[dreg:$0x0] =	wrdreg $0x0  }
0xa8: {  	s5 =	sshll.u32 s28, $0x1;
	[dreg:$0x2] =	wrdreg s3  }
0xa9: {  	[dreg:$0x3] =	wrdreg s5  }
0xaa: {  	[dreg:$0x4] =	wrdreg $0xC0  }
0xab: {  	_ =	task [dreg:s7], $0x5FFFF  }
0xac: {  	[dreg:$0x1] =	wrdreg $0xFFFFFFFF  }
0xad: {  	[dreg:$0x0] =	wrdreg $0x60  }
0xae: {  	[dreg:$0x2] =	wrdreg s2  }
0xaf: {  	[dreg:$0x3] =	wrdreg s24  }
0xb0: {  	[dreg:$0x4] =	wrdreg $0x150100  }
0xb1: {  	[dreg:$0x5] =	wrdreg $0x9  }
0xb2: {  	_ =	task.clear_ibuf [dreg:s7], $0x6FFFF;
	_ =	strace $0x90000049  }
0xb3: {  	s29 =	simm.s32 $0x9;
	_ =	strace $0x8000004B  }
0xb4: {  	_ =	swait.ge [sflag:s29], $0x1  }
0xb5: {  	[sflag:s29] =	ssyncadd.s32 $0xFFFFFFFF  }
0xb6: {  	_ =	strace $0x9000004B  }
0xb7: {  	_ =	sfence  }
0xb8: {  	s30 =	sld [smem:$0x0];
	_ =	sdelay $0x2  }
0xb9: {  	s31 =	sshll.u32 s1, $0xD;
	s1 =	sshrl.u32 s1, $0x2  }
0xba: {  	s3 =	sand.u32 $0x4000, s31;
	s1 =	sadd.s32 s1, s30  }
0xbb: {  	s0 =	sor.u32 s3, s0;
	s1 =	sshll.u32 s1, $0x11  }
0xbc: {  	s0 =	sor.u32 s1, s0  }
0xbd: {  	s0 =	sadd.s32 $0x8F2B, s0  }
0xbe: {  	[sflag:s0] =	ssyncadd.remote.s32 $0x1  }
0xbf: {  	_ =	sfence.sel $0xFFFF  }
0xc0: {  	[dreg:$0x0] =	wrdreg $0xFFFFFFFF;
	(pc) =	sbr.abs _section_cstart, $3  }
0xc1: {  	[dreg:$0x1] =	wrdreg $0xFFFFFFFF  }
0xc2: {  	_ =	task.clear_ibuf [dreg:s7], $0x2FFFF;
	_ =	strace $0x9FFFFFFF  }
0xc3: {  	(tm) =	ssettm $0x7FFFFFFF  }
tec
execute0_lowered:
.L_overlay_start_1:
0x0: {  	(tag) =	ssettag $0x1  }
0x1: {  	s1 =	rddreg [dreg:$0x0]  }
0x2: {  	s0 =	rddreg [dreg:$0x1]  }
0x3: {  	s2 =	rddreg [dreg:$0x2];
	s3 =	simm.s32 $0x0;
	s5 =	srdreg.scid  }
0x4: {  	s19 =	stileid.u32;
	s28 =	simm.s32 $0x3;
	s29 =	simm.s32 $0xD000  }
0x5: {  	s30 =	simm.s32 $0x4;
	s31 =	simm.s32 $0x11000;
	[smem:$0x7FF] =	sst s3  }
0x6: {  	s4 =	sadd.s32 $0x15E00, s0;
	s6 =	sadd.s32 $0x29E00, s0;
	s24 =	smul.u32 $0x5000, s19  }
0x7: {  	s7 =	sadd.s32 $0x3DE00, s0;
	s8 =	sand.u32 $0x1, s5;
	s21 =	smul.u32 $0x1380, s19  }
0x8: {  	s0 =	sadd.s32 $0x3E000, s0;
	s10 =	sshll.u32 s19, $0xE;
	s23 =	smul.u32 $0x27000, s19  }
0x9: {  	s26 =	sshllo.u32 s19, $0x1;
	s14 =	sshll.u32 s19, $0x5;
	s11 =	smul.u32 $0x50000, s8  }
0xa: {  	p0 =	sgt.u32 s19, $0x7;
	_ =	strace $0x8000004A;
	s15 =	smul.u32 $0x2800, s26  }
0xb: {  	s5 =	ssub.s32 $0x2, s8;
	s13 =	sshll.u32 s8, $0x9;
	s20 =	smul.u32 $0x13880, s8  }
0xc: {  	s8 =	smul.u32 $0x9C400, s8;
	s9 =	sshrl.u32 s5, $0x1;
	s14 =	sor.u32 s14, s13  }
0xd: {  	s9 =	ssub.s32 s5, s9;
	s5 =	sadd.s32 s10, s2;
	s10 =	sadd.s32 s24, s11  }
0xe: {  	s17 =	sshrl.u32 s14, $0x3;
	s18 =	sadd.s32 s11, s15;
	s12 =	sadd.s32 $0x40000, s5  }
0xf: {  	s24 =	sadd.s32 s21, s20;
	s25 =	sadd.s32 $0x80000, s5;
	[dreg:$0x4] =	wrdreg s12  }
0x10: {  	s21 =	simm.s32 $0x1;
	s10 =	sshrl.u32 s10, $0x3;
	[dreg:$0x5] =	wrdreg s25  }
0x11: {  	s16 =	sadd.s32 s4, s10;
	s10 =	sadd.s32 s6, s10;
	s12 =	sshll.u32 s26, $0x4  }
0x12: {  	s25 =	sshrl.u32 s8, $0x3;
	s26 =	sshrl.u32 s23, $0x2;
	[dreg:$0x6] =	wrdreg s16  }
0x13: {  	s23 =	simm.s32 $0x2;
	[dreg:$0x7] =	wrdreg s10;
	s10 =	sadd.s32 s7, s17  }
0x14: {  	s22 =	sor.u32 s13, s12;
	[dreg:$0x8] =	wrdreg s10;
	s10 =	sshrl.u32 s18, $0x3  }
0x15: {  	s16 =	smax.u32 s9, $0x1;
	s17 =	simm.s32 $0x5000;
	s4 =	sadd.s32 s4, s10  }
0x16: {  	s18 =	simm.s32 $0x9;
	s6 =	sadd.s32 s6, s10;
	[dreg:$0x9] =	wrdreg s4  }
0x17: {  	[dreg:$0xa] =	wrdreg s6;
	s4 =	sshrl.u32 s22, $0x3;
	s6 =	simm.s32 @!p0 $0x0  }
0x18: {  	s22 =	simm.s32 $0x80;
	s4 =	sadd.s32 s7, s4;
	s6 =	simm.s32 @p0 $0x1  }
0x19: {  	p0 =	sne.s32 s19, $0xF;
	[dreg:$0xb] =	wrdreg s4;
	s4 =	sadd.s32 s0, s24  }
.Ltmp0:
0x1a: {  	s0 =	sadd.s32 s0, s25;
	[smem:$0x7FC] =	sst s6;
	(pc) =	sbr.rel .LBB2_1-.Ltmp0, $4  }
0x1b: {  	[dreg:$0xc] =	wrdreg s4;
	s4 =	sadd.s32 s26, s2;
	s0 =	sadd.s32 $0x13800, s0  }
0x1c: {  	s26 =	simm.s32 $0x9000;
	s24 =	sshrl.u32 s4, $0x3;
	s4 =	simm.s32 @!p0 $0x0  }
0x1d: {  	[dreg:$0xd] =	wrdreg s0;
	s0 =	sadd.s32 $0x9C000, s2;
	s4 =	simm.s32 @p0 $0x1  }
0x1e: {  	v0 =	vimm.f32 $0.0e+00;
	s25 =	sshrl.u32 @!p0 s0, $0x3;
	s0 =	simm.s32 $0x0;
	[smem:$0x7FD] =	sst s4  }
.LBB2_12:
0x1f: {  	s9 =	simm.s32 $0x0;
	s8 =	simm.s32 $0x0  }
.LBB2_16:
0x20: {  	_ =	swait.ge @p3 [sflag:s30], $0x4000  }
0x21: {  	p0 =	por p1, p5;
	[sflag:s30] =	ssyncset.done @p3 $0x0  }
0x22: {  	s11 =	sadd.s32 @p3 $0x2980, s11;
	s10 =	simm.s32 @!p0 $0x8;
	[sflag:s30] =	ssyncadd.s32 @p3 $0xFFFFC000  }
0x23: {  	[spmem:s2] =	stream.indirect.scatter.add.f32 @p3 [tilespmem:s31], [sflag:$0x8], $0x80, s11, s22, $0xb8;
	[tilespmem:$0x1F010] =	vst v63  }
0x24: {  	s12 =	simm.s32 @!p5 $0x11000;
	s9 =	sadd.s32 $0x4, s9;
	_ =	swait.ge @!p0 [sflag:s10], $0x4000  }
0x25: {  	s13 =	simm.s32 @!p5 $0x80;
	s11 =	sshra.s32 @!p5 s6, $0x2;
	[sflag:s10] =	ssyncset.done @!p0 $0x0  }
0x26: {  	p1 =	sge.s32 s9, s4;
	s11 =	sadd.s32 @!p5 $0x180, s11;
	[sflag:s10] =	ssyncadd.s32 @!p0 $0xFFFFC000  }
0x27: {  	[tilespmem:s12], [sflag:$0x4] =	stream.indirect.gather @!p5 [hbm4b:s1+s13], $0x80, s11, s13, $0xb8;
	[tilespmem:$0x1F010] =	vst v63  }
0x28: {  	p0 =	slt.s32 @!p1 s8, $0x0;
	_ =	swait.ge [sflag:s21], $0x4000  }
0x29: {  	s20 =	sshra.s32 s6, $0x2;
	p0 =	por p0, p1;
	[sflag:s21] =	ssyncset.done $0x0  }
0x2a: {  	s13 =	sadd.s32 $0x2800, s20;
	s11 =	simm.s32 @!p0 $0x5;
	[sflag:s21] =	ssyncadd.s32 $0xFFFFC000  }
0x2b: {  	[spmem:s2] =	stream.indirect.scatter.add.f32 [tilespmem:s17], [sflag:$0x5], $0x80, s13, s22, $0xb8;
	[tilespmem:$0x1F010] =	vst v63  }
0x2c: {  	s10 =	sshra.s32 @!p1 s6, $0x2;
	_ =	swait.ge @!p0 [sflag:s11], $0x4000  }
0x2d: {  	s14 =	sadd.s32 $0x5, s8;
	s10 =	sadd.s32 @!p1 $0x200, s10;
	[sflag:s11] =	ssyncset.done @!p0 $0x0  }
0x2e: {  	s13 =	simm.s32 @!p1 $0x5000;
	[sflag:s11] =	ssyncadd.s32 @!p0 $0xFFFFC000;
	s11 =	simm.s32 @!p1 $0x80  }
0x2f: {  	[tilespmem:s13], [sflag:$0x1] =	stream.indirect.gather @!p1 [hbm4b:s1+s11], $0x80, s10, s11, $0xb8;
	[tilespmem:$0x1F010] =	vst v63  }
0x30: {  	p1 =	sge.s32 s14, s4  }
0x31: {  	_ =	swait.ge [sflag:s23], $0x4000;
	p0 =	slt.s32 @!p1 s8, $0x0  }
0x32: {  	[sflag:s23] =	ssyncset.done $0x0;
	p0 =	por p0, p1  }
0x33: {  	s15 =	sadd.s32 $0x2880, s20;
	[sflag:s23] =	ssyncadd.s32 $0xFFFFC000;
	s10 =	simm.s32 @!p0 $0x6  }
0x34: {  	[spmem:s2] =	stream.indirect.scatter.add.f32 [tilespmem:s26], [sflag:$0x6], $0x80, s15, s22, $0xb8;
	[tilespmem:$0x1F010] =	vst v63  }
0x35: {  	s11 =	sshra.s32 @!p1 s6, $0x2;
	_ =	swait.ge @!p0 [sflag:s10], $0x4000  }
0x36: {  	s12 =	simm.s32 @!p1 $0x80;
	s13 =	simm.s32 @!p1 $0x9000;
	[sflag:s10] =	ssyncset.done @!p0 $0x0  }
0x37: {  	s11 =	sadd.s32 @!p1 $0x280, s11;
	[sflag:s10] =	ssyncadd.s32 @!p0 $0xFFFFC000;
	p0 =	sge.s32 s7, s4  }
0x38: {  	[tilespmem:s13], [sflag:$0x2] =	stream.indirect.gather @!p1 [hbm4b:s1+s12], $0x80, s11, s12, $0xb8;
	[tilespmem:$0x1F010] =	vst v63  }
0x39: {  	p1 =	slt.s32 @!p0 s8, $0x0;
	_ =	swait.ge [sflag:s28], $0x4000  }
0x3a: {  	p1 =	por p1, p0;
	[sflag:s28] =	ssyncset.done $0x0  }
0x3b: {  	s19 =	sadd.s32 $0x2900, s20;
	s7 =	simm.s32 @!p1 $0x7;
	[sflag:s28] =	ssyncadd.s32 $0xFFFFC000  }
0x3c: {  	[spmem:s2] =	stream.indirect.scatter.add.f32 [tilespmem:s29], [sflag:$0x7], $0x80, s19, s22, $0xb8;
	[tilespmem:$0x1F010] =	vst v63  }
0x3d: {  	_ =	swait.ge @!p1 [sflag:s7], $0x4000  }
0x3e: {  	s4 =	sshra.s32 @!p0 s6, $0x2;
	s6 =	simm.s32 @!p0 $0xD000;
	[sflag:s7] =	ssyncset.done @!p1 $0x0  }
0x3f: {  	s8 =	simm.s32 @!p0 $0x80;
	s4 =	sadd.s32 @!p0 $0x300, s4;
	[sflag:s7] =	ssyncadd.s32 @!p1 $0xFFFFC000  }
0x40: {  	[tilespmem:s6], [sflag:$0x3] =	stream.indirect.gather @!p0 [hbm4b:s1+s8], $0x80, s4, s8, $0xb8;
	[tilespmem:$0x1F010] =	vst v63  }
0x41: {  	_ =	swait.ge [sflag:s30], $0x4000  }
0x42: {  	[sflag:s30] =	ssyncset.done $0x0  }
0x43: {  	s20 =	sadd.s32 $0x2980, s20;
	[sflag:s30] =	ssyncadd.s32 $0xFFFFC000  }
0x44: {  	[spmem:s2] =	stream.indirect.scatter.add.f32 [tilespmem:s31], [sflag:$0x8], $0x80, s20, s22, $0xb8;
	[tilespmem:$0x1F010] =	vst v63  }
.LBB2_17:
0x45: {  	s4 =	simm.s32 @!p2 $0x5  }
0x46: {  	_ =	swait.ge @!p2 [sflag:s4], $0x4000  }
0x47: {  	[sflag:s4] =	ssyncset.done @!p2 $0x0  }
0x48: {  	[sflag:s4] =	ssyncadd.s32 @!p2 $0xFFFFC000;
	s4 =	simm.s32 @!p2 $0x6  }
0x49: {  	_ =	swait.ge @!p2 [sflag:s4], $0x4000  }
0x4a: {  	[sflag:s4] =	ssyncset.done @!p2 $0x0  }
0x4b: {  	[sflag:s4] =	ssyncadd.s32 @!p2 $0xFFFFC000;
	s4 =	simm.s32 @!p2 $0x7  }
0x4c: {  	_ =	swait.ge @!p2 [sflag:s4], $0x4000  }
0x4d: {  	[sflag:s4] =	ssyncset.done @!p2 $0x0  }
0x4e: {  	[sflag:s4] =	ssyncadd.s32 @!p2 $0xFFFFC000;
	s4 =	simm.s32 @!p2 $0x8  }
0x4f: {  	_ =	swait.ge @!p2 [sflag:s4], $0x4000  }
0x50: {  	[sflag:s4] =	ssyncset.done @!p2 $0x0  }
0x51: {  	s20 =	stileid.u32;
	[sflag:s4] =	ssyncadd.s32 @!p2 $0xFFFFC000  }
0x52: {  	s4 =	sshll.u32 s20, $0x6;
	[bflag:$0x0] =	sbarrier.arrive $0xFFFF  }
0x53: {  	s4 =	sor.u32 $0x1C09, s4;
	s6 =	rddreg [dreg:$0xc]  }
0x54: {  	[hbm:s6], [sflag:s4] =	dma.local [spmem:s24], $0x1380  }
0x55: {  	_ =	swait.ge [sflag:s18], $0x1380  }
0x56: {  	s7 =	sld [smem:$0x7FD]  }
0x57: {  	s0 =	sadd.s32 $0x1, s0  }
0x58: {  	p0 =	sne.s32 s0, s16;
	[sflag:s18] =	ssyncset.done $0x0  }
0x59: {  	s6 =	rddreg [dreg:$0xd];
	[sflag:s18] =	ssyncadd.s32 $0xFFFFEC80;
	p1 =	seq.s32 s7, $0x1  }
0x5a: {  	[hbm:s6], [sflag:s4] =	dma.local @!p1 [spmem:s25], $0x80  }
.Ltmp1:
0x5b: {  	_ = 	snop;
	(pc) =	sbr.rel @!p0 .LBB2_18-.Ltmp1, $4  }
0x5c: {  	s4 =	simm.s32 @!p1 $0x9  }
0x5d: {  	_ =	swait.ge @!p1 [sflag:s4], $0x80  }
0x5e: {  	[sflag:s4] =	ssyncset.done @!p1 $0x0  }
0x5f: {  	[sflag:s4] =	ssyncadd.s32 @!p1 $0xFFFFFF80  }
.LBB2_1:
0x60: {  	s4 =	sand.u32 $0xFE00, s3  }
0x61: {  	s6 =	sand.u32 $0x70, s3;
	s7 =	sshrl.u32 s4, $0x2  }
0x62: {  	s4 =	simm.s32 $0x40;
	s7 =	sor.u32 s6, s7;
	s6 =	simm.s32 $0x0  }
.LBB2_2:
0x63: {  	p0 =	sne.s32 s4, $0xFFC0  }
0x64: {  	[tilespmem:s7+$0x5000] =	vst v0;
	s6 =	sadd.s32 $0x10, s6;
	s7 =	smov.u32 s4;
	s4 =	sadd.s32 $0x40, s4  }
.Ltmp2:
0x65: {  	(pc) =	sbr.rel @p0 .LBB2_2-.Ltmp2, $4  }
0x66: {  	_ = 	snop  }
0x67: {  	s7 =	sand.u32 $0xFE00, s7  }
0x68: {  	s8 =	sand.u32 $0x70, s6;
	s7 =	sshrl.u32 s7, $0x2  }
0x69: {  	s7 =	sor.u32 s8, s7  }
0x6a: {  	[tilespmem:s7+$0x5000] =	vst v0  }
0x6b: {  	[spmem:s5] =	stream.linear.scatter [tilespmem:s17], [sflag:$0x9], $0x4000, $0x38;
	[tilespmem:$0x1F010] =	vst v63  }
0x6c: {  	_ =	swait.ge [sflag:s18], $0x4000  }
0x6d: {  	[sflag:s18] =	ssyncset.done $0x0  }
0x6e: {  	s4 =	rddreg [dreg:$0x4];
	[sflag:s18] =	ssyncadd.s32 $0xFFFFC000  }
0x6f: {  	[spmem:s4] =	stream.linear.scatter [tilespmem:s17], [sflag:$0x9], $0x4000, $0x38;
	[tilespmem:$0x1F010] =	vst v63  }
0x70: {  	_ =	swait.ge [sflag:s18], $0x4000  }
0x71: {  	s12 =	sld [smem:$0x7FC];
	_ =	sdelay $0x2  }
0x72: {  	[sflag:s18] =	ssyncset.done $0x0;
	p0 =	seq.s32 s12, $0x1  }
0x73: {  	s6 =	rddreg [dreg:$0x5];
	[sflag:s18] =	ssyncadd.s32 $0xFFFFC000;
	s4 =	simm.s32 @!p0 $0x5000  }
0x74: {  	[spmem:s6] =	stream.linear.scatter @!p0 [tilespmem:s4], [sflag:$0x9], $0x4000, $0x38;
	[tilespmem:$0x1F010] =	vst v63  }
0x75: {  	s4 =	simm.s32 @!p0 $0x9  }
0x76: {  	_ =	swait.ge @!p0 [sflag:s4], $0x4000  }
0x77: {  	[sflag:s4] =	ssyncset.done @!p0 $0x0  }
0x78: {  	[sflag:s4] =	ssyncadd.s32 @!p0 $0xFFFFC000  }
0x79: {  	[bflag:$0x0] =	sbarrier.arrive $0xFFFF  }
0x7a: {  	s13 =	rddreg [dreg:$0x6]  }
0x7b: {  	[tilespmem:s3], [sflag:$0x9] =	stream.linear.gather [hbm4b:s13+s3], $0x2800, $0x38;
	[tilespmem:$0x1F010] =	vst v63  }
0x7c: {  	_ =	swait.ge [sflag:s18], $0x2800  }
0x7d: {  	[sflag:s18] =	ssyncset.done $0x0  }
0x7e: {  	s15 =	simm.s32 $0x2800;
	s14 =	rddreg [dreg:$0x7];
	[sflag:s18] =	ssyncadd.s32 $0xFFFFD800  }
0x7f: {  	[tilespmem:s15], [sflag:$0x9] =	stream.linear.gather [hbm4b:s14+s3], $0x2800, $0x38;
	[tilespmem:$0x1F010] =	vst v63  }
0x80: {  	_ =	swait.ge [sflag:s18], $0x2800  }
0x81: {  	[sflag:s18] =	ssyncset.done $0x0  }
0x82: {  	s20 =	simm.s32 $0x15000;
	s19 =	rddreg [dreg:$0x8];
	[sflag:s18] =	ssyncadd.s32 $0xFFFFD800  }
0x83: {  	[tilespmem:s20], [sflag:$0x9] =	stream.linear.gather [hbm4b:s19+s3], $0x10, $0x38;
	[tilespmem:$0x1F010] =	vst v63  }
0x84: {  	_ =	swait.ge [sflag:s18], $0x10  }
0x85: {  	[sflag:s18] =	ssyncset.done $0x0  }
0x86: {  	[sflag:s18] =	ssyncadd.s32 $0xFFFFFFF0  }
0x87: {  	v1 =	vld [tilespmem:$0x15000];
	_ =	sdelay $0x4  }
0x88: {  	(v2sf) =	vpush v1, $0x0;
	_ =	sdelay $0xe  }
0x89: {  	s7 =	spop (v2sf)  }
0x8a: {  	s4 =	sshll.u32 s7, $0x2  }
0x8b: {  	p0 =	slt.s32 s7, $0x1;
	p2 =	slt.s32 s4, $0x1  }
0x8c: {  	s6 =	simm.s32 @!p2 $0x80;
	s8 =	simm.s32 @!p2 $0x0;
	s9 =	simm.s32 @!p2 $0x5000  }
0x8d: {  	[tilespmem:s9], [sflag:$0x1] =	stream.indirect.gather @!p2 [hbm4b:s1+s6], $0x80, s8, s6, $0xb8;
	[tilespmem:$0x1F010] =	vst v63  }
.Ltmp3:
0x8e: {  	s8 =	simm.s32 @!p2 $0x9000;
	(pc) =	sbr.rel @p0 .LBB2_10-.Ltmp3, $4  }
0x8f: {  	[tilespmem:s8], [sflag:$0x2] =	stream.indirect.gather @!p2 [hbm4b:s1+s6], $0x80, s6, s6, $0xb8;
	[tilespmem:$0x1F010] =	vst v63  }
0x90: {  	s9 =	simm.s32 @!p2 $0xD000;
	s8 =	simm.s32 @!p2 $0x100  }
0x91: {  	[tilespmem:s9], [sflag:$0x3] =	stream.indirect.gather @!p2 [hbm4b:s1+s6], $0x80, s8, s6, $0xb8;
	[tilespmem:$0x1F010] =	vst v63  }
0x92: {  	s6 =	simm.s32 $0x0  }
0x93: {  	s8 =	sadd.s32 $0xFFFFFFFF, s7  }
0x94: {  	p0 =	sne.s32 s8, $0x0  }
.Ltmp4:
0x95: {  	_ = 	snop;
	(pc) =	sbr.rel @!p0 .LBB2_5-.Ltmp4, $3  }
0x96: {  	_ =	sdelay $0x1  }
0x97: {  	p5 =	sle.s32 s4, $0x3  }
0x98: {  	s7 =	simm.s32 $0x6;
	p3 =	por $0x0, $0x0;
	p1 =	por @!p5 $0x1, $0x1  }
0x99: {  	p0 =	por p1, p5  }
0x9a: {  	s6 =	simm.s32 @!p0 $0x8  }
0x9b: {  	_ =	swait.ge @!p0 [sflag:s6], $0x4000  }
0x9c: {  	s7 =	simm.s32 @!p5 $0x11000;
	s9 =	simm.s32 @!p5 $0x180;
	[sflag:s6] =	ssyncset.done @!p0 $0x0  }
0x9d: {  	s10 =	simm.s32 @!p5 $0x80;
	[sflag:s6] =	ssyncadd.s32 @!p0 $0xFFFFC000;
	p0 =	sle.s32 s4, $0x4  }
0x9e: {  	[tilespmem:s7], [sflag:$0x4] =	stream.indirect.gather @!p5 [hbm4b:s1+s10], $0x80, s9, s10, $0xb8;
	[tilespmem:$0x1F010] =	vst v63  }
0x9f: {  	p1 =	por @!p0 $0x0, $0x0;
	_ =	swait.ge [sflag:s21], $0x4000  }
0xa0: {  	p1 =	por p1, p0;
	[sflag:s21] =	ssyncset.done $0x0  }
0xa1: {  	s15 =	simm.s32 $0x2800;
	s7 =	simm.s32 @!p1 $0x5;
	[sflag:s21] =	ssyncadd.s32 $0xFFFFC000  }
0xa2: {  	[spmem:s2] =	stream.indirect.scatter.add.f32 [tilespmem:s17], [sflag:$0x5], $0x80, s15, s22, $0xb8;
	[tilespmem:$0x1F010] =	vst v63  }
0xa3: {  	_ =	swait.ge @!p1 [sflag:s7], $0x4000  }
0xa4: {  	s6 =	simm.s32 @!p0 $0x200;
	[sflag:s7] =	ssyncset.done @!p1 $0x0  }
0xa5: {  	s9 =	simm.s32 @!p0 $0x5000;
	[sflag:s7] =	ssyncadd.s32 @!p1 $0xFFFFC000;
	s7 =	simm.s32 @!p0 $0x80  }
0xa6: {  	[tilespmem:s9], [sflag:$0x1] =	stream.indirect.gather @!p0 [hbm4b:s1+s7], $0x80, s6, s7, $0xb8;
	[tilespmem:$0x1F010] =	vst v63  }
0xa7: {  	p0 =	sle.s32 s4, $0x5  }
0xa8: {  	_ =	swait.ge [sflag:s23], $0x4000;
	p1 =	por @!p0 $0x0, $0x0  }
0xa9: {  	[sflag:s23] =	ssyncset.done $0x0;
	p1 =	por p1, p0  }
0xaa: {  	s19 =	simm.s32 $0x2880;
	[sflag:s23] =	ssyncadd.s32 $0xFFFFC000;
	s6 =	simm.s32 @!p1 $0x6  }
0xab: {  	[spmem:s2] =	stream.indirect.scatter.add.f32 [tilespmem:s26], [sflag:$0x6], $0x80, s19, s22, $0xb8;
	[tilespmem:$0x1F010] =	vst v63  }
0xac: {  	_ =	swait.ge @!p1 [sflag:s6], $0x4000  }
0xad: {  	s7 =	simm.s32 @!p0 $0x280;
	s9 =	simm.s32 @!p0 $0x80;
	[sflag:s6] =	ssyncset.done @!p1 $0x0  }
0xae: {  	s10 =	simm.s32 @!p0 $0x9000;
	[sflag:s6] =	ssyncadd.s32 @!p1 $0xFFFFC000;
	p1 =	sle.s32 s4, $0x6  }
0xaf: {  	[tilespmem:s10], [sflag:$0x2] =	stream.indirect.gather @!p0 [hbm4b:s1+s9], $0x80, s7, s9, $0xb8;
	[tilespmem:$0x1F010] =	vst v63  }
0xb0: {  	s20 =	simm.s32 $0x2900;
	p0 =	por @!p1 $0x0, $0x0;
	_ =	swait.ge [sflag:s28], $0x4000  }
0xb1: {  	p5 =	sle.s32 s4, $0x7;
	p3 =	por p0, p1;
	[sflag:s28] =	ssyncset.done $0x0  }
0xb2: {  	s10 =	sadd.s32 $0xFFFFFFFF, s8;
	s7 =	simm.s32 @!p3 $0x7;
	[sflag:s28] =	ssyncadd.s32 $0xFFFFC000  }
0xb3: {  	[spmem:s2] =	stream.indirect.scatter.add.f32 [tilespmem:s29], [sflag:$0x7], $0x80, s20, s22, $0xb8;
	[tilespmem:$0x1F010] =	vst v63  }
0xb4: {  	s9 =	simm.s32 $0x4;
	p0 =	sne.s32 s10, $0x0;
	_ =	swait.ge @!p3 [sflag:s7], $0x4000  }
.Ltmp5:
0xb5: {  	s6 =	simm.s32 @!p1 $0x300;
	[sflag:s7] =	ssyncset.done @!p3 $0x0;
	(pc) =	sbr.rel @!p0 .LBB2_7-.Ltmp5, $4  }
0xb6: {  	s8 =	simm.s32 @!p1 $0xD000;
	s11 =	simm.s32 @!p1 $0x80;
	[sflag:s7] =	ssyncadd.s32 @!p3 $0xFFFFC000  }
0xb7: {  	[tilespmem:s8], [sflag:$0x3] =	stream.indirect.gather @!p1 [hbm4b:s1+s11], $0x80, s6, s11, $0xb8;
	[tilespmem:$0x1F010] =	vst v63  }
0xb8: {  	s7 =	simm.s32 $0xA;
	p3 =	por $0x1, $0x1;
	s11 =	simm.s32 $0x0  }
0xb9: {  	p1 =	por @!p5 $0x0, $0x0;
	s6 =	simm.s32 $0x800;
	s8 =	simm.s32 $0x4  }
.LBB2_8:
0xba: {  	s10 =	sadd.s32 $0xFFFFFFFF, s10;
	p1 =	por p1, p5;
	_ =	swait.ge [sflag:s30], $0x4000  }
0xbb: {  	s11 =	sadd.s32 $0x2980, s11;
	s12 =	simm.s32 @!p1 $0x8;
	[sflag:s30] =	ssyncset.done $0x0  }
0xbc: {  	s13 =	sshra.s32 @!p5 s6, $0x2;
	p4 =	sne.s32 s10, $0x0;
	[sflag:s30] =	ssyncadd.s32 $0xFFFFC000  }
0xbd: {  	[spmem:s2] =	stream.indirect.scatter.add.f32 [tilespmem:s31], [sflag:$0x8], $0x80, s11, s22, $0xb8;
	[tilespmem:$0x1F010] =	vst v63  }
0xbe: {  	s19 =	simm.s32 @!p5 $0x11000;
	s9 =	sadd.s32 $0x4, s9;
	_ =	swait.ge @!p1 [sflag:s12], $0x4000  }
0xbf: {  	s20 =	simm.s32 @!p5 $0x80;
	s13 =	sadd.s32 @!p5 $0x180, s13;
	[sflag:s12] =	ssyncset.done @!p1 $0x0  }
0xc0: {  	p6 =	sge.s32 s9, s4;
	s11 =	sshra.s32 s6, $0x2;
	[sflag:s12] =	ssyncadd.s32 @!p1 $0xFFFFC000  }
0xc1: {  	[tilespmem:s19], [sflag:$0x4] =	stream.indirect.gather @!p5 [hbm4b:s1+s20], $0x80, s13, s20, $0xb8;
	[tilespmem:$0x1F010] =	vst v63  }
0xc2: {  	p0 =	slt.s32 @!p6 s8, $0x0;
	s12 =	sshra.s32 @!p6 s6, $0x2;
	_ =	swait.ge [sflag:s21], $0x4000  }
0xc3: {  	p0 =	por p0, p6;
	s13 =	sadd.s32 $0x2800, s11;
	[sflag:s21] =	ssyncset.done $0x0  }
0xc4: {  	s19 =	simm.s32 @!p0 $0x5;
	s12 =	sadd.s32 @!p6 $0x200, s12;
	[sflag:s21] =	ssyncadd.s32 $0xFFFFC000  }
0xc5: {  	[spmem:s2] =	stream.indirect.scatter.add.f32 [tilespmem:s17], [sflag:$0x5], $0x80, s13, s22, $0xb8;
	[tilespmem:$0x1F010] =	vst v63  }
0xc6: {  	s20 =	smov.u32 s8;
	s13 =	sadd.s32 $0x6, s9;
	_ =	swait.ge @!p0 [sflag:s19], $0x4000  }
0xc7: {  	s8 =	smov.u32 s9;
	s14 =	sadd.s32 $0x5, s20;
	[sflag:s19] =	ssyncset.done @!p0 $0x0  }
0xc8: {  	s15 =	simm.s32 @!p6 $0x5000;
	[sflag:s19] =	ssyncadd.s32 @!p0 $0xFFFFC000;
	s19 =	simm.s32 @!p6 $0x80  }
0xc9: {  	[tilespmem:s15], [sflag:$0x1] =	stream.indirect.gather @!p6 [hbm4b:s1+s19], $0x80, s12, s19, $0xb8;
	[tilespmem:$0x1F010] =	vst v63  }
0xca: {  	p1 =	sge.s32 s14, s4;
	_ =	swait.ge [sflag:s23], $0x4000  }
0xcb: {  	p0 =	slt.s32 @!p1 s20, $0x0;
	s12 =	sshra.s32 @!p1 s6, $0x2;
	[sflag:s23] =	ssyncset.done $0x0  }
0xcc: {  	s14 =	sadd.s32 $0x2880, s11;
	p0 =	por p0, p1;
	[sflag:s23] =	ssyncadd.s32 $0xFFFFC000  }
0xcd: {  	[spmem:s2] =	stream.indirect.scatter.add.f32 [tilespmem:s26], [sflag:$0x6], $0x80, s14, s22, $0xb8;
	[tilespmem:$0x1F010] =	vst v63  }
0xce: {  	s12 =	sadd.s32 @!p1 $0x280, s12;
	s14 =	simm.s32 @!p0 $0x6  }
0xcf: {  	_ =	swait.ge @!p0 [sflag:s14], $0x4000  }
0xd0: {  	s15 =	simm.s32 @!p1 $0x80;
	s19 =	simm.s32 @!p1 $0x9000;
	[sflag:s14] =	ssyncset.done @!p0 $0x0  }
0xd1: {  	p6 =	sge.s32 s7, s4;
	s7 =	smov.u32 s13;
	[sflag:s14] =	ssyncadd.s32 @!p0 $0xFFFFC000  }
0xd2: {  	[tilespmem:s19], [sflag:$0x2] =	stream.indirect.gather @!p1 [hbm4b:s1+s15], $0x80, s12, s15, $0xb8;
	[tilespmem:$0x1F010] =	vst v63  }
0xd3: {  	p0 =	slt.s32 @!p6 s20, $0x0;
	s12 =	sshra.s32 @!p6 s6, $0x2;
	_ =	swait.ge [sflag:s28], $0x4000  }
0xd4: {  	s13 =	sadd.s32 $0x2900, s11;
	p0 =	por p0, p6;
	[sflag:s28] =	ssyncset.done $0x0  }
0xd5: {  	s14 =	simm.s32 @!p0 $0x7;
	s12 =	sadd.s32 @!p6 $0x300, s12;
	[sflag:s28] =	ssyncadd.s32 $0xFFFFC000  }
0xd6: {  	[spmem:s2] =	stream.indirect.scatter.add.f32 [tilespmem:s29], [sflag:$0x7], $0x80, s13, s22, $0xb8;
	[tilespmem:$0x1F010] =	vst v63  }
.Ltmp6:
0xd7: {  	_ = 	snop;
	(pc) =	sbr.rel @p4 .LBB2_8-.Ltmp6, $4  }
0xd8: {  	s15 =	simm.s32 @!p6 $0xD000;
	s13 =	sadd.s32 $0x3, s9;
	_ =	swait.ge @!p0 [sflag:s14], $0x4000  }
0xd9: {  	p5 =	sge.s32 s13, s4;
	s13 =	simm.s32 @!p6 $0x80;
	[sflag:s14] =	ssyncset.done @!p0 $0x0  }
0xda: {  	s6 =	sadd.s32 $0x800, s6;
	p1 =	slt.s32 @!p5 s9, $0x1;
	[sflag:s14] =	ssyncadd.s32 @!p0 $0xFFFFC000  }
0xdb: {  	[tilespmem:s15], [sflag:$0x3] =	stream.indirect.gather @!p6 [hbm4b:s1+s13], $0x80, s12, s13, $0xb8;
	[tilespmem:$0x1F010] =	vst v63  }
.LBB2_9:
0xdc: {  	_ =	swait.ge @p3 [sflag:s30], $0x4000  }
0xdd: {  	p0 =	por p1, p5;
	[sflag:s30] =	ssyncset.done @p3 $0x0  }
0xde: {  	s11 =	sadd.s32 @p3 $0x2980, s11;
	s10 =	simm.s32 @!p0 $0x8;
	[sflag:s30] =	ssyncadd.s32 @p3 $0xFFFFC000  }
0xdf: {  	[spmem:s2] =	stream.indirect.scatter.add.f32 @p3 [tilespmem:s31], [sflag:$0x8], $0x80, s11, s22, $0xb8;
	[tilespmem:$0x1F010] =	vst v63  }
0xe0: {  	s12 =	simm.s32 @!p5 $0x11000;
	s9 =	sadd.s32 $0x4, s9;
	_ =	swait.ge @!p0 [sflag:s10], $0x4000  }
0xe1: {  	s13 =	simm.s32 @!p5 $0x80;
	s11 =	sshra.s32 @!p5 s6, $0x2;
	[sflag:s10] =	ssyncset.done @!p0 $0x0  }
0xe2: {  	p1 =	sge.s32 s9, s4;
	s11 =	sadd.s32 @!p5 $0x180, s11;
	[sflag:s10] =	ssyncadd.s32 @!p0 $0xFFFFC000  }
0xe3: {  	[tilespmem:s12], [sflag:$0x4] =	stream.indirect.gather @!p5 [hbm4b:s1+s13], $0x80, s11, s13, $0xb8;
	[tilespmem:$0x1F010] =	vst v63  }
0xe4: {  	p0 =	slt.s32 @!p1 s8, $0x0;
	_ =	swait.ge [sflag:s21], $0x4000  }
0xe5: {  	s20 =	sshra.s32 s6, $0x2;
	p0 =	por p0, p1;
	[sflag:s21] =	ssyncset.done $0x0  }
0xe6: {  	s13 =	sadd.s32 $0x2800, s20;
	s11 =	simm.s32 @!p0 $0x5;
	[sflag:s21] =	ssyncadd.s32 $0xFFFFC000  }
0xe7: {  	[spmem:s2] =	stream.indirect.scatter.add.f32 [tilespmem:s17], [sflag:$0x5], $0x80, s13, s22, $0xb8;
	[tilespmem:$0x1F010] =	vst v63  }
0xe8: {  	s10 =	sshra.s32 @!p1 s6, $0x2;
	_ =	swait.ge @!p0 [sflag:s11], $0x4000  }
0xe9: {  	s14 =	sadd.s32 $0x5, s8;
	s10 =	sadd.s32 @!p1 $0x200, s10;
	[sflag:s11] =	ssyncset.done @!p0 $0x0  }
0xea: {  	s13 =	simm.s32 @!p1 $0x5000;
	[sflag:s11] =	ssyncadd.s32 @!p0 $0xFFFFC000;
	s11 =	simm.s32 @!p1 $0x80  }
0xeb: {  	[tilespmem:s13], [sflag:$0x1] =	stream.indirect.gather @!p1 [hbm4b:s1+s11], $0x80, s10, s11, $0xb8;
	[tilespmem:$0x1F010] =	vst v63  }
0xec: {  	p1 =	sge.s32 s14, s4  }
0xed: {  	_ =	swait.ge [sflag:s23], $0x4000;
	p0 =	slt.s32 @!p1 s8, $0x0  }
0xee: {  	[sflag:s23] =	ssyncset.done $0x0;
	p0 =	por p0, p1  }
0xef: {  	s15 =	sadd.s32 $0x2880, s20;
	[sflag:s23] =	ssyncadd.s32 $0xFFFFC000;
	s10 =	simm.s32 @!p0 $0x6  }
0xf0: {  	[spmem:s2] =	stream.indirect.scatter.add.f32 [tilespmem:s26], [sflag:$0x6], $0x80, s15, s22, $0xb8;
	[tilespmem:$0x1F010] =	vst v63  }
0xf1: {  	s11 =	sshra.s32 @!p1 s6, $0x2;
	_ =	swait.ge @!p0 [sflag:s10], $0x4000  }
0xf2: {  	s12 =	simm.s32 @!p1 $0x80;
	s13 =	simm.s32 @!p1 $0x9000;
	[sflag:s10] =	ssyncset.done @!p0 $0x0  }
0xf3: {  	s11 =	sadd.s32 @!p1 $0x280, s11;
	[sflag:s10] =	ssyncadd.s32 @!p0 $0xFFFFC000;
	p0 =	sge.s32 s7, s4  }
0xf4: {  	[tilespmem:s13], [sflag:$0x2] =	stream.indirect.gather @!p1 [hbm4b:s1+s12], $0x80, s11, s12, $0xb8;
	[tilespmem:$0x1F010] =	vst v63  }
0xf5: {  	p1 =	slt.s32 @!p0 s8, $0x0;
	_ =	swait.ge [sflag:s28], $0x4000  }
0xf6: {  	p1 =	por p1, p0;
	[sflag:s28] =	ssyncset.done $0x0  }
0xf7: {  	s19 =	sadd.s32 $0x2900, s20;
	s7 =	simm.s32 @!p1 $0x7;
	[sflag:s28] =	ssyncadd.s32 $0xFFFFC000  }
0xf8: {  	[spmem:s2] =	stream.indirect.scatter.add.f32 [tilespmem:s29], [sflag:$0x7], $0x80, s19, s22, $0xb8;
	[tilespmem:$0x1F010] =	vst v63  }
0xf9: {  	_ =	swait.ge @!p1 [sflag:s7], $0x4000  }
0xfa: {  	s4 =	sshra.s32 @!p0 s6, $0x2;
	s6 =	simm.s32 @!p0 $0xD000;
	[sflag:s7] =	ssyncset.done @!p1 $0x0  }
0xfb: {  	s8 =	simm.s32 @!p0 $0x80;
	s4 =	sadd.s32 @!p0 $0x300, s4;
	[sflag:s7] =	ssyncadd.s32 @!p1 $0xFFFFC000  }
0xfc: {  	[tilespmem:s6], [sflag:$0x3] =	stream.indirect.gather @!p0 [hbm4b:s1+s8], $0x80, s4, s8, $0xb8;
	[tilespmem:$0x1F010] =	vst v63  }
0xfd: {  	_ =	swait.ge [sflag:s30], $0x4000  }
0xfe: {  	[sflag:s30] =	ssyncset.done $0x0  }
0xff: {  	s20 =	sadd.s32 $0x2980, s20;
	[sflag:s30] =	ssyncadd.s32 $0xFFFFC000  }
0x100: {  	[spmem:s2] =	stream.indirect.scatter.add.f32 [tilespmem:s31], [sflag:$0x8], $0x80, s20, s22, $0xb8;
	[tilespmem:$0x1F010] =	vst v63  }
.LBB2_10:
0x101: {  	s4 =	simm.s32 @!p2 $0x5  }
0x102: {  	_ =	swait.ge @!p2 [sflag:s4], $0x4000  }
0x103: {  	[sflag:s4] =	ssyncset.done @!p2 $0x0  }
0x104: {  	[sflag:s4] =	ssyncadd.s32 @!p2 $0xFFFFC000;
	s4 =	simm.s32 @!p2 $0x6  }
0x105: {  	_ =	swait.ge @!p2 [sflag:s4], $0x4000  }
0x106: {  	[sflag:s4] =	ssyncset.done @!p2 $0x0  }
0x107: {  	[sflag:s4] =	ssyncadd.s32 @!p2 $0xFFFFC000;
	s4 =	simm.s32 @!p2 $0x7  }
0x108: {  	_ =	swait.ge @!p2 [sflag:s4], $0x4000  }
0x109: {  	[sflag:s4] =	ssyncset.done @!p2 $0x0  }
0x10a: {  	[sflag:s4] =	ssyncadd.s32 @!p2 $0xFFFFC000;
	s4 =	simm.s32 @!p2 $0x8  }
0x10b: {  	_ =	swait.ge @!p2 [sflag:s4], $0x4000  }
0x10c: {  	[sflag:s4] =	ssyncset.done @!p2 $0x0  }
0x10d: {  	s14 =	rddreg [dreg:$0x9];
	[sflag:s4] =	ssyncadd.s32 @!p2 $0xFFFFC000  }
0x10e: {  	[tilespmem:s3], [sflag:$0x9] =	stream.linear.gather [hbm4b:s14+s3], $0x2800, $0x38;
	[tilespmem:$0x1F010] =	vst v63  }
0x10f: {  	_ =	swait.ge [sflag:s18], $0x2800  }
0x110: {  	[sflag:s18] =	ssyncset.done $0x0  }
0x111: {  	s6 =	simm.s32 $0x2800;
	s15 =	rddreg [dreg:$0xa];
	[sflag:s18] =	ssyncadd.s32 $0xFFFFD800  }
0x112: {  	[tilespmem:s6], [sflag:$0x9] =	stream.linear.gather [hbm4b:s15+s3], $0x2800, $0x38;
	[tilespmem:$0x1F010] =	vst v63  }
0x113: {  	_ =	swait.ge [sflag:s18], $0x2800  }
0x114: {  	[sflag:s18] =	ssyncset.done $0x0  }
0x115: {  	s20 =	simm.s32 $0x15000;
	s19 =	rddreg [dreg:$0xb];
	[sflag:s18] =	ssyncadd.s32 $0xFFFFD800  }
0x116: {  	[tilespmem:s20], [sflag:$0x9] =	stream.linear.gather [hbm4b:s19+s3], $0x10, $0x38;
	[tilespmem:$0x1F010] =	vst v63  }
0x117: {  	_ =	swait.ge [sflag:s18], $0x10  }
0x118: {  	[sflag:s18] =	ssyncset.done $0x0  }
0x119: {  	[sflag:s18] =	ssyncadd.s32 $0xFFFFFFF0  }
0x11a: {  	v1 =	vld [tilespmem:$0x15000];
	_ =	sdelay $0x4  }
0x11b: {  	(v2sf) =	vpush v1, $0x0;
	_ =	sdelay $0xe  }
0x11c: {  	s7 =	spop (v2sf)  }
0x11d: {  	s4 =	sshll.u32 s7, $0x2  }
0x11e: {  	p0 =	slt.s32 s7, $0x1;
	p2 =	slt.s32 s4, $0x1  }
0x11f: {  	s6 =	simm.s32 @!p2 $0x80;
	s8 =	simm.s32 @!p2 $0x0;
	s9 =	simm.s32 @!p2 $0x5000  }
0x120: {  	[tilespmem:s9], [sflag:$0x1] =	stream.indirect.gather @!p2 [hbm4b:s1+s6], $0x80, s8, s6, $0xb8;
	[tilespmem:$0x1F010] =	vst v63  }
.Ltmp7:
0x121: {  	s8 =	simm.s32 @!p2 $0x9000;
	(pc) =	sbr.rel @p0 .LBB2_17-.Ltmp7, $4  }
0x122: {  	[tilespmem:s8], [sflag:$0x2] =	stream.indirect.gather @!p2 [hbm4b:s1+s6], $0x80, s6, s6, $0xb8;
	[tilespmem:$0x1F010] =	vst v63  }
0x123: {  	s9 =	simm.s32 @!p2 $0xD000;
	s8 =	simm.s32 @!p2 $0x100  }
0x124: {  	[tilespmem:s9], [sflag:$0x3] =	stream.indirect.gather @!p2 [hbm4b:s1+s6], $0x80, s8, s6, $0xb8;
	[tilespmem:$0x1F010] =	vst v63  }
0x125: {  	s6 =	simm.s32 $0x0  }
0x126: {  	s8 =	sadd.s32 $0xFFFFFFFF, s7  }
0x127: {  	p0 =	sne.s32 s8, $0x0  }
.Ltmp8:
0x128: {  	_ = 	snop;
	(pc) =	sbr.rel @!p0 .LBB2_12-.Ltmp8, $3  }
0x129: {  	_ =	sdelay $0x1  }
0x12a: {  	p5 =	sle.s32 s4, $0x3  }
0x12b: {  	s7 =	simm.s32 $0x6;
	p3 =	por $0x0, $0x0;
	p1 =	por @!p5 $0x1, $0x1  }
0x12c: {  	p0 =	por p1, p5  }
0x12d: {  	s6 =	simm.s32 @!p0 $0x8  }
0x12e: {  	_ =	swait.ge @!p0 [sflag:s6], $0x4000  }
0x12f: {  	s7 =	simm.s32 @!p5 $0x11000;
	s9 =	simm.s32 @!p5 $0x180;
	[sflag:s6] =	ssyncset.done @!p0 $0x0  }
0x130: {  	s10 =	simm.s32 @!p5 $0x80;
	[sflag:s6] =	ssyncadd.s32 @!p0 $0xFFFFC000;
	p0 =	sle.s32 s4, $0x4  }
0x131: {  	[tilespmem:s7], [sflag:$0x4] =	stream.indirect.gather @!p5 [hbm4b:s1+s10], $0x80, s9, s10, $0xb8;
	[tilespmem:$0x1F010] =	vst v63  }
0x132: {  	p1 =	por @!p0 $0x0, $0x0;
	_ =	swait.ge [sflag:s21], $0x4000  }
0x133: {  	p1 =	por p1, p0;
	[sflag:s21] =	ssyncset.done $0x0  }
0x134: {  	s15 =	simm.s32 $0x2800;
	s7 =	simm.s32 @!p1 $0x5;
	[sflag:s21] =	ssyncadd.s32 $0xFFFFC000  }
0x135: {  	[spmem:s2] =	stream.indirect.scatter.add.f32 [tilespmem:s17], [sflag:$0x5], $0x80, s15, s22, $0xb8;
	[tilespmem:$0x1F010] =	vst v63  }
0x136: {  	_ =	swait.ge @!p1 [sflag:s7], $0x4000  }
0x137: {  	s6 =	simm.s32 @!p0 $0x200;
	[sflag:s7] =	ssyncset.done @!p1 $0x0  }
0x138: {  	s9 =	simm.s32 @!p0 $0x5000;
	[sflag:s7] =	ssyncadd.s32 @!p1 $0xFFFFC000;
	s7 =	simm.s32 @!p0 $0x80  }
0x139: {  	[tilespmem:s9], [sflag:$0x1] =	stream.indirect.gather @!p0 [hbm4b:s1+s7], $0x80, s6, s7, $0xb8;
	[tilespmem:$0x1F010] =	vst v63  }
0x13a: {  	p0 =	sle.s32 s4, $0x5  }
0x13b: {  	_ =	swait.ge [sflag:s23], $0x4000;
	p1 =	por @!p0 $0x0, $0x0  }
0x13c: {  	[sflag:s23] =	ssyncset.done $0x0;
	p1 =	por p1, p0  }
0x13d: {  	s19 =	simm.s32 $0x2880;
	[sflag:s23] =	ssyncadd.s32 $0xFFFFC000;
	s6 =	simm.s32 @!p1 $0x6  }
0x13e: {  	[spmem:s2] =	stream.indirect.scatter.add.f32 [tilespmem:s26], [sflag:$0x6], $0x80, s19, s22, $0xb8;
	[tilespmem:$0x1F010] =	vst v63  }
0x13f: {  	_ =	swait.ge @!p1 [sflag:s6], $0x4000  }
0x140: {  	s7 =	simm.s32 @!p0 $0x280;
	s9 =	simm.s32 @!p0 $0x80;
	[sflag:s6] =	ssyncset.done @!p1 $0x0  }
0x141: {  	s10 =	simm.s32 @!p0 $0x9000;
	[sflag:s6] =	ssyncadd.s32 @!p1 $0xFFFFC000;
	p1 =	sle.s32 s4, $0x6  }
0x142: {  	[tilespmem:s10], [sflag:$0x2] =	stream.indirect.gather @!p0 [hbm4b:s1+s9], $0x80, s7, s9, $0xb8;
	[tilespmem:$0x1F010] =	vst v63  }
0x143: {  	s20 =	simm.s32 $0x2900;
	p0 =	por @!p1 $0x0, $0x0;
	_ =	swait.ge [sflag:s28], $0x4000  }
0x144: {  	p5 =	sle.s32 s4, $0x7;
	p3 =	por p0, p1;
	[sflag:s28] =	ssyncset.done $0x0  }
0x145: {  	s10 =	sadd.s32 $0xFFFFFFFF, s8;
	s7 =	simm.s32 @!p3 $0x7;
	[sflag:s28] =	ssyncadd.s32 $0xFFFFC000  }
0x146: {  	[spmem:s2] =	stream.indirect.scatter.add.f32 [tilespmem:s29], [sflag:$0x7], $0x80, s20, s22, $0xb8;
	[tilespmem:$0x1F010] =	vst v63  }
0x147: {  	s9 =	simm.s32 $0x4;
	p0 =	sne.s32 s10, $0x0;
	_ =	swait.ge @!p3 [sflag:s7], $0x4000  }
.Ltmp9:
0x148: {  	s6 =	simm.s32 @!p1 $0x300;
	[sflag:s7] =	ssyncset.done @!p3 $0x0;
	(pc) =	sbr.rel @!p0 .LBB2_14-.Ltmp9, $4  }
0x149: {  	s8 =	simm.s32 @!p1 $0xD000;
	s11 =	simm.s32 @!p1 $0x80;
	[sflag:s7] =	ssyncadd.s32 @!p3 $0xFFFFC000  }
0x14a: {  	[tilespmem:s8], [sflag:$0x3] =	stream.indirect.gather @!p1 [hbm4b:s1+s11], $0x80, s6, s11, $0xb8;
	[tilespmem:$0x1F010] =	vst v63  }
0x14b: {  	s7 =	simm.s32 $0xA;
	p3 =	por $0x1, $0x1;
	s11 =	simm.s32 $0x0  }
0x14c: {  	p1 =	por @!p5 $0x0, $0x0;
	s6 =	simm.s32 $0x800;
	s8 =	simm.s32 $0x4  }
.LBB2_15:
0x14d: {  	s10 =	sadd.s32 $0xFFFFFFFF, s10;
	p1 =	por p1, p5;
	_ =	swait.ge [sflag:s30], $0x4000  }
0x14e: {  	s11 =	sadd.s32 $0x2980, s11;
	s12 =	simm.s32 @!p1 $0x8;
	[sflag:s30] =	ssyncset.done $0x0  }
0x14f: {  	s13 =	sshra.s32 @!p5 s6, $0x2;
	p4 =	sne.s32 s10, $0x0;
	[sflag:s30] =	ssyncadd.s32 $0xFFFFC000  }
0x150: {  	[spmem:s2] =	stream.indirect.scatter.add.f32 [tilespmem:s31], [sflag:$0x8], $0x80, s11, s22, $0xb8;
	[tilespmem:$0x1F010] =	vst v63  }
0x151: {  	s14 =	simm.s32 @!p5 $0x11000;
	s9 =	sadd.s32 $0x4, s9;
	_ =	swait.ge @!p1 [sflag:s12], $0x4000  }
0x152: {  	s15 =	simm.s32 @!p5 $0x80;
	s13 =	sadd.s32 @!p5 $0x180, s13;
	[sflag:s12] =	ssyncset.done @!p1 $0x0  }
0x153: {  	p6 =	sge.s32 s9, s4;
	s11 =	sshra.s32 s6, $0x2;
	[sflag:s12] =	ssyncadd.s32 @!p1 $0xFFFFC000  }
0x154: {  	[tilespmem:s14], [sflag:$0x4] =	stream.indirect.gather @!p5 [hbm4b:s1+s15], $0x80, s13, s15, $0xb8;
	[tilespmem:$0x1F010] =	vst v63  }
0x155: {  	p0 =	slt.s32 @!p6 s8, $0x0;
	s12 =	sshra.s32 @!p6 s6, $0x2;
	_ =	swait.ge [sflag:s21], $0x4000  }
0x156: {  	p0 =	por p0, p6;
	s13 =	sadd.s32 $0x2800, s11;
	[sflag:s21] =	ssyncset.done $0x0  }
0x157: {  	s14 =	simm.s32 @!p0 $0x5;
	s12 =	sadd.s32 @!p6 $0x200, s12;
	[sflag:s21] =	ssyncadd.s32 $0xFFFFC000  }
0x158: {  	[spmem:s2] =	stream.indirect.scatter.add.f32 [tilespmem:s17], [sflag:$0x5], $0x80, s13, s22, $0xb8;
	[tilespmem:$0x1F010] =	vst v63  }
0x159: {  	s15 =	smov.u32 s8;
	s13 =	sadd.s32 $0x6, s9;
	_ =	swait.ge @!p0 [sflag:s14], $0x4000  }
0x15a: {  	s8 =	smov.u32 s9;
	s19 =	sadd.s32 $0x5, s15;
	[sflag:s14] =	ssyncset.done @!p0 $0x0  }
0x15b: {  	s20 =	simm.s32 @!p6 $0x5000;
	[sflag:s14] =	ssyncadd.s32 @!p0 $0xFFFFC000;
	s14 =	simm.s32 @!p6 $0x80  }
0x15c: {  	[tilespmem:s20], [sflag:$0x1] =	stream.indirect.gather @!p6 [hbm4b:s1+s14], $0x80, s12, s14, $0xb8;
	[tilespmem:$0x1F010] =	vst v63  }
0x15d: {  	p1 =	sge.s32 s19, s4;
	_ =	swait.ge [sflag:s23], $0x4000  }
0x15e: {  	p0 =	slt.s32 @!p1 s15, $0x0;
	s12 =	sshra.s32 @!p1 s6, $0x2;
	[sflag:s23] =	ssyncset.done $0x0  }
0x15f: {  	s14 =	sadd.s32 $0x2880, s11;
	p0 =	por p0, p1;
	[sflag:s23] =	ssyncadd.s32 $0xFFFFC000  }
0x160: {  	[spmem:s2] =	stream.indirect.scatter.add.f32 [tilespmem:s26], [sflag:$0x6], $0x80, s14, s22, $0xb8;
	[tilespmem:$0x1F010] =	vst v63  }
0x161: {  	s12 =	sadd.s32 @!p1 $0x280, s12;
	s14 =	simm.s32 @!p0 $0x6  }
0x162: {  	_ =	swait.ge @!p0 [sflag:s14], $0x4000  }
0x163: {  	s19 =	simm.s32 @!p1 $0x80;
	s20 =	simm.s32 @!p1 $0x9000;
	[sflag:s14] =	ssyncset.done @!p0 $0x0  }
0x164: {  	p6 =	sge.s32 s7, s4;
	s7 =	smov.u32 s13;
	[sflag:s14] =	ssyncadd.s32 @!p0 $0xFFFFC000  }
0x165: {  	[tilespmem:s20], [sflag:$0x2] =	stream.indirect.gather @!p1 [hbm4b:s1+s19], $0x80, s12, s19, $0xb8;
	[tilespmem:$0x1F010] =	vst v63  }
0x166: {  	p0 =	slt.s32 @!p6 s15, $0x0;
	s12 =	sshra.s32 @!p6 s6, $0x2;
	_ =	swait.ge [sflag:s28], $0x4000  }
0x167: {  	s13 =	sadd.s32 $0x2900, s11;
	p0 =	por p0, p6;
	[sflag:s28] =	ssyncset.done $0x0  }
0x168: {  	s14 =	simm.s32 @!p0 $0x7;
	s12 =	sadd.s32 @!p6 $0x300, s12;
	[sflag:s28] =	ssyncadd.s32 $0xFFFFC000  }
0x169: {  	[spmem:s2] =	stream.indirect.scatter.add.f32 [tilespmem:s29], [sflag:$0x7], $0x80, s13, s22, $0xb8;
	[tilespmem:$0x1F010] =	vst v63  }
.Ltmp10:
0x16a: {  	_ = 	snop;
	(pc) =	sbr.rel @p4 .LBB2_15-.Ltmp10, $4  }
0x16b: {  	s15 =	simm.s32 @!p6 $0xD000;
	s13 =	sadd.s32 $0x3, s9;
	_ =	swait.ge @!p0 [sflag:s14], $0x4000  }
0x16c: {  	p5 =	sge.s32 s13, s4;
	s13 =	simm.s32 @!p6 $0x80;
	[sflag:s14] =	ssyncset.done @!p0 $0x0  }
0x16d: {  	s6 =	sadd.s32 $0x800, s6;
	p1 =	slt.s32 @!p5 s9, $0x1;
	[sflag:s14] =	ssyncadd.s32 @!p0 $0xFFFFC000  }
0x16e: {  	[tilespmem:s15], [sflag:$0x3] =	stream.indirect.gather @!p6 [hbm4b:s1+s13], $0x80, s12, s13, $0xb8;
	[tilespmem:$0x1F010] =	vst v63  }
.Ltmp11:
0x16f: {  	_ = 	snop;
	(pc) =	sbr.rel .LBB2_16-.Ltmp11, $1  }
0x170: {  	_ =	sdelay $0x3  }
.LBB2_5:
.Ltmp12:
0x171: {  	(pc) =	sbr.rel .LBB2_9-.Ltmp12, $2  }
0x172: {  	_ =	sdelay $0x2  }
0x173: {  	s9 =	simm.s32 $0x0;
	s8 =	simm.s32 $0x0  }
.LBB2_7:
.Ltmp13:
0x174: {  	(pc) =	sbr.rel .LBB2_9-.Ltmp13, $2  }
0x175: {  	_ =	sdelay $0x2  }
0x176: {  	s8 =	simm.s32 $0x4  }
.LBB2_14:
.Ltmp14:
0x177: {  	(pc) =	sbr.rel .LBB2_16-.Ltmp14, $2  }
0x178: {  	_ =	sdelay $0x2  }
0x179: {  	s8 =	simm.s32 $0x4  }
.LBB2_18:
0x17a: {  	_ =	sfence.sel $0x180000  }
0x17b: {  	[bflag:$0x0] =	sbarrier.arrive $0xFFFF  }
0x17c: {  	_ =	strace $0x9000004A  }
0x17d: {  	s0 =	stileid.u32;
	[bflag:$0x2] =	sbarrier.arrive $0xFFFF  }
0x17e: {  	p0 =	sne.s32 s0, $0x0;
	s0 =	rddreg [dreg:$0x3]  }
0x17f: {  	s0 =	sadd.s32 @!p0 $0x100000, s0  }
0x180: {  	[sflag:s0] =	ssyncadd.tile.s32 @!p0 $0x1;
	_ =	shalt  }
.Lfunc_end2:
_tile_overlayer_lowered:
.L_overlay_start_2:
0x181: {  	(tag) =	ssettag $0x2  }
0x182: {  	s0 =	rddreg [dreg:$0x0];
	s2 =	stileid.u32  }
0x183: {  	s1 =	rddreg [dreg:$0x1];
	p0 =	sne.s32 s2, $0x0  }
0x184: {  	s3 =	rddreg [dreg:$0x2];
	[bflag:$0x3] =	sbarrier.arrive $0xFFFF;
	s2 =	simm.s32 @!p0 $0x1C09  }
0x185: {  	[timem:s3], [sflag:s2] =	dma.local @!p0 [hbm:s0], s1  }
0x186: {  	s0 =	simm.s32 @!p0 $0x9  }
0x187: {  	_ =	swait.ge @!p0 [sflag:s0], s1  }
0x188: {  	s1 =	ssub.s32 @!p0 $0x0, s1;
	[sflag:s0] =	ssyncset.done @!p0 $0x0  }
0x189: {  	[sflag:s0] =	ssyncadd.s32 @!p0 s1  }
0x18a: {  	[bflag:$0x3] =	sbarrier.arrive $0xFFFF  }
0x18b: {  	_ =	shalt  }

</sc_bundles>
